<compile_context>
chip_gen: v7x
topology: tpu7x:2x2x1
jax: 0.10.2.dev20260603
libtpu: 0.0.44.dev20260713+nightly
codegen_flags: <defaults>
</compile_context>

<pallas_src>
import functools
import random as _random

import jax
import jax.numpy as jnp
from jax import lax
from jax.experimental import pallas as pl
from jax.experimental.pallas import tpu as pltpu
from jax.experimental.pallas import tpu_sc as plsc

_R = 8
_NUM_BUCKETS = 50
_E_PARAM = 1


def _selected_buckets(num_buckets):
    rng = _random.Random(0)
    return set(rng.sample(range(num_buckets), min(_E_PARAM, num_buckets)))


def _normalize_body(gate_ref, metric_ref, norm_ref, mn_ref):
    x = metric_ref[0]
    n = norm_ref[0]
    mn_ref[0] = (x / jnp.maximum(n, 1e-12)) * gate_ref[0]


def _normalize_call(gate, metric, norm):
    b, t, f = metric.shape
    return pl.pallas_call(
        _normalize_body,
        grid=(b,),
        in_specs=[
            pl.BlockSpec(memory_space=pltpu.SMEM),
            pl.BlockSpec((1, t, f), lambda i: (i, 0, 0)),
            pl.BlockSpec((1, t, 1), lambda i: (i, 0, 0)),
        ],
        out_specs=pl.BlockSpec((1, t, f), lambda i: (i, 0, 0)),
        out_shape=jax.ShapeDtypeStruct((b, t, f), jnp.float32),
    )(gate, metric, norm)


def _hash_body(mn_ref, proj_ref, key_ref):
    mm = lax.dot_general(proj_ref[...], mn_ref[0], (((1,), (1,)), ((), ())),
                         preferred_element_type=jnp.float32)
    key_ref[0, 0] = jnp.sum((mm > 0).astype(jnp.float32), axis=1)


def _hash_call(mn, projections, hb):
    b, t, f = mn.shape
    h = projections.shape[0]
    return pl.pallas_call(
        _hash_body,
        grid=(b, h // hb),
        in_specs=[
            pl.BlockSpec((1, t, f), lambda i, j: (i, 0, 0)),
            pl.BlockSpec((hb, f), lambda i, j: (j, 0)),
        ],
        out_specs=pl.BlockSpec((1, 1, hb), lambda i, j: (i, 0, j)),
        out_shape=jax.ShapeDtypeStruct((b, 1, h), jnp.float32),
    )(mn, projections)


def _rank_body(ib, t, key_full_ref, key_blk_ref, rank_ref):
    i0 = pl.program_id(1) * ib
    kf = key_full_ref[0, 0, :][None, :]
    kb = key_blk_ref[0, 0, :][:, None]
    jt = lax.broadcasted_iota(jnp.int32, (ib, t), 1)
    it = lax.broadcasted_iota(jnp.int32, (ib, t), 0) + i0
    lt = (kf < kb).astype(jnp.int32)
    eq = ((kf == kb) & (jt < it)).astype(jnp.int32)
    rank_ref[0, 0, :] = jnp.sum(lt + eq, axis=1)


def _rank_call(key, ib):
    b, _, t = key.shape
    return pl.pallas_call(
        functools.partial(_rank_body, ib, t),
        grid=(b, t // ib),
        in_specs=[
            pl.BlockSpec((1, 1, t), lambda i, j: (i, 0, 0)),
            pl.BlockSpec((1, 1, ib), lambda i, j: (i, 0, j)),
        ],
        out_specs=pl.BlockSpec((1, 1, ib), lambda i, j: (i, 0, j)),
        out_shape=jax.ShapeDtypeStruct((b, 1, t), jnp.int32),
    )(key, key)


def _invert_body(ib, t, s0, rank_ref, g1_ref, g2_ref):
    boff = pl.program_id(0) * t
    p0 = pl.program_id(1) * ib
    rj = rank_ref[0, 0, :][None, :]
    pt = lax.broadcasted_iota(jnp.int32, (ib, t), 0) + p0
    tj = lax.broadcasted_iota(jnp.int32, (ib, t), 1)
    g1_ref[0, 0, :] = jnp.sum(jnp.where(rj == pt, tj, 0), axis=1) + boff
    qt = pt + jnp.where(pt > s0, _R - 1, 0)
    g2_ref[0, 0, :] = jnp.sum(jnp.where(rj == qt, tj, 0), axis=1) + boff


def _invert_call(rank, ib, s0):
    b, _, t = rank.shape
    return pl.pallas_call(
        functools.partial(_invert_body, ib, t, s0),
        grid=(b, t // ib),
        in_specs=[pl.BlockSpec((1, 1, t), lambda i, j: (i, 0, 0))],
        out_specs=[pl.BlockSpec((1, 1, ib), lambda i, j: (i, 0, j)),
                   pl.BlockSpec((1, 1, ib), lambda i, j: (i, 0, j))],
        out_shape=[jax.ShapeDtypeStruct((b, 1, t), jnp.int32),
                   jax.ShapeDtypeStruct((b, 1, t), jnp.int32)],
    )(rank)


def _sc_gather2(table, idx1, idx2, b, t, tm):
    d = table.shape[1]
    ch = idx1.shape[1]
    k1 = idx1.shape[0]
    k2 = idx2.shape[0]
    info = plsc.get_sparse_core_info()
    nw = info.num_cores * info.num_subcores
    nc = info.num_cores
    hw = nw // 2
    n_ch = k1 // hw
    cpb = t // ch
    interior = (tm // ch) * ch
    mesh = plsc.VectorSubcoreMesh(core_axis_name="c", subcore_axis_name="s")

    @functools.partial(
        pl.kernel, mesh=mesh,
        out_type=[jax.ShapeDtypeStruct((b * t, d), jnp.float32),
                  jax.ShapeDtypeStruct((b, tm, d), jnp.float32)],
        scratch_types=[
            pltpu.VMEM((n_ch, ch), jnp.int32),
            pltpu.VMEM((ch, d), jnp.float32),
            pltpu.VMEM((ch, d), jnp.float32),
            pltpu.SemaphoreType.DMA,
            pltpu.SemaphoreType.DMA,
        ],
    )
    def gk(table_hbm, idx1_hbm, idx2_hbm, out1_hbm, out2_hbm,
           idx_v, rows0, rows1, sem0, sem1):
        wid = lax.axis_index("s") * nc + lax.axis_index("c")
        first = wid < hw
        kbase = jnp.where(first, wid, wid - hw) * n_ch

        @pl.when(first)
        def _():
            pltpu.sync_copy(idx1_hbm.at[pl.ds(wid * n_ch, n_ch)], idx_v)

        @pl.when(~first)
        def _():
            pltpu.sync_copy(idx2_hbm.at[pl.ds((wid - hw) * n_ch, n_ch)],
                            idx_v)

        bufs = (rows0, rows1)
        sems = (sem0, sem1)
        cps = {}

        def start(c):
            cps[c] = pltpu.async_copy(table_hbm.at[idx_v.at[c]],
                                      bufs[c % 2], sems[c % 2])

        start(0)
        for c in range(n_ch):
            if c + 1 < n_ch:
                start(c + 1)
            cps[c].wait()
            rows = bufs[c % 2]
            k = kbase + c

            @pl.when(first)
            def _():
                pltpu.sync_copy(rows, out1_hbm.at[pl.ds(k * ch, ch)])

            bb = k // cpb
            r0 = (k - bb * cpb) * ch

            @pl.when((~first) & (r0 < interior))
            def _():
                pltpu.sync_copy(rows, out2_hbm.at[bb, pl.ds(r0, ch)])

    return gk(table, idx1, idx2)


def _merge_body(bs, f, mean_row, shift, bucket_ref, merged_in_ref,
                sorted_ref, out_ref):
    x = bucket_ref[0]
    n = jnp.sqrt(jnp.sum(x * x, axis=1, keepdims=True))
    nb = x / jnp.maximum(n, 1e-12)
    sim = lax.dot_general(nb, nb, (((1,), (1,)), ((), ())),
                          preferred_element_type=jnp.float32)
    ii = lax.broadcasted_iota(jnp.int32, (bs, bs), 0)
    jj = lax.broadcasted_iota(jnp.int32, (bs, bs), 1)
    scores = jnp.max(jnp.where(jj > ii, sim, 0.0), axis=1, keepdims=True)
    iota_i = lax.broadcasted_iota(jnp.int32, (bs, 1), 0)
    acc = jnp.zeros((1, f), jnp.float32)
    sc = scores
    for _ in range(_R):
        m = jnp.max(sc)
        idxv = jnp.min(jnp.where(sc == m, iota_i, bs))
        sel = (iota_i == idxv)
        acc = acc + jnp.sum(jnp.where(sel, x, 0.0), axis=0, keepdims=True)
        sc = jnp.where(sel, -jnp.inf, sc)
    row = lax.broadcasted_iota(jnp.int32, (64, 1), 0)
    with_mean = jnp.where(row == mean_row, acc / float(_R), merged_in_ref[0])
    srt = sorted_ref[0]
    tail = jnp.concatenate([srt[shift:], srt[:shift]], axis=0)
    j = pl.program_id(1)
    out_ref[0] = jnp.where(j == 0, with_mean, tail)


def _merge_call(bucket, merged, sorted_metric, s0):
    b, bs, f = bucket.shape
    tm = merged.shape[1]
    mean_blk = s0 // 64
    tail_blk = tm // 64
    return pl.pallas_call(
        functools.partial(_merge_body, bs, f, s0 % 64, _R - 1),
        grid=(b, 2),
        in_specs=[
            pl.BlockSpec((1, bs, f), lambda i, j: (i, 0, 0)),
            pl.BlockSpec((1, 64, f),
                         lambda i, j: (i, mean_blk + (tail_blk - mean_blk) * j,
                                       0)),
            pl.BlockSpec((1, 64, f), lambda i, j: (i, tail_blk, 0)),
        ],
        out_specs=pl.BlockSpec(
            (1, 64, f),
            lambda i, j: (i, mean_blk + (tail_blk - mean_blk) * j, 0)),
        out_shape=jax.ShapeDtypeStruct((b, tm, f), jnp.float32),
        input_output_aliases={1: 0},
    )(bucket, merged, sorted_metric)


def kernel(metric, projections, r):
    b, t, f = metric.shape
    gate = (jnp.minimum(r, t // 2) > 0).astype(jnp.float32).reshape(1)
    norm = jnp.linalg.norm(metric, ord=2, axis=-1, keepdims=True)
    mn = _normalize_call(gate, metric, norm)
    key = _hash_call(mn, projections, hb=1024)
    rank = _rank_call(key, ib=512)

    bs = (t + _NUM_BUCKETS - 1) // _NUM_BUCKETS
    sel = sorted(_selected_buckets(-(-t // bs)))[0]
    s0 = sel * bs
    tm = t - _R + 1

    g1, g2 = _invert_call(rank, ib=512, s0=s0)
    ch = 32
    out1, merged0 = _sc_gather2(mn.reshape(b * t, f),
                                g1.reshape(-1, ch), g2.reshape(-1, ch),
                                b, t, tm)
    sorted_metric = out1.reshape(b, t, f)

    bucket = lax.slice(sorted_metric, (0, s0, 0), (b, s0 + bs, f))
    merged_tokens = _merge_call(bucket, merged0, sorted_metric, s0)
    return merged_tokens, sorted_metric

# --- scband reference (transcript-rebuilt; emitter-appended) ---
"""Pipeline reference for scband-lsmerger-34084860461066 (READ-ONLY COPY).

The authoritative reference and input builder live on the scoring server;
editing this copy changes nothing except your own understanding.
"""

import math
import random
import jax, jax.numpy as jnp
import numpy as np

R = 8
NUM_BUCKETS = 50
E_PARAM = 1

def _l2norm(x):
    n = jnp.linalg.norm(x, ord=2, axis=-1, keepdims=True)
    return x / jnp.maximum(n, 1e-12)

def setup_inputs(seed: int = 0):
    key = jax.random.key(seed)
    k1, k2 = jax.random.split(key)
    metric = jax.random.normal(k1, (4, 2048, 1024), dtype=jnp.float32)
    projections = jax.random.normal(k2, (2048, 1024), dtype=jnp.float32)
    return {"metric": metric, "projections": projections, "r": 8}

def _forward(metric, projections, r):
    b, t, f = metric.shape
    if t // 2 <= 0:
        return metric, metric
    gate = (jnp.minimum(r, t // 2) > 0).astype(metric.dtype)
    metric_n = _l2norm(metric) * gate
    # LSH hashing: num_hashes == num_tokens, dominant compute (B*T*T*F einsum)
    hash_codes = (jnp.einsum('btf,hf->bht', metric_n, projections) > 0).astype(jnp.float32)
    sorted_indices = jnp.argsort(hash_codes.sum(axis=-1), axis=1)
    sorted_metric = jnp.take_along_axis(metric_n, sorted_indices[:, :, None], axis=1)
    bucket_size = (t + NUM_BUCKETS - 1) // NUM_BUCKETS
    starts = list(range(0, t, bucket_size))
    buckets = [sorted_metric[:, s:s + bucket_size, :] for s in starts]
    rng = random.Random(0)
    selected = set(rng.sample(range(len(buckets)), min(E_PARAM, len(buckets))))
    merged = []
    for i, bucket in enumerate(buckets):
        if i in selected and bucket.shape[1] >= R:
            nb = _l2norm(bucket)  # cosine similarity
            sim = jnp.einsum('bif,bjf->bij', nb, nb)
            scores = jnp.max(jnp.triu(sim, k=1), axis=-1)
            _, top_idx = jax.lax.top_k(scores, R)
            top_tokens = jnp.take_along_axis(bucket, top_idx[:, :, None], axis=1)
            merged.append(jnp.mean(top_tokens, axis=1, keepdims=True))
            merged.append(bucket[:, R:, :])
        else:
            merged.append(bucket)
    merged_tokens = jnp.concatenate(merged, axis=1)
    return merged_tokens, sorted_metric

def reference(metric, projections, r):
    # Faithful translation of LSMerger.bipartite_soft_matching.
    # The torch version returns (merge, unmerge) closures; merge(x) returns
    # merged_tokens and unmerge(x) returns sorted_metric, so we return both.
    return _forward(metric, projections, r)

if __name__ == "__main__":
    import jax
    _d = setup_inputs()
    print(jax.jit(kernel)(*tuple(_d.values())))

</pallas_src>

<mosaic_0001>
#map = affine_map<(d0, d1) -> (0, 0)>
#map1 = affine_map<(d0, d1) -> (0, 0, 0)>
module attributes {stable_mosaic.version = 14 : i64} {
  func.func @gk(%arg0: i32, %arg1: i32, %arg2: memref<8192x1024xf32, #tpu.memory_space<hbm>>, %arg3: memref<256x32xi32, #tpu.memory_space<hbm>>, %arg4: memref<256x32xi32, #tpu.memory_space<hbm>>, %arg5: memref<8192x1024xf32, #tpu.memory_space<hbm>>, %arg6: memref<4x2041x1024xf32, #tpu.memory_space<hbm>>, %arg7: memref<16x32xi32, #tpu.memory_space<vmem>>, %arg8: memref<32x1024xf32, #tpu.memory_space<vmem>>, %arg9: memref<32x1024xf32, #tpu.memory_space<vmem>>, %arg10: memref<!tpu.dma_semaphore, #tpu.memory_space<semaphore_mem>>, %arg11: memref<!tpu.dma_semaphore, #tpu.memory_space<semaphore_mem>>) attributes {dimension_semantics = [#tpu.dimension_semantics<core_parallel>, #tpu.dimension_semantics<subcore_parallel>], iteration_bounds = array<i64: 2, 16>, scalar_prefetch = 0 : i64, scratch_operands = 5 : i64, tpu.core_type = #tpu.core_type<sc_vector_subcore>, window_params = [{transform_indices = #map}, {transform_indices = #map}, {transform_indices = #map}, {transform_indices = #map}, {transform_indices = #map1}]} {
    %mul3A = arith.constant 2 : i32
    %mul3A_0 = arith.muli %arg1, %mul3A : i32
    %add3A = arith.addi %mul3A_0, %arg0 : i32
    %lt3A = arith.constant 16 : i32
    %lt3A_1 = arith.cmpi slt, %add3A, %lt3A : i32
    %sub3A = arith.constant 16 : i32
    %sub3A_2 = arith.subi %add3A, %sub3A : i32
    %select_n3A = arith.select %lt3A_1, %add3A, %sub3A_2 : i32
    %mul3A_3 = arith.constant 16 : i32
    %mul3A_4 = arith.muli %select_n3A, %mul3A_3 : i32
    %convert_element_type3A = arith.extui %lt3A_1 : i1 to i32
    %cond3A = arith.constant 0 : i32
    %cond3A_5 = arith.cmpi ne, %convert_element_type3A, %cond3A : i32
    scf.if %cond3A_5 {
      %mul3A_898 = arith.constant 16 : i32
      %mul3A_899 = arith.muli %add3A, %mul3A_898 : i32
      "tpu.region"() ({
        %run_scoped3A = tpu.sem_alloc : memref<!tpu.dma_semaphore, #tpu.memory_space<semaphore_mem>>
        %dma_start3A_900 = arith.constant 0 : i32
        %dma_start3A_901 = tpu.memref_slice %arg3[%mul3A_899, %dma_start3A_900] : memref<256x32xi32, #tpu.memory_space<hbm>> -> memref<16x32xi32, #tpu.memory_space<hbm>>
        %dma_start3A_902 = arith.constant 0 : i32
        %dma_start3A_903 = tpu.memref_slice %arg3[%mul3A_899, %dma_start3A_902] : memref<256x32xi32, #tpu.memory_space<hbm>> -> memref<16x32xi32, #tpu.memory_space<hbm>>
        tpu.enqueue_dma source(%dma_start3A_903 : memref<16x32xi32, #tpu.memory_space<hbm>>) target(%arg7 : memref<16x32xi32, #tpu.memory_space<vmem>>) target_semaphore(%run_scoped3A : memref<!tpu.dma_semaphore, #tpu.memory_space<semaphore_mem>>)
        %dma_wait3A_904 = arith.constant 0 : i32
        %dma_wait3A_905 = tpu.memref_slice %arg3[%mul3A_899, %dma_wait3A_904] : memref<256x32xi32, #tpu.memory_space<hbm>> -> memref<16x32xi32, #tpu.memory_space<hbm>>
        %dma_wait3A_906 = arith.constant 0 : i32
        %dma_wait3A_907 = tpu.memref_slice %arg3[%mul3A_899, %dma_wait3A_906] : memref<256x32xi32, #tpu.memory_space<hbm>> -> memref<16x32xi32, #tpu.memory_space<hbm>>
        tpu.wait_dma2 semaphore(%run_scoped3A : memref<!tpu.dma_semaphore, #tpu.memory_space<semaphore_mem>>) src(%dma_wait3A_907 : memref<16x32xi32, #tpu.memory_space<hbm>>) dst(%arg7 : memref<16x32xi32, #tpu.memory_space<vmem>>)
        tpu.yield
      }) : () -> ()
    } else {
    }
    %not3A = arith.constant true
    %not3A_6 = arith.xori %lt3A_1, %not3A : i1
    %convert_element_type3A_7 = arith.extui %not3A_6 : i1 to i32
    %cond3A_8 = arith.constant 0 : i32
    %cond3A_9 = arith.cmpi ne, %convert_element_type3A_7, %cond3A_8 : i32
    scf.if %cond3A_9 {
      %sub3A_898 = arith.constant 16 : i32
      %sub3A_899 = arith.subi %add3A, %sub3A_898 : i32
      %mul3A_900 = arith.constant 16 : i32
      %mul3A_901 = arith.muli %sub3A_899, %mul3A_900 : i32
      "tpu.region"() ({
        %run_scoped3A = tpu.sem_alloc : memref<!tpu.dma_semaphore, #tpu.memory_space<semaphore_mem>>
        %dma_start3A_902 = arith.constant 0 : i32
        %dma_start3A_903 = tpu.memref_slice %arg4[%mul3A_901, %dma_start3A_902] : memref<256x32xi32, #tpu.memory_space<hbm>> -> memref<16x32xi32, #tpu.memory_space<hbm>>
        %dma_start3A_904 = arith.constant 0 : i32
        %dma_start3A_905 = tpu.memref_slice %arg4[%mul3A_901, %dma_start3A_904] : memref<256x32xi32, #tpu.memory_space<hbm>> -> memref<16x32xi32, #tpu.memory_space<hbm>>
        tpu.enqueue_dma source(%dma_start3A_905 : memref<16x32xi32, #tpu.memory_space<hbm>>) target(%arg7 : memref<16x32xi32, #tpu.memory_space<vmem>>) target_semaphore(%run_scoped3A : memref<!tpu.dma_semaphore, #tpu.memory_space<semaphore_mem>>)
        %dma_wait3A_906 = arith.constant 0 : i32
        %dma_wait3A_907 = tpu.memref_slice %arg4[%mul3A_901, %dma_wait3A_906] : memref<256x32xi32, #tpu.memory_space<hbm>> -> memref<16x32xi32, #tpu.memory_space<hbm>>
        %dma_wait3A_908 = arith.constant 0 : i32
        %dma_wait3A_909 = tpu.memref_slice %arg4[%mul3A_901, %dma_wait3A_908] : memref<256x32xi32, #tpu.memory_space<hbm>> -> memref<16x32xi32, #tpu.memory_space<hbm>>
        tpu.wait_dma2 semaphore(%run_scoped3A : memref<!tpu.dma_semaphore, #tpu.memory_space<semaphore_mem>>) src(%dma_wait3A_909 : memref<16x32xi32, #tpu.memory_space<hbm>>) dst(%arg7 : memref<16x32xi32, #tpu.memory_space<vmem>>)
        tpu.yield
      }) : () -> ()
    } else {
    }
    %dma_start3A = arith.constant 0 : i32
    %dma_start3A_10 = arith.constant 0 : i32
    %dma_start3A_11 = tpu.memref_slice %arg7[%dma_start3A, %dma_start3A_10] : memref<16x32xi32, #tpu.memory_space<vmem>> -> memref<1x32xi32, #tpu.memory_space<vmem>>
    %dma_start3A_12 = tpu.memref_squeeze %dma_start3A_11 : memref<1x32xi32, #tpu.memory_space<vmem>> -> memref<32xi32, #tpu.memory_space<vmem>>
    %dma_start3A_13 = arith.constant 0 : i32
    %dma_start3A_14 = arith.constant 0 : i32
    %dma_start3A_15 = tpu.memref_slice %arg2[%dma_start3A_13, %dma_start3A_14] : memref<8192x1024xf32, #tpu.memory_space<hbm>> -> memref<8192x1024xf32, #tpu.memory_space<hbm>>
    tpu.enqueue_indirect_dma source(%dma_start3A_15 : memref<8192x1024xf32, #tpu.memory_space<hbm>>) target(%arg8 : memref<32x1024xf32, #tpu.memory_space<vmem>>) offsets(%dma_start3A_12 : memref<32xi32, #tpu.memory_space<vmem>>) semaphore(%arg10 : memref<!tpu.dma_semaphore, #tpu.memory_space<semaphore_mem>>)
    %dma_start3A_16 = arith.constant 1 : i32
    %dma_start3A_17 = arith.constant 0 : i32
    %dma_start3A_18 = tpu.memref_slice %arg7[%dma_start3A_16, %dma_start3A_17] : memref<16x32xi32, #tpu.memory_space<vmem>> -> memref<1x32xi32, #tpu.memory_space<vmem>>
    %dma_start3A_19 = tpu.memref_squeeze %dma_start3A_18 : memref<1x32xi32, #tpu.memory_space<vmem>> -> memref<32xi32, #tpu.memory_space<vmem>>
    %dma_start3A_20 = arith.constant 0 : i32
    %dma_start3A_21 = arith.constant 0 : i32
    %dma_start3A_22 = tpu.memref_slice %arg2[%dma_start3A_20, %dma_start3A_21] : memref<8192x1024xf32, #tpu.memory_space<hbm>> -> memref<8192x1024xf32, #tpu.memory_space<hbm>>
    tpu.enqueue_indirect_dma source(%dma_start3A_22 : memref<8192x1024xf32, #tpu.memory_space<hbm>>) target(%arg9 : memref<32x1024xf32, #tpu.memory_space<vmem>>) offsets(%dma_start3A_19 : memref<32xi32, #tpu.memory_space<vmem>>) semaphore(%arg11 : memref<!tpu.dma_semaphore, #tpu.memory_space<semaphore_mem>>)
    %dma_wait3A = arith.constant 0 : i32
    %dma_wait3A_23 = arith.constant 0 : i32
    %dma_wait3A_24 = tpu.memref_slice %arg7[%dma_wait3A, %dma_wait3A_23] : memref<16x32xi32, #tpu.memory_space<vmem>> -> memref<1x32xi32, #tpu.memory_space<vmem>>
    %dma_wait3A_25 = tpu.memref_squeeze %dma_wait3A_24 : memref<1x32xi32, #tpu.memory_space<vmem>> -> memref<32xi32, #tpu.memory_space<vmem>>
    %dma_wait3A_26 = arith.constant 0 : i32
    %dma_wait3A_27 = arith.constant 0 : i32
    %dma_wait3A_28 = tpu.memref_slice %arg2[%dma_wait3A_26, %dma_wait3A_27] : memref<8192x1024xf32, #tpu.memory_space<hbm>> -> memref<8192x1024xf32, #tpu.memory_space<hbm>>
    tpu.wait_indirect_dma semaphore(%arg10 : memref<!tpu.dma_semaphore, #tpu.memory_space<semaphore_mem>>) src(%dma_wait3A_28 : memref<8192x1024xf32, #tpu.memory_space<hbm>>) dst(%arg8 : memref<32x1024xf32, #tpu.memory_space<vmem>>)
    %add3A_29 = arith.constant 0 : i32
    %add3A_30 = arith.addi %mul3A_4, %add3A_29 : i32
    %convert_element_type3A_31 = arith.extui %lt3A_1 : i1 to i32
    %cond3A_32 = arith.constant 0 : i32
    %cond3A_33 = arith.cmpi ne, %convert_element_type3A_31, %cond3A_32 : i32
    scf.if %cond3A_33 {
      %mul3A_898 = arith.constant 32 : i32
      %mul3A_899 = arith.muli %add3A_30, %mul3A_898 : i32
      "tpu.region"() ({
        %run_scoped3A = tpu.sem_alloc : memref<!tpu.dma_semaphore, #tpu.memory_space<semaphore_mem>>
        %dma_start3A_900 = arith.constant 0 : i32
        %dma_start3A_901 = tpu.memref_slice %arg5[%mul3A_899, %dma_start3A_900] : memref<8192x1024xf32, #tpu.memory_space<hbm>> -> memref<32x1024xf32, #tpu.memory_space<hbm>>
        %dma_start3A_902 = arith.constant 0 : i32
        %dma_start3A_903 = tpu.memref_slice %arg5[%mul3A_899, %dma_start3A_902] : memref<8192x1024xf32, #tpu.memory_space<hbm>> -> memref<32x1024xf32, #tpu.memory_space<hbm>>
        tpu.enqueue_dma source(%arg8 : memref<32x1024xf32, #tpu.memory_space<vmem>>) target(%dma_start3A_903 : memref<32x1024xf32, #tpu.memory_space<hbm>>) target_semaphore(%run_scoped3A : memref<!tpu.dma_semaphore, #tpu.memory_space<semaphore_mem>>)
        %dma_wait3A_904 = arith.constant 0 : i32
        %dma_wait3A_905 = tpu.memref_slice %arg5[%mul3A_899, %dma_wait3A_904] : memref<8192x1024xf32, #tpu.memory_space<hbm>> -> memref<32x1024xf32, #tpu.memory_space<hbm>>
        %dma_wait3A_906 = arith.constant 0 : i32
        %dma_wait3A_907 = tpu.memref_slice %arg5[%mul3A_899, %dma_wait3A_906] : memref<8192x1024xf32, #tpu.memory_space<hbm>> -> memref<32x1024xf32, #tpu.memory_space<hbm>>
        tpu.wait_dma2 semaphore(%run_scoped3A : memref<!tpu.dma_semaphore, #tpu.memory_space<semaphore_mem>>) src(%arg8 : memref<32x1024xf32, #tpu.memory_space<vmem>>) dst(%dma_wait3A_907 : memref<32x1024xf32, #tpu.memory_space<hbm>>)
        tpu.yield
      }) : () -> ()
    } else {
    }
    %jit3A = arith.constant 64 : i32
    %div3A = arith.divsi %add3A_30, %jit3A : i32
    %sign3A = arith.constant 0 : i32
    %sign3A_34 = arith.cmpi sgt, %add3A_30, %sign3A : i32
    %sign3A_35 = arith.extui %sign3A_34 : i1 to i32
    %sign3A_36 = arith.constant 0 : i32
    %sign3A_37 = arith.cmpi slt, %add3A_30, %sign3A_36 : i32
    %sign3A_38 = arith.extui %sign3A_37 : i1 to i32
    %sign3A_39 = arith.subi %sign3A_35, %sign3A_38 : i32
    %sign3A_40 = arith.constant 0 : i32
    %sign3A_41 = arith.cmpi sgt, %jit3A, %sign3A_40 : i32
    %sign3A_42 = arith.extui %sign3A_41 : i1 to i32
    %sign3A_43 = arith.constant 0 : i32
    %sign3A_44 = arith.cmpi slt, %jit3A, %sign3A_43 : i32
    %sign3A_45 = arith.extui %sign3A_44 : i1 to i32
    %sign3A_46 = arith.subi %sign3A_42, %sign3A_45 : i32
    %ne3A = arith.cmpi ne, %sign3A_39, %sign3A_46 : i32
    %rem3A = arith.remsi %add3A_30, %jit3A : i32
    %ne3A_47 = arith.constant 0 : i32
    %ne3A_48 = arith.cmpi ne, %rem3A, %ne3A_47 : i32
    %and3A = arith.andi %ne3A, %ne3A_48 : i1
    %sub3A_49 = arith.constant 1 : i32
    %sub3A_50 = arith.subi %div3A, %sub3A_49 : i32
    %select_n3A_51 = arith.select %and3A, %sub3A_50, %div3A : i32
    %mul3A_52 = arith.constant 64 : i32
    %mul3A_53 = arith.muli %select_n3A_51, %mul3A_52 : i32
    %sub3A_54 = arith.subi %add3A_30, %mul3A_53 : i32
    %mul3A_55 = arith.constant 32 : i32
    %mul3A_56 = arith.muli %sub3A_54, %mul3A_55 : i32
    %not3A_57 = arith.constant true
    %not3A_58 = arith.xori %lt3A_1, %not3A_57 : i1
    %lt3A_59 = arith.constant 2016 : i32
    %lt3A_60 = arith.cmpi slt, %mul3A_56, %lt3A_59 : i32
    %and3A_61 = arith.andi %not3A_58, %lt3A_60 : i1
    %convert_element_type3A_62 = arith.extui %and3A_61 : i1 to i32
    %cond3A_63 = arith.constant 0 : i32
    %cond3A_64 = arith.cmpi ne, %convert_element_type3A_62, %cond3A_63 : i32
    scf.if %cond3A_64 {
      "tpu.region"() ({
        %run_scoped3A = tpu.sem_alloc : memref<!tpu.dma_semaphore, #tpu.memory_space<semaphore_mem>>
        %dma_start3A_898 = arith.constant 0 : i32
        %dma_start3A_899 = tpu.memref_slice %arg6[%select_n3A_51, %mul3A_56, %dma_start3A_898] : memref<4x2041x1024xf32, #tpu.memory_space<hbm>> -> memref<1x32x1024xf32, #tpu.memory_space<hbm>>
        %dma_start3A_900 = tpu.memref_squeeze %dma_start3A_899 : memref<1x32x1024xf32, #tpu.memory_space<hbm>> -> memref<32x1024xf32, #tpu.memory_space<hbm>>
        %dma_start3A_901 = arith.constant 0 : i32
        %dma_start3A_902 = tpu.memref_slice %arg6[%select_n3A_51, %mul3A_56, %dma_start3A_901] : memref<4x2041x1024xf32, #tpu.memory_space<hbm>> -> memref<1x32x1024xf32, #tpu.memory_space<hbm>>
        %dma_start3A_903 = tpu.memref_squeeze %dma_start3A_902 : memref<1x32x1024xf32, #tpu.memory_space<hbm>> -> memref<32x1024xf32, #tpu.memory_space<hbm>>
        tpu.enqueue_dma source(%arg8 : memref<32x1024xf32, #tpu.memory_space<vmem>>) target(%dma_start3A_903 : memref<32x1024xf32, #tpu.memory_space<hbm>>) target_semaphore(%run_scoped3A : memref<!tpu.dma_semaphore, #tpu.memory_space<semaphore_mem>>)
        %dma_wait3A_904 = arith.constant 0 : i32
        %dma_wait3A_905 = tpu.memref_slice %arg6[%select_n3A_51, %mul3A_56, %dma_wait3A_904] : memref<4x2041x1024xf32, #tpu.memory_space<hbm>> -> memref<1x32x1024xf32, #tpu.memory_space<hbm>>
        %dma_wait3A_906 = tpu.memref_squeeze %dma_wait3A_905 : memref<1x32x1024xf32, #tpu.memory_space<hbm>> -> memref<32x1024xf32, #tpu.memory_space<hbm>>
        %dma_wait3A_907 = arith.constant 0 : i32
        %dma_wait3A_908 = tpu.memref_slice %arg6[%select_n3A_51, %mul3A_56, %dma_wait3A_907] : memref<4x2041x1024xf32, #tpu.memory_space<hbm>> -> memref<1x32x1024xf32, #tpu.memory_space<hbm>>
        %dma_wait3A_909 = tpu.memref_squeeze %dma_wait3A_908 : memref<1x32x1024xf32, #tpu.memory_space<hbm>> -> memref<32x1024xf32, #tpu.memory_space<hbm>>
        tpu.wait_dma2 semaphore(%run_scoped3A : memref<!tpu.dma_semaphore, #tpu.memory_space<semaphore_mem>>) src(%arg8 : memref<32x1024xf32, #tpu.memory_space<vmem>>) dst(%dma_wait3A_909 : memref<32x1024xf32, #tpu.memory_space<hbm>>)
        tpu.yield
      }) : () -> ()
    } else {
    }
    %dma_start3A_65 = arith.constant 2 : i32
    %dma_start3A_66 = arith.constant 0 : i32
    %dma_start3A_67 = tpu.memref_slice %arg7[%dma_start3A_65, %dma_start3A_66] : memref<16x32xi32, #tpu.memory_space<vmem>> -> memref<1x32xi32, #tpu.memory_space<vmem>>
    %dma_start3A_68 = tpu.memref_squeeze %dma_start3A_67 : memref<1x32xi32, #tpu.memory_space<vmem>> -> memref<32xi32, #tpu.memory_space<vmem>>
    %dma_start3A_69 = arith.constant 0 : i32
    %dma_start3A_70 = arith.constant 0 : i32
    %dma_start3A_71 = tpu.memref_slice %arg2[%dma_start3A_69, %dma_start3A_70] : memref<8192x1024xf32, #tpu.memory_space<hbm>> -> memref<8192x1024xf32, #tpu.memory_space<hbm>>
    tpu.enqueue_indirect_dma source(%dma_start3A_71 : memref<8192x1024xf32, #tpu.memory_space<hbm>>) target(%arg8 : memref<32x1024xf32, #tpu.memory_space<vmem>>) offsets(%dma_start3A_68 : memref<32xi32, #tpu.memory_space<vmem>>) semaphore(%arg10 : memref<!tpu.dma_semaphore, #tpu.memory_space<semaphore_mem>>)
    %dma_wait3A_72 = arith.constant 1 : i32
    %dma_wait3A_73 = arith.constant 0 : i32
    %dma_wait3A_74 = tpu.memref_slice %arg7[%dma_wait3A_72, %dma_wait3A_73] : memref<16x32xi32, #tpu.memory_space<vmem>> -> memref<1x32xi32, #tpu.memory_space<vmem>>
    %dma_wait3A_75 = tpu.memref_squeeze %dma_wait3A_74 : memref<1x32xi32, #tpu.memory_space<vmem>> -> memref<32xi32, #tpu.memory_space<vmem>>
    %dma_wait3A_76 = arith.constant 0 : i32
    %dma_wait3A_77 = arith.constant 0 : i32
    %dma_wait3A_78 = tpu.memref_slice %arg2[%dma_wait3A_76, %dma_wait3A_77] : memref<8192x1024xf32, #tpu.memory_space<hbm>> -> memref<8192x1024xf32, #tpu.memory_space<hbm>>
    tpu.wait_indirect_dma semaphore(%arg11 : memref<!tpu.dma_semaphore, #tpu.memory_space<semaphore_mem>>) src(%dma_wait3A_78 : memref<8192x1024xf32, #tpu.memory_space<hbm>>) dst(%arg9 : memref<32x1024xf32, #tpu.memory_space<vmem>>)
    %add3A_79 = arith.constant 1 : i32
    %add3A_80 = arith.addi %mul3A_4, %add3A_79 : i32
    %convert_element_type3A_81 = arith.extui %lt3A_1 : i1 to i32
    %cond3A_82 = arith.constant 0 : i32
    %cond3A_83 = arith.cmpi ne, %convert_element_type3A_81, %cond3A_82 : i32
    scf.if %cond3A_83 {
      %mul3A_898 = arith.constant 32 : i32
      %mul3A_899 = arith.muli %add3A_80, %mul3A_898 : i32
      "tpu.region"() ({
        %run_scoped3A = tpu.sem_alloc : memref<!tpu.dma_semaphore, #tpu.memory_space<semaphore_mem>>
        %dma_start3A_900 = arith.constant 0 : i32
        %dma_start3A_901 = tpu.memref_slice %arg5[%mul3A_899, %dma_start3A_900] : memref<8192x1024xf32, #tpu.memory_space<hbm>> -> memref<32x1024xf32, #tpu.memory_space<hbm>>
        %dma_start3A_902 = arith.constant 0 : i32
        %dma_start3A_903 = tpu.memref_slice %arg5[%mul3A_899, %dma_start3A_902] : memref<8192x1024xf32, #tpu.memory_space<hbm>> -> memref<32x1024xf32, #tpu.memory_space<hbm>>
        tpu.enqueue_dma source(%arg9 : memref<32x1024xf32, #tpu.memory_space<vmem>>) target(%dma_start3A_903 : memref<32x1024xf32, #tpu.memory_space<hbm>>) target_semaphore(%run_scoped3A : memref<!tpu.dma_semaphore, #tpu.memory_space<semaphore_mem>>)
        %dma_wait3A_904 = arith.constant 0 : i32
        %dma_wait3A_905 = tpu.memref_slice %arg5[%mul3A_899, %dma_wait3A_904] : memref<8192x1024xf32, #tpu.memory_space<hbm>> -> memref<32x1024xf32, #tpu.memory_space<hbm>>
        %dma_wait3A_906 = arith.constant 0 : i32
        %dma_wait3A_907 = tpu.memref_slice %arg5[%mul3A_899, %dma_wait3A_906] : memref<8192x1024xf32, #tpu.memory_space<hbm>> -> memref<32x1024xf32, #tpu.memory_space<hbm>>
        tpu.wait_dma2 semaphore(%run_scoped3A : memref<!tpu.dma_semaphore, #tpu.memory_space<semaphore_mem>>) src(%arg9 : memref<32x1024xf32, #tpu.memory_space<vmem>>) dst(%dma_wait3A_907 : memref<32x1024xf32, #tpu.memory_space<hbm>>)
        tpu.yield
      }) : () -> ()
    } else {
    }
    %jit3A_84 = arith.constant 64 : i32
    %div3A_85 = arith.divsi %add3A_80, %jit3A_84 : i32
    %sign3A_86 = arith.constant 0 : i32
    %sign3A_87 = arith.cmpi sgt, %add3A_80, %sign3A_86 : i32
    %sign3A_88 = arith.extui %sign3A_87 : i1 to i32
    %sign3A_89 = arith.constant 0 : i32
    %sign3A_90 = arith.cmpi slt, %add3A_80, %sign3A_89 : i32
    %sign3A_91 = arith.extui %sign3A_90 : i1 to i32
    %sign3A_92 = arith.subi %sign3A_88, %sign3A_91 : i32
    %sign3A_93 = arith.constant 0 : i32
    %sign3A_94 = arith.cmpi sgt, %jit3A_84, %sign3A_93 : i32
    %sign3A_95 = arith.extui %sign3A_94 : i1 to i32
    %sign3A_96 = arith.constant 0 : i32
    %sign3A_97 = arith.cmpi slt, %jit3A_84, %sign3A_96 : i32
    %sign3A_98 = arith.extui %sign3A_97 : i1 to i32
    %sign3A_99 = arith.subi %sign3A_95, %sign3A_98 : i32
    %ne3A_100 = arith.cmpi ne, %sign3A_92, %sign3A_99 : i32
    %rem3A_101 = arith.remsi %add3A_80, %jit3A_84 : i32
    %ne3A_102 = arith.constant 0 : i32
    %ne3A_103 = arith.cmpi ne, %rem3A_101, %ne3A_102 : i32
    %and3A_104 = arith.andi %ne3A_100, %ne3A_103 : i1
    %sub3A_105 = arith.constant 1 : i32
    %sub3A_106 = arith.subi %div3A_85, %sub3A_105 : i32
    %select_n3A_107 = arith.select %and3A_104, %sub3A_106, %div3A_85 : i32
    %mul3A_108 = arith.constant 64 : i32
    %mul3A_109 = arith.muli %select_n3A_107, %mul3A_108 : i32
    %sub3A_110 = arith.subi %add3A_80, %mul3A_109 : i32
    %mul3A_111 = arith.constant 32 : i32
    %mul3A_112 = arith.muli %sub3A_110, %mul3A_111 : i32
    %not3A_113 = arith.constant true
    %not3A_114 = arith.xori %lt3A_1, %not3A_113 : i1
    %lt3A_115 = arith.constant 2016 : i32
    %lt3A_116 = arith.cmpi slt, %mul3A_112, %lt3A_115 : i32
    %and3A_117 = arith.andi %not3A_114, %lt3A_116 : i1
    %convert_element_type3A_118 = arith.extui %and3A_117 : i1 to i32
    %cond3A_119 = arith.constant 0 : i32
    %cond3A_120 = arith.cmpi ne, %convert_element_type3A_118, %cond3A_119 : i32
    scf.if %cond3A_120 {
      "tpu.region"() ({
        %run_scoped3A = tpu.sem_alloc : memref<!tpu.dma_semaphore, #tpu.memory_space<semaphore_mem>>
        %dma_start3A_898 = arith.constant 0 : i32
        %dma_start3A_899 = tpu.memref_slice %arg6[%select_n3A_107, %mul3A_112, %dma_start3A_898] : memref<4x2041x1024xf32, #tpu.memory_space<hbm>> -> memref<1x32x1024xf32, #tpu.memory_space<hbm>>
        %dma_start3A_900 = tpu.memref_squeeze %dma_start3A_899 : memref<1x32x1024xf32, #tpu.memory_space<hbm>> -> memref<32x1024xf32, #tpu.memory_space<hbm>>
        %dma_start3A_901 = arith.constant 0 : i32
        %dma_start3A_902 = tpu.memref_slice %arg6[%select_n3A_107, %mul3A_112, %dma_start3A_901] : memref<4x2041x1024xf32, #tpu.memory_space<hbm>> -> memref<1x32x1024xf32, #tpu.memory_space<hbm>>
        %dma_start3A_903 = tpu.memref_squeeze %dma_start3A_902 : memref<1x32x1024xf32, #tpu.memory_space<hbm>> -> memref<32x1024xf32, #tpu.memory_space<hbm>>
        tpu.enqueue_dma source(%arg9 : memref<32x1024xf32, #tpu.memory_space<vmem>>) target(%dma_start3A_903 : memref<32x1024xf32, #tpu.memory_space<hbm>>) target_semaphore(%run_scoped3A : memref<!tpu.dma_semaphore, #tpu.memory_space<semaphore_mem>>)
        %dma_wait3A_904 = arith.constant 0 : i32
        %dma_wait3A_905 = tpu.memref_slice %arg6[%select_n3A_107, %mul3A_112, %dma_wait3A_904] : memref<4x2041x1024xf32, #tpu.memory_space<hbm>> -> memref<1x32x1024xf32, #tpu.memory_space<hbm>>
        %dma_wait3A_906 = tpu.memref_squeeze %dma_wait3A_905 : memref<1x32x1024xf32, #tpu.memory_space<hbm>> -> memref<32x1024xf32, #tpu.memory_space<hbm>>
        %dma_wait3A_907 = arith.constant 0 : i32
        %dma_wait3A_908 = tpu.memref_slice %arg6[%select_n3A_107, %mul3A_112, %dma_wait3A_907] : memref<4x2041x1024xf32, #tpu.memory_space<hbm>> -> memref<1x32x1024xf32, #tpu.memory_space<hbm>>
        %dma_wait3A_909 = tpu.memref_squeeze %dma_wait3A_908 : memref<1x32x1024xf32, #tpu.memory_space<hbm>> -> memref<32x1024xf32, #tpu.memory_space<hbm>>
        tpu.wait_dma2 semaphore(%run_scoped3A : memref<!tpu.dma_semaphore, #tpu.memory_space<semaphore_mem>>) src(%arg9 : memref<32x1024xf32, #tpu.memory_space<vmem>>) dst(%dma_wait3A_909 : memref<32x1024xf32, #tpu.memory_space<hbm>>)
        tpu.yield
      }) : () -> ()
    } else {
    }
    %dma_start3A_121 = arith.constant 3 : i32
    %dma_start3A_122 = arith.constant 0 : i32
    %dma_start3A_123 = tpu.memref_slice %arg7[%dma_start3A_121, %dma_start3A_122] : memref<16x32xi32, #tpu.memory_space<vmem>> -> memref<1x32xi32, #tpu.memory_space<vmem>>
    %dma_start3A_124 = tpu.memref_squeeze %dma_start3A_123 : memref<1x32xi32, #tpu.memory_space<vmem>> -> memref<32xi32, #tpu.memory_space<vmem>>
    %dma_start3A_125 = arith.constant 0 : i32
    %dma_start3A_126 = arith.constant 0 : i32
    %dma_start3A_127 = tpu.memref_slice %arg2[%dma_start3A_125, %dma_start3A_126] : memref<8192x1024xf32, #tpu.memory_space<hbm>> -> memref<8192x1024xf32, #tpu.memory_space<hbm>>
    tpu.enqueue_indirect_dma source(%dma_start3A_127 : memref<8192x1024xf32, #tpu.memory_space<hbm>>) target(%arg9 : memref<32x1024xf32, #tpu.memory_space<vmem>>) offsets(%dma_start3A_124 : memref<32xi32, #tpu.memory_space<vmem>>) semaphore(%arg11 : memref<!tpu.dma_semaphore, #tpu.memory_space<semaphore_mem>>)
    %dma_wait3A_128 = arith.constant 2 : i32
    %dma_wait3A_129 = arith.constant 0 : i32
    %dma_wait3A_130 = tpu.memref_slice %arg7[%dma_wait3A_128, %dma_wait3A_129] : memref<16x32xi32, #tpu.memory_space<vmem>> -> memref<1x32xi32, #tpu.memory_space<vmem>>
    %dma_wait3A_131 = tpu.memref_squeeze %dma_wait3A_130 : memref<1x32xi32, #tpu.memory_space<vmem>> -> memref<32xi32, #tpu.memory_space<vmem>>
    %dma_wait3A_132 = arith.constant 0 : i32
    %dma_wait3A_133 = arith.constant 0 : i32
    %dma_wait3A_134 = tpu.memref_slice %arg2[%dma_wait3A_132, %dma_wait3A_133] : memref<8192x1024xf32, #tpu.memory_space<hbm>> -> memref<8192x1024xf32, #tpu.memory_space<hbm>>
    tpu.wait_indirect_dma semaphore(%arg10 : memref<!tpu.dma_semaphore, #tpu.memory_space<semaphore_mem>>) src(%dma_wait3A_134 : memref<8192x1024xf32, #tpu.memory_space<hbm>>) dst(%arg8 : memref<32x1024xf32, #tpu.memory_space<vmem>>)
    %add3A_135 = arith.constant 2 : i32
    %add3A_136 = arith.addi %mul3A_4, %add3A_135 : i32
    %convert_element_type3A_137 = arith.extui %lt3A_1 : i1 to i32
    %cond3A_138 = arith.constant 0 : i32
    %cond3A_139 = arith.cmpi ne, %convert_element_type3A_137, %cond3A_138 : i32
    scf.if %cond3A_139 {
      %mul3A_898 = arith.constant 32 : i32
      %mul3A_899 = arith.muli %add3A_136, %mul3A_898 : i32
      "tpu.region"() ({
        %run_scoped3A = tpu.sem_alloc : memref<!tpu.dma_semaphore, #tpu.memory_space<semaphore_mem>>
        %dma_start3A_900 = arith.constant 0 : i32
        %dma_start3A_901 = tpu.memref_slice %arg5[%mul3A_899, %dma_start3A_900] : memref<8192x1024xf32, #tpu.memory_space<hbm>> -> memref<32x1024xf32, #tpu.memory_space<hbm>>
        %dma_start3A_902 = arith.constant 0 : i32
        %dma_start3A_903 = tpu.memref_slice %arg5[%mul3A_899, %dma_start3A_902] : memref<8192x1024xf32, #tpu.memory_space<hbm>> -> memref<32x1024xf32, #tpu.memory_space<hbm>>
        tpu.enqueue_dma source(%arg8 : memref<32x1024xf32, #tpu.memory_space<vmem>>) target(%dma_start3A_903 : memref<32x1024xf32, #tpu.memory_space<hbm>>) target_semaphore(%run_scoped3A : memref<!tpu.dma_semaphore, #tpu.memory_space<semaphore_mem>>)
        %dma_wait3A_904 = arith.constant 0 : i32
        %dma_wait3A_905 = tpu.memref_slice %arg5[%mul3A_899, %dma_wait3A_904] : memref<8192x1024xf32, #tpu.memory_space<hbm>> -> memref<32x1024xf32, #tpu.memory_space<hbm>>
        %dma_wait3A_906 = arith.constant 0 : i32
        %dma_wait3A_907 = tpu.memref_slice %arg5[%mul3A_899, %dma_wait3A_906] : memref<8192x1024xf32, #tpu.memory_space<hbm>> -> memref<32x1024xf32, #tpu.memory_space<hbm>>
        tpu.wait_dma2 semaphore(%run_scoped3A : memref<!tpu.dma_semaphore, #tpu.memory_space<semaphore_mem>>) src(%arg8 : memref<32x1024xf32, #tpu.memory_space<vmem>>) dst(%dma_wait3A_907 : memref<32x1024xf32, #tpu.memory_space<hbm>>)
        tpu.yield
      }) : () -> ()
    } else {
    }
    %jit3A_140 = arith.constant 64 : i32
    %div3A_141 = arith.divsi %add3A_136, %jit3A_140 : i32
    %sign3A_142 = arith.constant 0 : i32
    %sign3A_143 = arith.cmpi sgt, %add3A_136, %sign3A_142 : i32
    %sign3A_144 = arith.extui %sign3A_143 : i1 to i32
    %sign3A_145 = arith.constant 0 : i32
    %sign3A_146 = arith.cmpi slt, %add3A_136, %sign3A_145 : i32
    %sign3A_147 = arith.extui %sign3A_146 : i1 to i32
    %sign3A_148 = arith.subi %sign3A_144, %sign3A_147 : i32
    %sign3A_149 = arith.constant 0 : i32
    %sign3A_150 = arith.cmpi sgt, %jit3A_140, %sign3A_149 : i32
    %sign3A_151 = arith.extui %sign3A_150 : i1 to i32
    %sign3A_152 = arith.constant 0 : i32
    %sign3A_153 = arith.cmpi slt, %jit3A_140, %sign3A_152 : i32
    %sign3A_154 = arith.extui %sign3A_153 : i1 to i32
    %sign3A_155 = arith.subi %sign3A_151, %sign3A_154 : i32
    %ne3A_156 = arith.cmpi ne, %sign3A_148, %sign3A_155 : i32
    %rem3A_157 = arith.remsi %add3A_136, %jit3A_140 : i32
    %ne3A_158 = arith.constant 0 : i32
    %ne3A_159 = arith.cmpi ne, %rem3A_157, %ne3A_158 : i32
    %and3A_160 = arith.andi %ne3A_156, %ne3A_159 : i1
    %sub3A_161 = arith.constant 1 : i32
    %sub3A_162 = arith.subi %div3A_141, %sub3A_161 : i32
    %select_n3A_163 = arith.select %and3A_160, %sub3A_162, %div3A_141 : i32
    %mul3A_164 = arith.constant 64 : i32
    %mul3A_165 = arith.muli %select_n3A_163, %mul3A_164 : i32
    %sub3A_166 = arith.subi %add3A_136, %mul3A_165 : i32
    %mul3A_167 = arith.constant 32 : i32
    %mul3A_168 = arith.muli %sub3A_166, %mul3A_167 : i32
    %not3A_169 = arith.constant true
    %not3A_170 = arith.xori %lt3A_1, %not3A_169 : i1
    %lt3A_171 = arith.constant 2016 : i32
    %lt3A_172 = arith.cmpi slt, %mul3A_168, %lt3A_171 : i32
    %and3A_173 = arith.andi %not3A_170, %lt3A_172 : i1
    %convert_element_type3A_174 = arith.extui %and3A_173 : i1 to i32
    %cond3A_175 = arith.constant 0 : i32
    %cond3A_176 = arith.cmpi ne, %convert_element_type3A_174, %cond3A_175 : i32
    scf.if %cond3A_176 {
      "tpu.region"() ({
        %run_scoped3A = tpu.sem_alloc : memref<!tpu.dma_semaphore, #tpu.memory_space<semaphore_mem>>
        %dma_start3A_898 = arith.constant 0 : i32
        %dma_start3A_899 = tpu.memref_slice %arg6[%select_n3A_163, %mul3A_168, %dma_start3A_898] : memref<4x2041x1024xf32, #tpu.memory_space<hbm>> -> memref<1x32x1024xf32, #tpu.memory_space<hbm>>
        %dma_start3A_900 = tpu.memref_squeeze %dma_start3A_899 : memref<1x32x1024xf32, #tpu.memory_space<hbm>> -> memref<32x1024xf32, #tpu.memory_space<hbm>>
        %dma_start3A_901 = arith.constant 0 : i32
        %dma_start3A_902 = tpu.memref_slice %arg6[%select_n3A_163, %mul3A_168, %dma_start3A_901] : memref<4x2041x1024xf32, #tpu.memory_space<hbm>> -> memref<1x32x1024xf32, #tpu.memory_space<hbm>>
        %dma_start3A_903 = tpu.memref_squeeze %dma_start3A_902 : memref<1x32x1024xf32, #tpu.memory_space<hbm>> -> memref<32x1024xf32, #tpu.memory_space<hbm>>
        tpu.enqueue_dma source(%arg8 : memref<32x1024xf32, #tpu.memory_space<vmem>>) target(%dma_start3A_903 : memref<32x1024xf32, #tpu.memory_space<hbm>>) target_semaphore(%run_scoped3A : memref<!tpu.dma_semaphore, #tpu.memory_space<semaphore_mem>>)
        %dma_wait3A_904 = arith.constant 0 : i32
        %dma_wait3A_905 = tpu.memref_slice %arg6[%select_n3A_163, %mul3A_168, %dma_wait3A_904] : memref<4x2041x1024xf32, #tpu.memory_space<hbm>> -> memref<1x32x1024xf32, #tpu.memory_space<hbm>>
        %dma_wait3A_906 = tpu.memref_squeeze %dma_wait3A_905 : memref<1x32x1024xf32, #tpu.memory_space<hbm>> -> memref<32x1024xf32, #tpu.memory_space<hbm>>
        %dma_wait3A_907 = arith.constant 0 : i32
        %dma_wait3A_908 = tpu.memref_slice %arg6[%select_n3A_163, %mul3A_168, %dma_wait3A_907] : memref<4x2041x1024xf32, #tpu.memory_space<hbm>> -> memref<1x32x1024xf32, #tpu.memory_space<hbm>>
        %dma_wait3A_909 = tpu.memref_squeeze %dma_wait3A_908 : memref<1x32x1024xf32, #tpu.memory_space<hbm>> -> memref<32x1024xf32, #tpu.memory_space<hbm>>
        tpu.wait_dma2 semaphore(%run_scoped3A : memref<!tpu.dma_semaphore, #tpu.memory_space<semaphore_mem>>) src(%arg8 : memref<32x1024xf32, #tpu.memory_space<vmem>>) dst(%dma_wait3A_909 : memref<32x1024xf32, #tpu.memory_space<hbm>>)
        tpu.yield
      }) : () -> ()
    } else {
    }
    %dma_start3A_177 = arith.constant 4 : i32
    %dma_start3A_178 = arith.constant 0 : i32
    %dma_start3A_179 = tpu.memref_slice %arg7[%dma_start3A_177, %dma_start3A_178] : memref<16x32xi32, #tpu.memory_space<vmem>> -> memref<1x32xi32, #tpu.memory_space<vmem>>
    %dma_start3A_180 = tpu.memref_squeeze %dma_start3A_179 : memref<1x32xi32, #tpu.memory_space<vmem>> -> memref<32xi32, #tpu.memory_space<vmem>>
    %dma_start3A_181 = arith.constant 0 : i32
    %dma_start3A_182 = arith.constant 0 : i32
    %dma_start3A_183 = tpu.memref_slice %arg2[%dma_start3A_181, %dma_start3A_182] : memref<8192x1024xf32, #tpu.memory_space<hbm>> -> memref<8192x1024xf32, #tpu.memory_space<hbm>>
    tpu.enqueue_indirect_dma source(%dma_start3A_183 : memref<8192x1024xf32, #tpu.memory_space<hbm>>) target(%arg8 : memref<32x1024xf32, #tpu.memory_space<vmem>>) offsets(%dma_start3A_180 : memref<32xi32, #tpu.memory_space<vmem>>) semaphore(%arg10 : memref<!tpu.dma_semaphore, #tpu.memory_space<semaphore_mem>>)
    %dma_wait3A_184 = arith.constant 3 : i32
    %dma_wait3A_185 = arith.constant 0 : i32
    %dma_wait3A_186 = tpu.memref_slice %arg7[%dma_wait3A_184, %dma_wait3A_185] : memref<16x32xi32, #tpu.memory_space<vmem>> -> memref<1x32xi32, #tpu.memory_space<vmem>>
    %dma_wait3A_187 = tpu.memref_squeeze %dma_wait3A_186 : memref<1x32xi32, #tpu.memory_space<vmem>> -> memref<32xi32, #tpu.memory_space<vmem>>
    %dma_wait3A_188 = arith.constant 0 : i32
    %dma_wait3A_189 = arith.constant 0 : i32
    %dma_wait3A_190 = tpu.memref_slice %arg2[%dma_wait3A_188, %dma_wait3A_189] : memref<8192x1024xf32, #tpu.memory_space<hbm>> -> memref<8192x1024xf32, #tpu.memory_space<hbm>>
    tpu.wait_indirect_dma semaphore(%arg11 : memref<!tpu.dma_semaphore, #tpu.memory_space<semaphore_mem>>) src(%dma_wait3A_190 : memref<8192x1024xf32, #tpu.memory_space<hbm>>) dst(%arg9 : memref<32x1024xf32, #tpu.memory_space<vmem>>)
    %add3A_191 = arith.constant 3 : i32
    %add3A_192 = arith.addi %mul3A_4, %add3A_191 : i32
    %convert_element_type3A_193 = arith.extui %lt3A_1 : i1 to i32
    %cond3A_194 = arith.constant 0 : i32
    %cond3A_195 = arith.cmpi ne, %convert_element_type3A_193, %cond3A_194 : i32
    scf.if %cond3A_195 {
      %mul3A_898 = arith.constant 32 : i32
      %mul3A_899 = arith.muli %add3A_192, %mul3A_898 : i32
      "tpu.region"() ({
        %run_scoped3A = tpu.sem_alloc : memref<!tpu.dma_semaphore, #tpu.memory_space<semaphore_mem>>
        %dma_start3A_900 = arith.constant 0 : i32
        %dma_start3A_901 = tpu.memref_slice %arg5[%mul3A_899, %dma_start3A_900] : memref<8192x1024xf32, #tpu.memory_space<hbm>> -> memref<32x1024xf32, #tpu.memory_space<hbm>>
        %dma_start3A_902 = arith.constant 0 : i32
        %dma_start3A_903 = tpu.memref_slice %arg5[%mul3A_899, %dma_start3A_902] : memref<8192x1024xf32, #tpu.memory_space<hbm>> -> memref<32x1024xf32, #tpu.memory_space<hbm>>
        tpu.enqueue_dma source(%arg9 : memref<32x1024xf32, #tpu.memory_space<vmem>>) target(%dma_start3A_903 : memref<32x1024xf32, #tpu.memory_space<hbm>>) target_semaphore(%run_scoped3A : memref<!tpu.dma_semaphore, #tpu.memory_space<semaphore_mem>>)
        %dma_wait3A_904 = arith.constant 0 : i32
        %dma_wait3A_905 = tpu.memref_slice %arg5[%mul3A_899, %dma_wait3A_904] : memref<8192x1024xf32, #tpu.memory_space<hbm>> -> memref<32x1024xf32, #tpu.memory_space<hbm>>
        %dma_wait3A_906 = arith.constant 0 : i32
        %dma_wait3A_907 = tpu.memref_slice %arg5[%mul3A_899, %dma_wait3A_906] : memref<8192x1024xf32, #tpu.memory_space<hbm>> -> memref<32x1024xf32, #tpu.memory_space<hbm>>
        tpu.wait_dma2 semaphore(%run_scoped3A : memref<!tpu.dma_semaphore, #tpu.memory_space<semaphore_mem>>) src(%arg9 : memref<32x1024xf32, #tpu.memory_space<vmem>>) dst(%dma_wait3A_907 : memref<32x1024xf32, #tpu.memory_space<hbm>>)
        tpu.yield
      }) : () -> ()
    } else {
    }
    %jit3A_196 = arith.constant 64 : i32
    %div3A_197 = arith.divsi %add3A_192, %jit3A_196 : i32
    %sign3A_198 = arith.constant 0 : i32
    %sign3A_199 = arith.cmpi sgt, %add3A_192, %sign3A_198 : i32
    %sign3A_200 = arith.extui %sign3A_199 : i1 to i32
    %sign3A_201 = arith.constant 0 : i32
    %sign3A_202 = arith.cmpi slt, %add3A_192, %sign3A_201 : i32
    %sign3A_203 = arith.extui %sign3A_202 : i1 to i32
    %sign3A_204 = arith.subi %sign3A_200, %sign3A_203 : i32
    %sign3A_205 = arith.constant 0 : i32
    %sign3A_206 = arith.cmpi sgt, %jit3A_196, %sign3A_205 : i32
    %sign3A_207 = arith.extui %sign3A_206 : i1 to i32
    %sign3A_208 = arith.constant 0 : i32
    %sign3A_209 = arith.cmpi slt, %jit3A_196, %sign3A_208 : i32
    %sign3A_210 = arith.extui %sign3A_209 : i1 to i32
    %sign3A_211 = arith.subi %sign3A_207, %sign3A_210 : i32
    %ne3A_212 = arith.cmpi ne, %sign3A_204, %sign3A_211 : i32
    %rem3A_213 = arith.remsi %add3A_192, %jit3A_196 : i32
    %ne3A_214 = arith.constant 0 : i32
    %ne3A_215 = arith.cmpi ne, %rem3A_213, %ne3A_214 : i32
    %and3A_216 = arith.andi %ne3A_212, %ne3A_215 : i1
    %sub3A_217 = arith.constant 1 : i32
    %sub3A_218 = arith.subi %div3A_197, %sub3A_217 : i32
    %select_n3A_219 = arith.select %and3A_216, %sub3A_218, %div3A_197 : i32
    %mul3A_220 = arith.constant 64 : i32
    %mul3A_221 = arith.muli %select_n3A_219, %mul3A_220 : i32
    %sub3A_222 = arith.subi %add3A_192, %mul3A_221 : i32
    %mul3A_223 = arith.constant 32 : i32
    %mul3A_224 = arith.muli %sub3A_222, %mul3A_223 : i32
    %not3A_225 = arith.constant true
    %not3A_226 = arith.xori %lt3A_1, %not3A_225 : i1
    %lt3A_227 = arith.constant 2016 : i32
    %lt3A_228 = arith.cmpi slt, %mul3A_224, %lt3A_227 : i32
    %and3A_229 = arith.andi %not3A_226, %lt3A_228 : i1
    %convert_element_type3A_230 = arith.extui %and3A_229 : i1 to i32
    %cond3A_231 = arith.constant 0 : i32
    %cond3A_232 = arith.cmpi ne, %convert_element_type3A_230, %cond3A_231 : i32
    scf.if %cond3A_232 {
      "tpu.region"() ({
        %run_scoped3A = tpu.sem_alloc : memref<!tpu.dma_semaphore, #tpu.memory_space<semaphore_mem>>
        %dma_start3A_898 = arith.constant 0 : i32
        %dma_start3A_899 = tpu.memref_slice %arg6[%select_n3A_219, %mul3A_224, %dma_start3A_898] : memref<4x2041x1024xf32, #tpu.memory_space<hbm>> -> memref<1x32x1024xf32, #tpu.memory_space<hbm>>
        %dma_start3A_900 = tpu.memref_squeeze %dma_start3A_899 : memref<1x32x1024xf32, #tpu.memory_space<hbm>> -> memref<32x1024xf32, #tpu.memory_space<hbm>>
        %dma_start3A_901 = arith.constant 0 : i32
        %dma_start3A_902 = tpu.memref_slice %arg6[%select_n3A_219, %mul3A_224, %dma_start3A_901] : memref<4x2041x1024xf32, #tpu.memory_space<hbm>> -> memref<1x32x1024xf32, #tpu.memory_space<hbm>>
        %dma_start3A_903 = tpu.memref_squeeze %dma_start3A_902 : memref<1x32x1024xf32, #tpu.memory_space<hbm>> -> memref<32x1024xf32, #tpu.memory_space<hbm>>
        tpu.enqueue_dma source(%arg9 : memref<32x1024xf32, #tpu.memory_space<vmem>>) target(%dma_start3A_903 : memref<32x1024xf32, #tpu.memory_space<hbm>>) target_semaphore(%run_scoped3A : memref<!tpu.dma_semaphore, #tpu.memory_space<semaphore_mem>>)
        %dma_wait3A_904 = arith.constant 0 : i32
        %dma_wait3A_905 = tpu.memref_slice %arg6[%select_n3A_219, %mul3A_224, %dma_wait3A_904] : memref<4x2041x1024xf32, #tpu.memory_space<hbm>> -> memref<1x32x1024xf32, #tpu.memory_space<hbm>>
        %dma_wait3A_906 = tpu.memref_squeeze %dma_wait3A_905 : memref<1x32x1024xf32, #tpu.memory_space<hbm>> -> memref<32x1024xf32, #tpu.memory_space<hbm>>
        %dma_wait3A_907 = arith.constant 0 : i32
        %dma_wait3A_908 = tpu.memref_slice %arg6[%select_n3A_219, %mul3A_224, %dma_wait3A_907] : memref<4x2041x1024xf32, #tpu.memory_space<hbm>> -> memref<1x32x1024xf32, #tpu.memory_space<hbm>>
        %dma_wait3A_909 = tpu.memref_squeeze %dma_wait3A_908 : memref<1x32x1024xf32, #tpu.memory_space<hbm>> -> memref<32x1024xf32, #tpu.memory_space<hbm>>
        tpu.wait_dma2 semaphore(%run_scoped3A : memref<!tpu.dma_semaphore, #tpu.memory_space<semaphore_mem>>) src(%arg9 : memref<32x1024xf32, #tpu.memory_space<vmem>>) dst(%dma_wait3A_909 : memref<32x1024xf32, #tpu.memory_space<hbm>>)
        tpu.yield
      }) : () -> ()
    } else {
    }
    %dma_start3A_233 = arith.constant 5 : i32
    %dma_start3A_234 = arith.constant 0 : i32
    %dma_start3A_235 = tpu.memref_slice %arg7[%dma_start3A_233, %dma_start3A_234] : memref<16x32xi32, #tpu.memory_space<vmem>> -> memref<1x32xi32, #tpu.memory_space<vmem>>
    %dma_start3A_236 = tpu.memref_squeeze %dma_start3A_235 : memref<1x32xi32, #tpu.memory_space<vmem>> -> memref<32xi32, #tpu.memory_space<vmem>>
    %dma_start3A_237 = arith.constant 0 : i32
    %dma_start3A_238 = arith.constant 0 : i32
    %dma_start3A_239 = tpu.memref_slice %arg2[%dma_start3A_237, %dma_start3A_238] : memref<8192x1024xf32, #tpu.memory_space<hbm>> -> memref<8192x1024xf32, #tpu.memory_space<hbm>>
    tpu.enqueue_indirect_dma source(%dma_start3A_239 : memref<8192x1024xf32, #tpu.memory_space<hbm>>) target(%arg9 : memref<32x1024xf32, #tpu.memory_space<vmem>>) offsets(%dma_start3A_236 : memref<32xi32, #tpu.memory_space<vmem>>) semaphore(%arg11 : memref<!tpu.dma_semaphore, #tpu.memory_space<semaphore_mem>>)
    %dma_wait3A_240 = arith.constant 4 : i32
    %dma_wait3A_241 = arith.constant 0 : i32
    %dma_wait3A_242 = tpu.memref_slice %arg7[%dma_wait3A_240, %dma_wait3A_241] : memref<16x32xi32, #tpu.memory_space<vmem>> -> memref<1x32xi32, #tpu.memory_space<vmem>>
    %dma_wait3A_243 = tpu.memref_squeeze %dma_wait3A_242 : memref<1x32xi32, #tpu.memory_space<vmem>> -> memref<32xi32, #tpu.memory_space<vmem>>
    %dma_wait3A_244 = arith.constant 0 : i32
    %dma_wait3A_245 = arith.constant 0 : i32
    %dma_wait3A_246 = tpu.memref_slice %arg2[%dma_wait3A_244, %dma_wait3A_245] : memref<8192x1024xf32, #tpu.memory_space<hbm>> -> memref<8192x1024xf32, #tpu.memory_space<hbm>>
    tpu.wait_indirect_dma semaphore(%arg10 : memref<!tpu.dma_semaphore, #tpu.memory_space<semaphore_mem>>) src(%dma_wait3A_246 : memref<8192x1024xf32, #tpu.memory_space<hbm>>) dst(%arg8 : memref<32x1024xf32, #tpu.memory_space<vmem>>)
    %add3A_247 = arith.constant 4 : i32
    %add3A_248 = arith.addi %mul3A_4, %add3A_247 : i32
    %convert_element_type3A_249 = arith.extui %lt3A_1 : i1 to i32
    %cond3A_250 = arith.constant 0 : i32
    %cond3A_251 = arith.cmpi ne, %convert_element_type3A_249, %cond3A_250 : i32
    scf.if %cond3A_251 {
      %mul3A_898 = arith.constant 32 : i32
      %mul3A_899 = arith.muli %add3A_248, %mul3A_898 : i32
      "tpu.region"() ({
        %run_scoped3A = tpu.sem_alloc : memref<!tpu.dma_semaphore, #tpu.memory_space<semaphore_mem>>
        %dma_start3A_900 = arith.constant 0 : i32
        %dma_start3A_901 = tpu.memref_slice %arg5[%mul3A_899, %dma_start3A_900] : memref<8192x1024xf32, #tpu.memory_space<hbm>> -> memref<32x1024xf32, #tpu.memory_space<hbm>>
        %dma_start3A_902 = arith.constant 0 : i32
        %dma_start3A_903 = tpu.memref_slice %arg5[%mul3A_899, %dma_start3A_902] : memref<8192x1024xf32, #tpu.memory_space<hbm>> -> memref<32x1024xf32, #tpu.memory_space<hbm>>
        tpu.enqueue_dma source(%arg8 : memref<32x1024xf32, #tpu.memory_space<vmem>>) target(%dma_start3A_903 : memref<32x1024xf32, #tpu.memory_space<hbm>>) target_semaphore(%run_scoped3A : memref<!tpu.dma_semaphore, #tpu.memory_space<semaphore_mem>>)
        %dma_wait3A_904 = arith.constant 0 : i32
        %dma_wait3A_905 = tpu.memref_slice %arg5[%mul3A_899, %dma_wait3A_904] : memref<8192x1024xf32, #tpu.memory_space<hbm>> -> memref<32x1024xf32, #tpu.memory_space<hbm>>
        %dma_wait3A_906 = arith.constant 0 : i32
        %dma_wait3A_907 = tpu.memref_slice %arg5[%mul3A_899, %dma_wait3A_906] : memref<8192x1024xf32, #tpu.memory_space<hbm>> -> memref<32x1024xf32, #tpu.memory_space<hbm>>
        tpu.wait_dma2 semaphore(%run_scoped3A : memref<!tpu.dma_semaphore, #tpu.memory_space<semaphore_mem>>) src(%arg8 : memref<32x1024xf32, #tpu.memory_space<vmem>>) dst(%dma_wait3A_907 : memref<32x1024xf32, #tpu.memory_space<hbm>>)
        tpu.yield
      }) : () -> ()
    } else {
    }
    %jit3A_252 = arith.constant 64 : i32
    %div3A_253 = arith.divsi %add3A_248, %jit3A_252 : i32
    %sign3A_254 = arith.constant 0 : i32
    %sign3A_255 = arith.cmpi sgt, %add3A_248, %sign3A_254 : i32
    %sign3A_256 = arith.extui %sign3A_255 : i1 to i32
    %sign3A_257 = arith.constant 0 : i32
    %sign3A_258 = arith.cmpi slt, %add3A_248, %sign3A_257 : i32
    %sign3A_259 = arith.extui %sign3A_258 : i1 to i32
    %sign3A_260 = arith.subi %sign3A_256, %sign3A_259 : i32
    %sign3A_261 = arith.constant 0 : i32
    %sign3A_262 = arith.cmpi sgt, %jit3A_252, %sign3A_261 : i32
    %sign3A_263 = arith.extui %sign3A_262 : i1 to i32
    %sign3A_264 = arith.constant 0 : i32
    %sign3A_265 = arith.cmpi slt, %jit3A_252, %sign3A_264 : i32
    %sign3A_266 = arith.extui %sign3A_265 : i1 to i32
    %sign3A_267 = arith.subi %sign3A_263, %sign3A_266 : i32
    %ne3A_268 = arith.cmpi ne, %sign3A_260, %sign3A_267 : i32
    %rem3A_269 = arith.remsi %add3A_248, %jit3A_252 : i32
    %ne3A_270 = arith.constant 0 : i32
    %ne3A_271 = arith.cmpi ne, %rem3A_269, %ne3A_270 : i32
    %and3A_272 = arith.andi %ne3A_268, %ne3A_271 : i1
    %sub3A_273 = arith.constant 1 : i32
    %sub3A_274 = arith.subi %div3A_253, %sub3A_273 : i32
    %select_n3A_275 = arith.select %and3A_272, %sub3A_274, %div3A_253 : i32
    %mul3A_276 = arith.constant 64 : i32
    %mul3A_277 = arith.muli %select_n3A_275, %mul3A_276 : i32
    %sub3A_278 = arith.subi %add3A_248, %mul3A_277 : i32
    %mul3A_279 = arith.constant 32 : i32
    %mul3A_280 = arith.muli %sub3A_278, %mul3A_279 : i32
    %not3A_281 = arith.constant true
    %not3A_282 = arith.xori %lt3A_1, %not3A_281 : i1
    %lt3A_283 = arith.constant 2016 : i32
    %lt3A_284 = arith.cmpi slt, %mul3A_280, %lt3A_283 : i32
    %and3A_285 = arith.andi %not3A_282, %lt3A_284 : i1
    %convert_element_type3A_286 = arith.extui %and3A_285 : i1 to i32
    %cond3A_287 = arith.constant 0 : i32
    %cond3A_288 = arith.cmpi ne, %convert_element_type3A_286, %cond3A_287 : i32
    scf.if %cond3A_288 {
      "tpu.region"() ({
        %run_scoped3A = tpu.sem_alloc : memref<!tpu.dma_semaphore, #tpu.memory_space<semaphore_mem>>
        %dma_start3A_898 = arith.constant 0 : i32
        %dma_start3A_899 = tpu.memref_slice %arg6[%select_n3A_275, %mul3A_280, %dma_start3A_898] : memref<4x2041x1024xf32, #tpu.memory_space<hbm>> -> memref<1x32x1024xf32, #tpu.memory_space<hbm>>
        %dma_start3A_900 = tpu.memref_squeeze %dma_start3A_899 : memref<1x32x1024xf32, #tpu.memory_space<hbm>> -> memref<32x1024xf32, #tpu.memory_space<hbm>>
        %dma_start3A_901 = arith.constant 0 : i32
        %dma_start3A_902 = tpu.memref_slice %arg6[%select_n3A_275, %mul3A_280, %dma_start3A_901] : memref<4x2041x1024xf32, #tpu.memory_space<hbm>> -> memref<1x32x1024xf32, #tpu.memory_space<hbm>>
        %dma_start3A_903 = tpu.memref_squeeze %dma_start3A_902 : memref<1x32x1024xf32, #tpu.memory_space<hbm>> -> memref<32x1024xf32, #tpu.memory_space<hbm>>
        tpu.enqueue_dma source(%arg8 : memref<32x1024xf32, #tpu.memory_space<vmem>>) target(%dma_start3A_903 : memref<32x1024xf32, #tpu.memory_space<hbm>>) target_semaphore(%run_scoped3A : memref<!tpu.dma_semaphore, #tpu.memory_space<semaphore_mem>>)
        %dma_wait3A_904 = arith.constant 0 : i32
        %dma_wait3A_905 = tpu.memref_slice %arg6[%select_n3A_275, %mul3A_280, %dma_wait3A_904] : memref<4x2041x1024xf32, #tpu.memory_space<hbm>> -> memref<1x32x1024xf32, #tpu.memory_space<hbm>>
        %dma_wait3A_906 = tpu.memref_squeeze %dma_wait3A_905 : memref<1x32x1024xf32, #tpu.memory_space<hbm>> -> memref<32x1024xf32, #tpu.memory_space<hbm>>
        %dma_wait3A_907 = arith.constant 0 : i32
        %dma_wait3A_908 = tpu.memref_slice %arg6[%select_n3A_275, %mul3A_280, %dma_wait3A_907] : memref<4x2041x1024xf32, #tpu.memory_space<hbm>> -> memref<1x32x1024xf32, #tpu.memory_space<hbm>>
        %dma_wait3A_909 = tpu.memref_squeeze %dma_wait3A_908 : memref<1x32x1024xf32, #tpu.memory_space<hbm>> -> memref<32x1024xf32, #tpu.memory_space<hbm>>
        tpu.wait_dma2 semaphore(%run_scoped3A : memref<!tpu.dma_semaphore, #tpu.memory_space<semaphore_mem>>) src(%arg8 : memref<32x1024xf32, #tpu.memory_space<vmem>>) dst(%dma_wait3A_909 : memref<32x1024xf32, #tpu.memory_space<hbm>>)
        tpu.yield
      }) : () -> ()
    } else {
    }
    %dma_start3A_289 = arith.constant 6 : i32
    %dma_start3A_290 = arith.constant 0 : i32
    %dma_start3A_291 = tpu.memref_slice %arg7[%dma_start3A_289, %dma_start3A_290] : memref<16x32xi32, #tpu.memory_space<vmem>> -> memref<1x32xi32, #tpu.memory_space<vmem>>
    %dma_start3A_292 = tpu.memref_squeeze %dma_start3A_291 : memref<1x32xi32, #tpu.memory_space<vmem>> -> memref<32xi32, #tpu.memory_space<vmem>>
    %dma_start3A_293 = arith.constant 0 : i32
    %dma_start3A_294 = arith.constant 0 : i32
    %dma_start3A_295 = tpu.memref_slice %arg2[%dma_start3A_293, %dma_start3A_294] : memref<8192x1024xf32, #tpu.memory_space<hbm>> -> memref<8192x1024xf32, #tpu.memory_space<hbm>>
    tpu.enqueue_indirect_dma source(%dma_start3A_295 : memref<8192x1024xf32, #tpu.memory_space<hbm>>) target(%arg8 : memref<32x1024xf32, #tpu.memory_space<vmem>>) offsets(%dma_start3A_292 : memref<32xi32, #tpu.memory_space<vmem>>) semaphore(%arg10 : memref<!tpu.dma_semaphore, #tpu.memory_space<semaphore_mem>>)
    %dma_wait3A_296 = arith.constant 5 : i32
    %dma_wait3A_297 = arith.constant 0 : i32
    %dma_wait3A_298 = tpu.memref_slice %arg7[%dma_wait3A_296, %dma_wait3A_297] : memref<16x32xi32, #tpu.memory_space<vmem>> -> memref<1x32xi32, #tpu.memory_space<vmem>>
    %dma_wait3A_299 = tpu.memref_squeeze %dma_wait3A_298 : memref<1x32xi32, #tpu.memory_space<vmem>> -> memref<32xi32, #tpu.memory_space<vmem>>
    %dma_wait3A_300 = arith.constant 0 : i32
    %dma_wait3A_301 = arith.constant 0 : i32
    %dma_wait3A_302 = tpu.memref_slice %arg2[%dma_wait3A_300, %dma_wait3A_301] : memref<8192x1024xf32, #tpu.memory_space<hbm>> -> memref<8192x1024xf32, #tpu.memory_space<hbm>>
    tpu.wait_indirect_dma semaphore(%arg11 : memref<!tpu.dma_semaphore, #tpu.memory_space<semaphore_mem>>) src(%dma_wait3A_302 : memref<8192x1024xf32, #tpu.memory_space<hbm>>) dst(%arg9 : memref<32x1024xf32, #tpu.memory_space<vmem>>)
    %add3A_303 = arith.constant 5 : i32
    %add3A_304 = arith.addi %mul3A_4, %add3A_303 : i32
    %convert_element_type3A_305 = arith.extui %lt3A_1 : i1 to i32
    %cond3A_306 = arith.constant 0 : i32
    %cond3A_307 = arith.cmpi ne, %convert_element_type3A_305, %cond3A_306 : i32
    scf.if %cond3A_307 {
      %mul3A_898 = arith.constant 32 : i32
      %mul3A_899 = arith.muli %add3A_304, %mul3A_898 : i32
      "tpu.region"() ({
        %run_scoped3A = tpu.sem_alloc : memref<!tpu.dma_semaphore, #tpu.memory_space<semaphore_mem>>
        %dma_start3A_900 = arith.constant 0 : i32
        %dma_start3A_901 = tpu.memref_slice %arg5[%mul3A_899, %dma_start3A_900] : memref<8192x1024xf32, #tpu.memory_space<hbm>> -> memref<32x1024xf32, #tpu.memory_space<hbm>>
        %dma_start3A_902 = arith.constant 0 : i32
        %dma_start3A_903 = tpu.memref_slice %arg5[%mul3A_899, %dma_start3A_902] : memref<8192x1024xf32, #tpu.memory_space<hbm>> -> memref<32x1024xf32, #tpu.memory_space<hbm>>
        tpu.enqueue_dma source(%arg9 : memref<32x1024xf32, #tpu.memory_space<vmem>>) target(%dma_start3A_903 : memref<32x1024xf32, #tpu.memory_space<hbm>>) target_semaphore(%run_scoped3A : memref<!tpu.dma_semaphore, #tpu.memory_space<semaphore_mem>>)
        %dma_wait3A_904 = arith.constant 0 : i32
        %dma_wait3A_905 = tpu.memref_slice %arg5[%mul3A_899, %dma_wait3A_904] : memref<8192x1024xf32, #tpu.memory_space<hbm>> -> memref<32x1024xf32, #tpu.memory_space<hbm>>
        %dma_wait3A_906 = arith.constant 0 : i32
        %dma_wait3A_907 = tpu.memref_slice %arg5[%mul3A_899, %dma_wait3A_906] : memref<8192x1024xf32, #tpu.memory_space<hbm>> -> memref<32x1024xf32, #tpu.memory_space<hbm>>
        tpu.wait_dma2 semaphore(%run_scoped3A : memref<!tpu.dma_semaphore, #tpu.memory_space<semaphore_mem>>) src(%arg9 : memref<32x1024xf32, #tpu.memory_space<vmem>>) dst(%dma_wait3A_907 : memref<32x1024xf32, #tpu.memory_space<hbm>>)
        tpu.yield
      }) : () -> ()
    } else {
    }
    %jit3A_308 = arith.constant 64 : i32
    %div3A_309 = arith.divsi %add3A_304, %jit3A_308 : i32
    %sign3A_310 = arith.constant 0 : i32
    %sign3A_311 = arith.cmpi sgt, %add3A_304, %sign3A_310 : i32
    %sign3A_312 = arith.extui %sign3A_311 : i1 to i32
    %sign3A_313 = arith.constant 0 : i32
    %sign3A_314 = arith.cmpi slt, %add3A_304, %sign3A_313 : i32
    %sign3A_315 = arith.extui %sign3A_314 : i1 to i32
    %sign3A_316 = arith.subi %sign3A_312, %sign3A_315 : i32
    %sign3A_317 = arith.constant 0 : i32
    %sign3A_318 = arith.cmpi sgt, %jit3A_308, %sign3A_317 : i32
    %sign3A_319 = arith.extui %sign3A_318 : i1 to i32
    %sign3A_320 = arith.constant 0 : i32
    %sign3A_321 = arith.cmpi slt, %jit3A_308, %sign3A_320 : i32
    %sign3A_322 = arith.extui %sign3A_321 : i1 to i32
    %sign3A_323 = arith.subi %sign3A_319, %sign3A_322 : i32
    %ne3A_324 = arith.cmpi ne, %sign3A_316, %sign3A_323 : i32
    %rem3A_325 = arith.remsi %add3A_304, %jit3A_308 : i32
    %ne3A_326 = arith.constant 0 : i32
    %ne3A_327 = arith.cmpi ne, %rem3A_325, %ne3A_326 : i32
    %and3A_328 = arith.andi %ne3A_324, %ne3A_327 : i1
    %sub3A_329 = arith.constant 1 : i32
    %sub3A_330 = arith.subi %div3A_309, %sub3A_329 : i32
    %select_n3A_331 = arith.select %and3A_328, %sub3A_330, %div3A_309 : i32
    %mul3A_332 = arith.constant 64 : i32
    %mul3A_333 = arith.muli %select_n3A_331, %mul3A_332 : i32
    %sub3A_334 = arith.subi %add3A_304, %mul3A_333 : i32
    %mul3A_335 = arith.constant 32 : i32
    %mul3A_336 = arith.muli %sub3A_334, %mul3A_335 : i32
    %not3A_337 = arith.constant true
    %not3A_338 = arith.xori %lt3A_1, %not3A_337 : i1
    %lt3A_339 = arith.constant 2016 : i32
    %lt3A_340 = arith.cmpi slt, %mul3A_336, %lt3A_339 : i32
    %and3A_341 = arith.andi %not3A_338, %lt3A_340 : i1
    %convert_element_type3A_342 = arith.extui %and3A_341 : i1 to i32
    %cond3A_343 = arith.constant 0 : i32
    %cond3A_344 = arith.cmpi ne, %convert_element_type3A_342, %cond3A_343 : i32
    scf.if %cond3A_344 {
      "tpu.region"() ({
        %run_scoped3A = tpu.sem_alloc : memref<!tpu.dma_semaphore, #tpu.memory_space<semaphore_mem>>
        %dma_start3A_898 = arith.constant 0 : i32
        %dma_start3A_899 = tpu.memref_slice %arg6[%select_n3A_331, %mul3A_336, %dma_start3A_898] : memref<4x2041x1024xf32, #tpu.memory_space<hbm>> -> memref<1x32x1024xf32, #tpu.memory_space<hbm>>
        %dma_start3A_900 = tpu.memref_squeeze %dma_start3A_899 : memref<1x32x1024xf32, #tpu.memory_space<hbm>> -> memref<32x1024xf32, #tpu.memory_space<hbm>>
        %dma_start3A_901 = arith.constant 0 : i32
        %dma_start3A_902 = tpu.memref_slice %arg6[%select_n3A_331, %mul3A_336, %dma_start3A_901] : memref<4x2041x1024xf32, #tpu.memory_space<hbm>> -> memref<1x32x1024xf32, #tpu.memory_space<hbm>>
        %dma_start3A_903 = tpu.memref_squeeze %dma_start3A_902 : memref<1x32x1024xf32, #tpu.memory_space<hbm>> -> memref<32x1024xf32, #tpu.memory_space<hbm>>
        tpu.enqueue_dma source(%arg9 : memref<32x1024xf32, #tpu.memory_space<vmem>>) target(%dma_start3A_903 : memref<32x1024xf32, #tpu.memory_space<hbm>>) target_semaphore(%run_scoped3A : memref<!tpu.dma_semaphore, #tpu.memory_space<semaphore_mem>>)
        %dma_wait3A_904 = arith.constant 0 : i32
        %dma_wait3A_905 = tpu.memref_slice %arg6[%select_n3A_331, %mul3A_336, %dma_wait3A_904] : memref<4x2041x1024xf32, #tpu.memory_space<hbm>> -> memref<1x32x1024xf32, #tpu.memory_space<hbm>>
        %dma_wait3A_906 = tpu.memref_squeeze %dma_wait3A_905 : memref<1x32x1024xf32, #tpu.memory_space<hbm>> -> memref<32x1024xf32, #tpu.memory_space<hbm>>
        %dma_wait3A_907 = arith.constant 0 : i32
        %dma_wait3A_908 = tpu.memref_slice %arg6[%select_n3A_331, %mul3A_336, %dma_wait3A_907] : memref<4x2041x1024xf32, #tpu.memory_space<hbm>> -> memref<1x32x1024xf32, #tpu.memory_space<hbm>>
        %dma_wait3A_909 = tpu.memref_squeeze %dma_wait3A_908 : memref<1x32x1024xf32, #tpu.memory_space<hbm>> -> memref<32x1024xf32, #tpu.memory_space<hbm>>
        tpu.wait_dma2 semaphore(%run_scoped3A : memref<!tpu.dma_semaphore, #tpu.memory_space<semaphore_mem>>) src(%arg9 : memref<32x1024xf32, #tpu.memory_space<vmem>>) dst(%dma_wait3A_909 : memref<32x1024xf32, #tpu.memory_space<hbm>>)
        tpu.yield
      }) : () -> ()
    } else {
    }
    %dma_start3A_345 = arith.constant 7 : i32
    %dma_start3A_346 = arith.constant 0 : i32
    %dma_start3A_347 = tpu.memref_slice %arg7[%dma_start3A_345, %dma_start3A_346] : memref<16x32xi32, #tpu.memory_space<vmem>> -> memref<1x32xi32, #tpu.memory_space<vmem>>
    %dma_start3A_348 = tpu.memref_squeeze %dma_start3A_347 : memref<1x32xi32, #tpu.memory_space<vmem>> -> memref<32xi32, #tpu.memory_space<vmem>>
    %dma_start3A_349 = arith.constant 0 : i32
    %dma_start3A_350 = arith.constant 0 : i32
    %dma_start3A_351 = tpu.memref_slice %arg2[%dma_start3A_349, %dma_start3A_350] : memref<8192x1024xf32, #tpu.memory_space<hbm>> -> memref<8192x1024xf32, #tpu.memory_space<hbm>>
    tpu.enqueue_indirect_dma source(%dma_start3A_351 : memref<8192x1024xf32, #tpu.memory_space<hbm>>) target(%arg9 : memref<32x1024xf32, #tpu.memory_space<vmem>>) offsets(%dma_start3A_348 : memref<32xi32, #tpu.memory_space<vmem>>) semaphore(%arg11 : memref<!tpu.dma_semaphore, #tpu.memory_space<semaphore_mem>>)
    %dma_wait3A_352 = arith.constant 6 : i32
    %dma_wait3A_353 = arith.constant 0 : i32
    %dma_wait3A_354 = tpu.memref_slice %arg7[%dma_wait3A_352, %dma_wait3A_353] : memref<16x32xi32, #tpu.memory_space<vmem>> -> memref<1x32xi32, #tpu.memory_space<vmem>>
    %dma_wait3A_355 = tpu.memref_squeeze %dma_wait3A_354 : memref<1x32xi32, #tpu.memory_space<vmem>> -> memref<32xi32, #tpu.memory_space<vmem>>
    %dma_wait3A_356 = arith.constant 0 : i32
    %dma_wait3A_357 = arith.constant 0 : i32
    %dma_wait3A_358 = tpu.memref_slice %arg2[%dma_wait3A_356, %dma_wait3A_357] : memref<8192x1024xf32, #tpu.memory_space<hbm>> -> memref<8192x1024xf32, #tpu.memory_space<hbm>>
    tpu.wait_indirect_dma semaphore(%arg10 : memref<!tpu.dma_semaphore, #tpu.memory_space<semaphore_mem>>) src(%dma_wait3A_358 : memref<8192x1024xf32, #tpu.memory_space<hbm>>) dst(%arg8 : memref<32x1024xf32, #tpu.memory_space<vmem>>)
    %add3A_359 = arith.constant 6 : i32
    %add3A_360 = arith.addi %mul3A_4, %add3A_359 : i32
    %convert_element_type3A_361 = arith.extui %lt3A_1 : i1 to i32
    %cond3A_362 = arith.constant 0 : i32
    %cond3A_363 = arith.cmpi ne, %convert_element_type3A_361, %cond3A_362 : i32
    scf.if %cond3A_363 {
      %mul3A_898 = arith.constant 32 : i32
      %mul3A_899 = arith.muli %add3A_360, %mul3A_898 : i32
      "tpu.region"() ({
        %run_scoped3A = tpu.sem_alloc : memref<!tpu.dma_semaphore, #tpu.memory_space<semaphore_mem>>
        %dma_start3A_900 = arith.constant 0 : i32
        %dma_start3A_901 = tpu.memref_slice %arg5[%mul3A_899, %dma_start3A_900] : memref<8192x1024xf32, #tpu.memory_space<hbm>> -> memref<32x1024xf32, #tpu.memory_space<hbm>>
        %dma_start3A_902 = arith.constant 0 : i32
        %dma_start3A_903 = tpu.memref_slice %arg5[%mul3A_899, %dma_start3A_902] : memref<8192x1024xf32, #tpu.memory_space<hbm>> -> memref<32x1024xf32, #tpu.memory_space<hbm>>
        tpu.enqueue_dma source(%arg8 : memref<32x1024xf32, #tpu.memory_space<vmem>>) target(%dma_start3A_903 : memref<32x1024xf32, #tpu.memory_space<hbm>>) target_semaphore(%run_scoped3A : memref<!tpu.dma_semaphore, #tpu.memory_space<semaphore_mem>>)
        %dma_wait3A_904 = arith.constant 0 : i32
        %dma_wait3A_905 = tpu.memref_slice %arg5[%mul3A_899, %dma_wait3A_904] : memref<8192x1024xf32, #tpu.memory_space<hbm>> -> memref<32x1024xf32, #tpu.memory_space<hbm>>
        %dma_wait3A_906 = arith.constant 0 : i32
        %dma_wait3A_907 = tpu.memref_slice %arg5[%mul3A_899, %dma_wait3A_906] : memref<8192x1024xf32, #tpu.memory_space<hbm>> -> memref<32x1024xf32, #tpu.memory_space<hbm>>
        tpu.wait_dma2 semaphore(%run_scoped3A : memref<!tpu.dma_semaphore, #tpu.memory_space<semaphore_mem>>) src(%arg8 : memref<32x1024xf32, #tpu.memory_space<vmem>>) dst(%dma_wait3A_907 : memref<32x1024xf32, #tpu.memory_space<hbm>>)
        tpu.yield
      }) : () -> ()
    } else {
    }
    %jit3A_364 = arith.constant 64 : i32
    %div3A_365 = arith.divsi %add3A_360, %jit3A_364 : i32
    %sign3A_366 = arith.constant 0 : i32
    %sign3A_367 = arith.cmpi sgt, %add3A_360, %sign3A_366 : i32
    %sign3A_368 = arith.extui %sign3A_367 : i1 to i32
    %sign3A_369 = arith.constant 0 : i32
    %sign3A_370 = arith.cmpi slt, %add3A_360, %sign3A_369 : i32
    %sign3A_371 = arith.extui %sign3A_370 : i1 to i32
    %sign3A_372 = arith.subi %sign3A_368, %sign3A_371 : i32
    %sign3A_373 = arith.constant 0 : i32
    %sign3A_374 = arith.cmpi sgt, %jit3A_364, %sign3A_373 : i32
    %sign3A_375 = arith.extui %sign3A_374 : i1 to i32
    %sign3A_376 = arith.constant 0 : i32
    %sign3A_377 = arith.cmpi slt, %jit3A_364, %sign3A_376 : i32
    %sign3A_378 = arith.extui %sign3A_377 : i1 to i32
    %sign3A_379 = arith.subi %sign3A_375, %sign3A_378 : i32
    %ne3A_380 = arith.cmpi ne, %sign3A_372, %sign3A_379 : i32
    %rem3A_381 = arith.remsi %add3A_360, %jit3A_364 : i32
    %ne3A_382 = arith.constant 0 : i32
    %ne3A_383 = arith.cmpi ne, %rem3A_381, %ne3A_382 : i32
    %and3A_384 = arith.andi %ne3A_380, %ne3A_383 : i1
    %sub3A_385 = arith.constant 1 : i32
    %sub3A_386 = arith.subi %div3A_365, %sub3A_385 : i32
    %select_n3A_387 = arith.select %and3A_384, %sub3A_386, %div3A_365 : i32
    %mul3A_388 = arith.constant 64 : i32
    %mul3A_389 = arith.muli %select_n3A_387, %mul3A_388 : i32
    %sub3A_390 = arith.subi %add3A_360, %mul3A_389 : i32
    %mul3A_391 = arith.constant 32 : i32
    %mul3A_392 = arith.muli %sub3A_390, %mul3A_391 : i32
    %not3A_393 = arith.constant true
    %not3A_394 = arith.xori %lt3A_1, %not3A_393 : i1
    %lt3A_395 = arith.constant 2016 : i32
    %lt3A_396 = arith.cmpi slt, %mul3A_392, %lt3A_395 : i32
    %and3A_397 = arith.andi %not3A_394, %lt3A_396 : i1
    %convert_element_type3A_398 = arith.extui %and3A_397 : i1 to i32
    %cond3A_399 = arith.constant 0 : i32
    %cond3A_400 = arith.cmpi ne, %convert_element_type3A_398, %cond3A_399 : i32
    scf.if %cond3A_400 {
      "tpu.region"() ({
        %run_scoped3A = tpu.sem_alloc : memref<!tpu.dma_semaphore, #tpu.memory_space<semaphore_mem>>
        %dma_start3A_898 = arith.constant 0 : i32
        %dma_start3A_899 = tpu.memref_slice %arg6[%select_n3A_387, %mul3A_392, %dma_start3A_898] : memref<4x2041x1024xf32, #tpu.memory_space<hbm>> -> memref<1x32x1024xf32, #tpu.memory_space<hbm>>
        %dma_start3A_900 = tpu.memref_squeeze %dma_start3A_899 : memref<1x32x1024xf32, #tpu.memory_space<hbm>> -> memref<32x1024xf32, #tpu.memory_space<hbm>>
        %dma_start3A_901 = arith.constant 0 : i32
        %dma_start3A_902 = tpu.memref_slice %arg6[%select_n3A_387, %mul3A_392, %dma_start3A_901] : memref<4x2041x1024xf32, #tpu.memory_space<hbm>> -> memref<1x32x1024xf32, #tpu.memory_space<hbm>>
        %dma_start3A_903 = tpu.memref_squeeze %dma_start3A_902 : memref<1x32x1024xf32, #tpu.memory_space<hbm>> -> memref<32x1024xf32, #tpu.memory_space<hbm>>
        tpu.enqueue_dma source(%arg8 : memref<32x1024xf32, #tpu.memory_space<vmem>>) target(%dma_start3A_903 : memref<32x1024xf32, #tpu.memory_space<hbm>>) target_semaphore(%run_scoped3A : memref<!tpu.dma_semaphore, #tpu.memory_space<semaphore_mem>>)
        %dma_wait3A_904 = arith.constant 0 : i32
        %dma_wait3A_905 = tpu.memref_slice %arg6[%select_n3A_387, %mul3A_392, %dma_wait3A_904] : memref<4x2041x1024xf32, #tpu.memory_space<hbm>> -> memref<1x32x1024xf32, #tpu.memory_space<hbm>>
        %dma_wait3A_906 = tpu.memref_squeeze %dma_wait3A_905 : memref<1x32x1024xf32, #tpu.memory_space<hbm>> -> memref<32x1024xf32, #tpu.memory_space<hbm>>
        %dma_wait3A_907 = arith.constant 0 : i32
        %dma_wait3A_908 = tpu.memref_slice %arg6[%select_n3A_387, %mul3A_392, %dma_wait3A_907] : memref<4x2041x1024xf32, #tpu.memory_space<hbm>> -> memref<1x32x1024xf32, #tpu.memory_space<hbm>>
        %dma_wait3A_909 = tpu.memref_squeeze %dma_wait3A_908 : memref<1x32x1024xf32, #tpu.memory_space<hbm>> -> memref<32x1024xf32, #tpu.memory_space<hbm>>
        tpu.wait_dma2 semaphore(%run_scoped3A : memref<!tpu.dma_semaphore, #tpu.memory_space<semaphore_mem>>) src(%arg8 : memref<32x1024xf32, #tpu.memory_space<vmem>>) dst(%dma_wait3A_909 : memref<32x1024xf32, #tpu.memory_space<hbm>>)
        tpu.yield
      }) : () -> ()
    } else {
    }
    %dma_start3A_401 = arith.constant 8 : i32
    %dma_start3A_402 = arith.constant 0 : i32
    %dma_start3A_403 = tpu.memref_slice %arg7[%dma_start3A_401, %dma_start3A_402] : memref<16x32xi32, #tpu.memory_space<vmem>> -> memref<1x32xi32, #tpu.memory_space<vmem>>
    %dma_start3A_404 = tpu.memref_squeeze %dma_start3A_403 : memref<1x32xi32, #tpu.memory_space<vmem>> -> memref<32xi32, #tpu.memory_space<vmem>>
    %dma_start3A_405 = arith.constant 0 : i32
    %dma_start3A_406 = arith.constant 0 : i32
    %dma_start3A_407 = tpu.memref_slice %arg2[%dma_start3A_405, %dma_start3A_406] : memref<8192x1024xf32, #tpu.memory_space<hbm>> -> memref<8192x1024xf32, #tpu.memory_space<hbm>>
    tpu.enqueue_indirect_dma source(%dma_start3A_407 : memref<8192x1024xf32, #tpu.memory_space<hbm>>) target(%arg8 : memref<32x1024xf32, #tpu.memory_space<vmem>>) offsets(%dma_start3A_404 : memref<32xi32, #tpu.memory_space<vmem>>) semaphore(%arg10 : memref<!tpu.dma_semaphore, #tpu.memory_space<semaphore_mem>>)
    %dma_wait3A_408 = arith.constant 7 : i32
    %dma_wait3A_409 = arith.constant 0 : i32
    %dma_wait3A_410 = tpu.memref_slice %arg7[%dma_wait3A_408, %dma_wait3A_409] : memref<16x32xi32, #tpu.memory_space<vmem>> -> memref<1x32xi32, #tpu.memory_space<vmem>>
    %dma_wait3A_411 = tpu.memref_squeeze %dma_wait3A_410 : memref<1x32xi32, #tpu.memory_space<vmem>> -> memref<32xi32, #tpu.memory_space<vmem>>
    %dma_wait3A_412 = arith.constant 0 : i32
    %dma_wait3A_413 = arith.constant 0 : i32
    %dma_wait3A_414 = tpu.memref_slice %arg2[%dma_wait3A_412, %dma_wait3A_413] : memref<8192x1024xf32, #tpu.memory_space<hbm>> -> memref<8192x1024xf32, #tpu.memory_space<hbm>>
    tpu.wait_indirect_dma semaphore(%arg11 : memref<!tpu.dma_semaphore, #tpu.memory_space<semaphore_mem>>) src(%dma_wait3A_414 : memref<8192x1024xf32, #tpu.memory_space<hbm>>) dst(%arg9 : memref<32x1024xf32, #tpu.memory_space<vmem>>)
    %add3A_415 = arith.constant 7 : i32
    %add3A_416 = arith.addi %mul3A_4, %add3A_415 : i32
    %convert_element_type3A_417 = arith.extui %lt3A_1 : i1 to i32
    %cond3A_418 = arith.constant 0 : i32
    %cond3A_419 = arith.cmpi ne, %convert_element_type3A_417, %cond3A_418 : i32
    scf.if %cond3A_419 {
      %mul3A_898 = arith.constant 32 : i32
      %mul3A_899 = arith.muli %add3A_416, %mul3A_898 : i32
      "tpu.region"() ({
        %run_scoped3A = tpu.sem_alloc : memref<!tpu.dma_semaphore, #tpu.memory_space<semaphore_mem>>
        %dma_start3A_900 = arith.constant 0 : i32
        %dma_start3A_901 = tpu.memref_slice %arg5[%mul3A_899, %dma_start3A_900] : memref<8192x1024xf32, #tpu.memory_space<hbm>> -> memref<32x1024xf32, #tpu.memory_space<hbm>>
        %dma_start3A_902 = arith.constant 0 : i32
        %dma_start3A_903 = tpu.memref_slice %arg5[%mul3A_899, %dma_start3A_902] : memref<8192x1024xf32, #tpu.memory_space<hbm>> -> memref<32x1024xf32, #tpu.memory_space<hbm>>
        tpu.enqueue_dma source(%arg9 : memref<32x1024xf32, #tpu.memory_space<vmem>>) target(%dma_start3A_903 : memref<32x1024xf32, #tpu.memory_space<hbm>>) target_semaphore(%run_scoped3A : memref<!tpu.dma_semaphore, #tpu.memory_space<semaphore_mem>>)
        %dma_wait3A_904 = arith.constant 0 : i32
        %dma_wait3A_905 = tpu.memref_slice %arg5[%mul3A_899, %dma_wait3A_904] : memref<8192x1024xf32, #tpu.memory_space<hbm>> -> memref<32x1024xf32, #tpu.memory_space<hbm>>
        %dma_wait3A_906 = arith.constant 0 : i32
        %dma_wait3A_907 = tpu.memref_slice %arg5[%mul3A_899, %dma_wait3A_906] : memref<8192x1024xf32, #tpu.memory_space<hbm>> -> memref<32x1024xf32, #tpu.memory_space<hbm>>
        tpu.wait_dma2 semaphore(%run_scoped3A : memref<!tpu.dma_semaphore, #tpu.memory_space<semaphore_mem>>) src(%arg9 : memref<32x1024xf32, #tpu.memory_space<vmem>>) dst(%dma_wait3A_907 : memref<32x1024xf32, #tpu.memory_space<hbm>>)
        tpu.yield
      }) : () -> ()
    } else {
    }
    %jit3A_420 = arith.constant 64 : i32
    %div3A_421 = arith.divsi %add3A_416, %jit3A_420 : i32
    %sign3A_422 = arith.constant 0 : i32
    %sign3A_423 = arith.cmpi sgt, %add3A_416, %sign3A_422 : i32
    %sign3A_424 = arith.extui %sign3A_423 : i1 to i32
    %sign3A_425 = arith.constant 0 : i32
    %sign3A_426 = arith.cmpi slt, %add3A_416, %sign3A_425 : i32
    %sign3A_427 = arith.extui %sign3A_426 : i1 to i32
    %sign3A_428 = arith.subi %sign3A_424, %sign3A_427 : i32
    %sign3A_429 = arith.constant 0 : i32
    %sign3A_430 = arith.cmpi sgt, %jit3A_420, %sign3A_429 : i32
    %sign3A_431 = arith.extui %sign3A_430 : i1 to i32
    %sign3A_432 = arith.constant 0 : i32
    %sign3A_433 = arith.cmpi slt, %jit3A_420, %sign3A_432 : i32
    %sign3A_434 = arith.extui %sign3A_433 : i1 to i32
    %sign3A_435 = arith.subi %sign3A_431, %sign3A_434 : i32
    %ne3A_436 = arith.cmpi ne, %sign3A_428, %sign3A_435 : i32
    %rem3A_437 = arith.remsi %add3A_416, %jit3A_420 : i32
    %ne3A_438 = arith.constant 0 : i32
    %ne3A_439 = arith.cmpi ne, %rem3A_437, %ne3A_438 : i32
    %and3A_440 = arith.andi %ne3A_436, %ne3A_439 : i1
    %sub3A_441 = arith.constant 1 : i32
    %sub3A_442 = arith.subi %div3A_421, %sub3A_441 : i32
    %select_n3A_443 = arith.select %and3A_440, %sub3A_442, %div3A_421 : i32
    %mul3A_444 = arith.constant 64 : i32
    %mul3A_445 = arith.muli %select_n3A_443, %mul3A_444 : i32
    %sub3A_446 = arith.subi %add3A_416, %mul3A_445 : i32
    %mul3A_447 = arith.constant 32 : i32
    %mul3A_448 = arith.muli %sub3A_446, %mul3A_447 : i32
    %not3A_449 = arith.constant true
    %not3A_450 = arith.xori %lt3A_1, %not3A_449 : i1
    %lt3A_451 = arith.constant 2016 : i32
    %lt3A_452 = arith.cmpi slt, %mul3A_448, %lt3A_451 : i32
    %and3A_453 = arith.andi %not3A_450, %lt3A_452 : i1
    %convert_element_type3A_454 = arith.extui %and3A_453 : i1 to i32
    %cond3A_455 = arith.constant 0 : i32
    %cond3A_456 = arith.cmpi ne, %convert_element_type3A_454, %cond3A_455 : i32
    scf.if %cond3A_456 {
      "tpu.region"() ({
        %run_scoped3A = tpu.sem_alloc : memref<!tpu.dma_semaphore, #tpu.memory_space<semaphore_mem>>
        %dma_start3A_898 = arith.constant 0 : i32
        %dma_start3A_899 = tpu.memref_slice %arg6[%select_n3A_443, %mul3A_448, %dma_start3A_898] : memref<4x2041x1024xf32, #tpu.memory_space<hbm>> -> memref<1x32x1024xf32, #tpu.memory_space<hbm>>
        %dma_start3A_900 = tpu.memref_squeeze %dma_start3A_899 : memref<1x32x1024xf32, #tpu.memory_space<hbm>> -> memref<32x1024xf32, #tpu.memory_space<hbm>>
        %dma_start3A_901 = arith.constant 0 : i32
        %dma_start3A_902 = tpu.memref_slice %arg6[%select_n3A_443, %mul3A_448, %dma_start3A_901] : memref<4x2041x1024xf32, #tpu.memory_space<hbm>> -> memref<1x32x1024xf32, #tpu.memory_space<hbm>>
        %dma_start3A_903 = tpu.memref_squeeze %dma_start3A_902 : memref<1x32x1024xf32, #tpu.memory_space<hbm>> -> memref<32x1024xf32, #tpu.memory_space<hbm>>
        tpu.enqueue_dma source(%arg9 : memref<32x1024xf32, #tpu.memory_space<vmem>>) target(%dma_start3A_903 : memref<32x1024xf32, #tpu.memory_space<hbm>>) target_semaphore(%run_scoped3A : memref<!tpu.dma_semaphore, #tpu.memory_space<semaphore_mem>>)
        %dma_wait3A_904 = arith.constant 0 : i32
        %dma_wait3A_905 = tpu.memref_slice %arg6[%select_n3A_443, %mul3A_448, %dma_wait3A_904] : memref<4x2041x1024xf32, #tpu.memory_space<hbm>> -> memref<1x32x1024xf32, #tpu.memory_space<hbm>>
        %dma_wait3A_906 = tpu.memref_squeeze %dma_wait3A_905 : memref<1x32x1024xf32, #tpu.memory_space<hbm>> -> memref<32x1024xf32, #tpu.memory_space<hbm>>
        %dma_wait3A_907 = arith.constant 0 : i32
        %dma_wait3A_908 = tpu.memref_slice %arg6[%select_n3A_443, %mul3A_448, %dma_wait3A_907] : memref<4x2041x1024xf32, #tpu.memory_space<hbm>> -> memref<1x32x1024xf32, #tpu.memory_space<hbm>>
        %dma_wait3A_909 = tpu.memref_squeeze %dma_wait3A_908 : memref<1x32x1024xf32, #tpu.memory_space<hbm>> -> memref<32x1024xf32, #tpu.memory_space<hbm>>
        tpu.wait_dma2 semaphore(%run_scoped3A : memref<!tpu.dma_semaphore, #tpu.memory_space<semaphore_mem>>) src(%arg9 : memref<32x1024xf32, #tpu.memory_space<vmem>>) dst(%dma_wait3A_909 : memref<32x1024xf32, #tpu.memory_space<hbm>>)
        tpu.yield
      }) : () -> ()
    } else {
    }
    %dma_start3A_457 = arith.constant 9 : i32
    %dma_start3A_458 = arith.constant 0 : i32
    %dma_start3A_459 = tpu.memref_slice %arg7[%dma_start3A_457, %dma_start3A_458] : memref<16x32xi32, #tpu.memory_space<vmem>> -> memref<1x32xi32, #tpu.memory_space<vmem>>
    %dma_start3A_460 = tpu.memref_squeeze %dma_start3A_459 : memref<1x32xi32, #tpu.memory_space<vmem>> -> memref<32xi32, #tpu.memory_space<vmem>>
    %dma_start3A_461 = arith.constant 0 : i32
    %dma_start3A_462 = arith.constant 0 : i32
    %dma_start3A_463 = tpu.memref_slice %arg2[%dma_start3A_461, %dma_start3A_462] : memref<8192x1024xf32, #tpu.memory_space<hbm>> -> memref<8192x1024xf32, #tpu.memory_space<hbm>>
    tpu.enqueue_indirect_dma source(%dma_start3A_463 : memref<8192x1024xf32, #tpu.memory_space<hbm>>) target(%arg9 : memref<32x1024xf32, #tpu.memory_space<vmem>>) offsets(%dma_start3A_460 : memref<32xi32, #tpu.memory_space<vmem>>) semaphore(%arg11 : memref<!tpu.dma_semaphore, #tpu.memory_space<semaphore_mem>>)
    %dma_wait3A_464 = arith.constant 8 : i32
    %dma_wait3A_465 = arith.constant 0 : i32
    %dma_wait3A_466 = tpu.memref_slice %arg7[%dma_wait3A_464, %dma_wait3A_465] : memref<16x32xi32, #tpu.memory_space<vmem>> -> memref<1x32xi32, #tpu.memory_space<vmem>>
    %dma_wait3A_467 = tpu.memref_squeeze %dma_wait3A_466 : memref<1x32xi32, #tpu.memory_space<vmem>> -> memref<32xi32, #tpu.memory_space<vmem>>
    %dma_wait3A_468 = arith.constant 0 : i32
    %dma_wait3A_469 = arith.constant 0 : i32
    %dma_wait3A_470 = tpu.memref_slice %arg2[%dma_wait3A_468, %dma_wait3A_469] : memref<8192x1024xf32, #tpu.memory_space<hbm>> -> memref<8192x1024xf32, #tpu.memory_space<hbm>>
    tpu.wait_indirect_dma semaphore(%arg10 : memref<!tpu.dma_semaphore, #tpu.memory_space<semaphore_mem>>) src(%dma_wait3A_470 : memref<8192x1024xf32, #tpu.memory_space<hbm>>) dst(%arg8 : memref<32x1024xf32, #tpu.memory_space<vmem>>)
    %add3A_471 = arith.constant 8 : i32
    %add3A_472 = arith.addi %mul3A_4, %add3A_471 : i32
    %convert_element_type3A_473 = arith.extui %lt3A_1 : i1 to i32
    %cond3A_474 = arith.constant 0 : i32
    %cond3A_475 = arith.cmpi ne, %convert_element_type3A_473, %cond3A_474 : i32
    scf.if %cond3A_475 {
      %mul3A_898 = arith.constant 32 : i32
      %mul3A_899 = arith.muli %add3A_472, %mul3A_898 : i32
      "tpu.region"() ({
        %run_scoped3A = tpu.sem_alloc : memref<!tpu.dma_semaphore, #tpu.memory_space<semaphore_mem>>
        %dma_start3A_900 = arith.constant 0 : i32
        %dma_start3A_901 = tpu.memref_slice %arg5[%mul3A_899, %dma_start3A_900] : memref<8192x1024xf32, #tpu.memory_space<hbm>> -> memref<32x1024xf32, #tpu.memory_space<hbm>>
        %dma_start3A_902 = arith.constant 0 : i32
        %dma_start3A_903 = tpu.memref_slice %arg5[%mul3A_899, %dma_start3A_902] : memref<8192x1024xf32, #tpu.memory_space<hbm>> -> memref<32x1024xf32, #tpu.memory_space<hbm>>
        tpu.enqueue_dma source(%arg8 : memref<32x1024xf32, #tpu.memory_space<vmem>>) target(%dma_start3A_903 : memref<32x1024xf32, #tpu.memory_space<hbm>>) target_semaphore(%run_scoped3A : memref<!tpu.dma_semaphore, #tpu.memory_space<semaphore_mem>>)
        %dma_wait3A_904 = arith.constant 0 : i32
        %dma_wait3A_905 = tpu.memref_slice %arg5[%mul3A_899, %dma_wait3A_904] : memref<8192x1024xf32, #tpu.memory_space<hbm>> -> memref<32x1024xf32, #tpu.memory_space<hbm>>
        %dma_wait3A_906 = arith.constant 0 : i32
        %dma_wait3A_907 = tpu.memref_slice %arg5[%mul3A_899, %dma_wait3A_906] : memref<8192x1024xf32, #tpu.memory_space<hbm>> -> memref<32x1024xf32, #tpu.memory_space<hbm>>
        tpu.wait_dma2 semaphore(%run_scoped3A : memref<!tpu.dma_semaphore, #tpu.memory_space<semaphore_mem>>) src(%arg8 : memref<32x1024xf32, #tpu.memory_space<vmem>>) dst(%dma_wait3A_907 : memref<32x1024xf32, #tpu.memory_space<hbm>>)
        tpu.yield
      }) : () -> ()
    } else {
    }
    %jit3A_476 = arith.constant 64 : i32
    %div3A_477 = arith.divsi %add3A_472, %jit3A_476 : i32
    %sign3A_478 = arith.constant 0 : i32
    %sign3A_479 = arith.cmpi sgt, %add3A_472, %sign3A_478 : i32
    %sign3A_480 = arith.extui %sign3A_479 : i1 to i32
    %sign3A_481 = arith.constant 0 : i32
    %sign3A_482 = arith.cmpi slt, %add3A_472, %sign3A_481 : i32
    %sign3A_483 = arith.extui %sign3A_482 : i1 to i32
    %sign3A_484 = arith.subi %sign3A_480, %sign3A_483 : i32
    %sign3A_485 = arith.constant 0 : i32
    %sign3A_486 = arith.cmpi sgt, %jit3A_476, %sign3A_485 : i32
    %sign3A_487 = arith.extui %sign3A_486 : i1 to i32
    %sign3A_488 = arith.constant 0 : i32
    %sign3A_489 = arith.cmpi slt, %jit3A_476, %sign3A_488 : i32
    %sign3A_490 = arith.extui %sign3A_489 : i1 to i32
    %sign3A_491 = arith.subi %sign3A_487, %sign3A_490 : i32
    %ne3A_492 = arith.cmpi ne, %sign3A_484, %sign3A_491 : i32
    %rem3A_493 = arith.remsi %add3A_472, %jit3A_476 : i32
    %ne3A_494 = arith.constant 0 : i32
    %ne3A_495 = arith.cmpi ne, %rem3A_493, %ne3A_494 : i32
    %and3A_496 = arith.andi %ne3A_492, %ne3A_495 : i1
    %sub3A_497 = arith.constant 1 : i32
    %sub3A_498 = arith.subi %div3A_477, %sub3A_497 : i32
    %select_n3A_499 = arith.select %and3A_496, %sub3A_498, %div3A_477 : i32
    %mul3A_500 = arith.constant 64 : i32
    %mul3A_501 = arith.muli %select_n3A_499, %mul3A_500 : i32
    %sub3A_502 = arith.subi %add3A_472, %mul3A_501 : i32
    %mul3A_503 = arith.constant 32 : i32
    %mul3A_504 = arith.muli %sub3A_502, %mul3A_503 : i32
    %not3A_505 = arith.constant true
    %not3A_506 = arith.xori %lt3A_1, %not3A_505 : i1
    %lt3A_507 = arith.constant 2016 : i32
    %lt3A_508 = arith.cmpi slt, %mul3A_504, %lt3A_507 : i32
    %and3A_509 = arith.andi %not3A_506, %lt3A_508 : i1
    %convert_element_type3A_510 = arith.extui %and3A_509 : i1 to i32
    %cond3A_511 = arith.constant 0 : i32
    %cond3A_512 = arith.cmpi ne, %convert_element_type3A_510, %cond3A_511 : i32
    scf.if %cond3A_512 {
      "tpu.region"() ({
        %run_scoped3A = tpu.sem_alloc : memref<!tpu.dma_semaphore, #tpu.memory_space<semaphore_mem>>
        %dma_start3A_898 = arith.constant 0 : i32
        %dma_start3A_899 = tpu.memref_slice %arg6[%select_n3A_499, %mul3A_504, %dma_start3A_898] : memref<4x2041x1024xf32, #tpu.memory_space<hbm>> -> memref<1x32x1024xf32, #tpu.memory_space<hbm>>
        %dma_start3A_900 = tpu.memref_squeeze %dma_start3A_899 : memref<1x32x1024xf32, #tpu.memory_space<hbm>> -> memref<32x1024xf32, #tpu.memory_space<hbm>>
        %dma_start3A_901 = arith.constant 0 : i32
        %dma_start3A_902 = tpu.memref_slice %arg6[%select_n3A_499, %mul3A_504, %dma_start3A_901] : memref<4x2041x1024xf32, #tpu.memory_space<hbm>> -> memref<1x32x1024xf32, #tpu.memory_space<hbm>>
        %dma_start3A_903 = tpu.memref_squeeze %dma_start3A_902 : memref<1x32x1024xf32, #tpu.memory_space<hbm>> -> memref<32x1024xf32, #tpu.memory_space<hbm>>
        tpu.enqueue_dma source(%arg8 : memref<32x1024xf32, #tpu.memory_space<vmem>>) target(%dma_start3A_903 : memref<32x1024xf32, #tpu.memory_space<hbm>>) target_semaphore(%run_scoped3A : memref<!tpu.dma_semaphore, #tpu.memory_space<semaphore_mem>>)
        %dma_wait3A_904 = arith.constant 0 : i32
        %dma_wait3A_905 = tpu.memref_slice %arg6[%select_n3A_499, %mul3A_504, %dma_wait3A_904] : memref<4x2041x1024xf32, #tpu.memory_space<hbm>> -> memref<1x32x1024xf32, #tpu.memory_space<hbm>>
        %dma_wait3A_906 = tpu.memref_squeeze %dma_wait3A_905 : memref<1x32x1024xf32, #tpu.memory_space<hbm>> -> memref<32x1024xf32, #tpu.memory_space<hbm>>
        %dma_wait3A_907 = arith.constant 0 : i32
        %dma_wait3A_908 = tpu.memref_slice %arg6[%select_n3A_499, %mul3A_504, %dma_wait3A_907] : memref<4x2041x1024xf32, #tpu.memory_space<hbm>> -> memref<1x32x1024xf32, #tpu.memory_space<hbm>>
        %dma_wait3A_909 = tpu.memref_squeeze %dma_wait3A_908 : memref<1x32x1024xf32, #tpu.memory_space<hbm>> -> memref<32x1024xf32, #tpu.memory_space<hbm>>
        tpu.wait_dma2 semaphore(%run_scoped3A : memref<!tpu.dma_semaphore, #tpu.memory_space<semaphore_mem>>) src(%arg8 : memref<32x1024xf32, #tpu.memory_space<vmem>>) dst(%dma_wait3A_909 : memref<32x1024xf32, #tpu.memory_space<hbm>>)
        tpu.yield
      }) : () -> ()
    } else {
    }
    %dma_start3A_513 = arith.constant 10 : i32
    %dma_start3A_514 = arith.constant 0 : i32
    %dma_start3A_515 = tpu.memref_slice %arg7[%dma_start3A_513, %dma_start3A_514] : memref<16x32xi32, #tpu.memory_space<vmem>> -> memref<1x32xi32, #tpu.memory_space<vmem>>
    %dma_start3A_516 = tpu.memref_squeeze %dma_start3A_515 : memref<1x32xi32, #tpu.memory_space<vmem>> -> memref<32xi32, #tpu.memory_space<vmem>>
    %dma_start3A_517 = arith.constant 0 : i32
    %dma_start3A_518 = arith.constant 0 : i32
    %dma_start3A_519 = tpu.memref_slice %arg2[%dma_start3A_517, %dma_start3A_518] : memref<8192x1024xf32, #tpu.memory_space<hbm>> -> memref<8192x1024xf32, #tpu.memory_space<hbm>>
    tpu.enqueue_indirect_dma source(%dma_start3A_519 : memref<8192x1024xf32, #tpu.memory_space<hbm>>) target(%arg8 : memref<32x1024xf32, #tpu.memory_space<vmem>>) offsets(%dma_start3A_516 : memref<32xi32, #tpu.memory_space<vmem>>) semaphore(%arg10 : memref<!tpu.dma_semaphore, #tpu.memory_space<semaphore_mem>>)
    %dma_wait3A_520 = arith.constant 9 : i32
    %dma_wait3A_521 = arith.constant 0 : i32
    %dma_wait3A_522 = tpu.memref_slice %arg7[%dma_wait3A_520, %dma_wait3A_521] : memref<16x32xi32, #tpu.memory_space<vmem>> -> memref<1x32xi32, #tpu.memory_space<vmem>>
    %dma_wait3A_523 = tpu.memref_squeeze %dma_wait3A_522 : memref<1x32xi32, #tpu.memory_space<vmem>> -> memref<32xi32, #tpu.memory_space<vmem>>
    %dma_wait3A_524 = arith.constant 0 : i32
    %dma_wait3A_525 = arith.constant 0 : i32
    %dma_wait3A_526 = tpu.memref_slice %arg2[%dma_wait3A_524, %dma_wait3A_525] : memref<8192x1024xf32, #tpu.memory_space<hbm>> -> memref<8192x1024xf32, #tpu.memory_space<hbm>>
    tpu.wait_indirect_dma semaphore(%arg11 : memref<!tpu.dma_semaphore, #tpu.memory_space<semaphore_mem>>) src(%dma_wait3A_526 : memref<8192x1024xf32, #tpu.memory_space<hbm>>) dst(%arg9 : memref<32x1024xf32, #tpu.memory_space<vmem>>)
    %add3A_527 = arith.constant 9 : i32
    %add3A_528 = arith.addi %mul3A_4, %add3A_527 : i32
    %convert_element_type3A_529 = arith.extui %lt3A_1 : i1 to i32
    %cond3A_530 = arith.constant 0 : i32
    %cond3A_531 = arith.cmpi ne, %convert_element_type3A_529, %cond3A_530 : i32
    scf.if %cond3A_531 {
      %mul3A_898 = arith.constant 32 : i32
      %mul3A_899 = arith.muli %add3A_528, %mul3A_898 : i32
      "tpu.region"() ({
        %run_scoped3A = tpu.sem_alloc : memref<!tpu.dma_semaphore, #tpu.memory_space<semaphore_mem>>
        %dma_start3A_900 = arith.constant 0 : i32
        %dma_start3A_901 = tpu.memref_slice %arg5[%mul3A_899, %dma_start3A_900] : memref<8192x1024xf32, #tpu.memory_space<hbm>> -> memref<32x1024xf32, #tpu.memory_space<hbm>>
        %dma_start3A_902 = arith.constant 0 : i32
        %dma_start3A_903 = tpu.memref_slice %arg5[%mul3A_899, %dma_start3A_902] : memref<8192x1024xf32, #tpu.memory_space<hbm>> -> memref<32x1024xf32, #tpu.memory_space<hbm>>
        tpu.enqueue_dma source(%arg9 : memref<32x1024xf32, #tpu.memory_space<vmem>>) target(%dma_start3A_903 : memref<32x1024xf32, #tpu.memory_space<hbm>>) target_semaphore(%run_scoped3A : memref<!tpu.dma_semaphore, #tpu.memory_space<semaphore_mem>>)
        %dma_wait3A_904 = arith.constant 0 : i32
        %dma_wait3A_905 = tpu.memref_slice %arg5[%mul3A_899, %dma_wait3A_904] : memref<8192x1024xf32, #tpu.memory_space<hbm>> -> memref<32x1024xf32, #tpu.memory_space<hbm>>
        %dma_wait3A_906 = arith.constant 0 : i32
        %dma_wait3A_907 = tpu.memref_slice %arg5[%mul3A_899, %dma_wait3A_906] : memref<8192x1024xf32, #tpu.memory_space<hbm>> -> memref<32x1024xf32, #tpu.memory_space<hbm>>
        tpu.wait_dma2 semaphore(%run_scoped3A : memref<!tpu.dma_semaphore, #tpu.memory_space<semaphore_mem>>) src(%arg9 : memref<32x1024xf32, #tpu.memory_space<vmem>>) dst(%dma_wait3A_907 : memref<32x1024xf32, #tpu.memory_space<hbm>>)
        tpu.yield
      }) : () -> ()
    } else {
    }
    %jit3A_532 = arith.constant 64 : i32
    %div3A_533 = arith.divsi %add3A_528, %jit3A_532 : i32
    %sign3A_534 = arith.constant 0 : i32
    %sign3A_535 = arith.cmpi sgt, %add3A_528, %sign3A_534 : i32
    %sign3A_536 = arith.extui %sign3A_535 : i1 to i32
    %sign3A_537 = arith.constant 0 : i32
    %sign3A_538 = arith.cmpi slt, %add3A_528, %sign3A_537 : i32
    %sign3A_539 = arith.extui %sign3A_538 : i1 to i32
    %sign3A_540 = arith.subi %sign3A_536, %sign3A_539 : i32
    %sign3A_541 = arith.constant 0 : i32
    %sign3A_542 = arith.cmpi sgt, %jit3A_532, %sign3A_541 : i32
    %sign3A_543 = arith.extui %sign3A_542 : i1 to i32
    %sign3A_544 = arith.constant 0 : i32
    %sign3A_545 = arith.cmpi slt, %jit3A_532, %sign3A_544 : i32
    %sign3A_546 = arith.extui %sign3A_545 : i1 to i32
    %sign3A_547 = arith.subi %sign3A_543, %sign3A_546 : i32
    %ne3A_548 = arith.cmpi ne, %sign3A_540, %sign3A_547 : i32
    %rem3A_549 = arith.remsi %add3A_528, %jit3A_532 : i32
    %ne3A_550 = arith.constant 0 : i32
    %ne3A_551 = arith.cmpi ne, %rem3A_549, %ne3A_550 : i32
    %and3A_552 = arith.andi %ne3A_548, %ne3A_551 : i1
    %sub3A_553 = arith.constant 1 : i32
    %sub3A_554 = arith.subi %div3A_533, %sub3A_553 : i32
    %select_n3A_555 = arith.select %and3A_552, %sub3A_554, %div3A_533 : i32
    %mul3A_556 = arith.constant 64 : i32
    %mul3A_557 = arith.muli %select_n3A_555, %mul3A_556 : i32
    %sub3A_558 = arith.subi %add3A_528, %mul3A_557 : i32
    %mul3A_559 = arith.constant 32 : i32
    %mul3A_560 = arith.muli %sub3A_558, %mul3A_559 : i32
    %not3A_561 = arith.constant true
    %not3A_562 = arith.xori %lt3A_1, %not3A_561 : i1
    %lt3A_563 = arith.constant 2016 : i32
    %lt3A_564 = arith.cmpi slt, %mul3A_560, %lt3A_563 : i32
    %and3A_565 = arith.andi %not3A_562, %lt3A_564 : i1
    %convert_element_type3A_566 = arith.extui %and3A_565 : i1 to i32
    %cond3A_567 = arith.constant 0 : i32
    %cond3A_568 = arith.cmpi ne, %convert_element_type3A_566, %cond3A_567 : i32
    scf.if %cond3A_568 {
      "tpu.region"() ({
        %run_scoped3A = tpu.sem_alloc : memref<!tpu.dma_semaphore, #tpu.memory_space<semaphore_mem>>
        %dma_start3A_898 = arith.constant 0 : i32
        %dma_start3A_899 = tpu.memref_slice %arg6[%select_n3A_555, %mul3A_560, %dma_start3A_898] : memref<4x2041x1024xf32, #tpu.memory_space<hbm>> -> memref<1x32x1024xf32, #tpu.memory_space<hbm>>
        %dma_start3A_900 = tpu.memref_squeeze %dma_start3A_899 : memref<1x32x1024xf32, #tpu.memory_space<hbm>> -> memref<32x1024xf32, #tpu.memory_space<hbm>>
        %dma_start3A_901 = arith.constant 0 : i32
        %dma_start3A_902 = tpu.memref_slice %arg6[%select_n3A_555, %mul3A_560, %dma_start3A_901] : memref<4x2041x1024xf32, #tpu.memory_space<hbm>> -> memref<1x32x1024xf32, #tpu.memory_space<hbm>>
        %dma_start3A_903 = tpu.memref_squeeze %dma_start3A_902 : memref<1x32x1024xf32, #tpu.memory_space<hbm>> -> memref<32x1024xf32, #tpu.memory_space<hbm>>
        tpu.enqueue_dma source(%arg9 : memref<32x1024xf32, #tpu.memory_space<vmem>>) target(%dma_start3A_903 : memref<32x1024xf32, #tpu.memory_space<hbm>>) target_semaphore(%run_scoped3A : memref<!tpu.dma_semaphore, #tpu.memory_space<semaphore_mem>>)
        %dma_wait3A_904 = arith.constant 0 : i32
        %dma_wait3A_905 = tpu.memref_slice %arg6[%select_n3A_555, %mul3A_560, %dma_wait3A_904] : memref<4x2041x1024xf32, #tpu.memory_space<hbm>> -> memref<1x32x1024xf32, #tpu.memory_space<hbm>>
        %dma_wait3A_906 = tpu.memref_squeeze %dma_wait3A_905 : memref<1x32x1024xf32, #tpu.memory_space<hbm>> -> memref<32x1024xf32, #tpu.memory_space<hbm>>
        %dma_wait3A_907 = arith.constant 0 : i32
        %dma_wait3A_908 = tpu.memref_slice %arg6[%select_n3A_555, %mul3A_560, %dma_wait3A_907] : memref<4x2041x1024xf32, #tpu.memory_space<hbm>> -> memref<1x32x1024xf32, #tpu.memory_space<hbm>>
        %dma_wait3A_909 = tpu.memref_squeeze %dma_wait3A_908 : memref<1x32x1024xf32, #tpu.memory_space<hbm>> -> memref<32x1024xf32, #tpu.memory_space<hbm>>
        tpu.wait_dma2 semaphore(%run_scoped3A : memref<!tpu.dma_semaphore, #tpu.memory_space<semaphore_mem>>) src(%arg9 : memref<32x1024xf32, #tpu.memory_space<vmem>>) dst(%dma_wait3A_909 : memref<32x1024xf32, #tpu.memory_space<hbm>>)
        tpu.yield
      }) : () -> ()
    } else {
    }
    %dma_start3A_569 = arith.constant 11 : i32
    %dma_start3A_570 = arith.constant 0 : i32
    %dma_start3A_571 = tpu.memref_slice %arg7[%dma_start3A_569, %dma_start3A_570] : memref<16x32xi32, #tpu.memory_space<vmem>> -> memref<1x32xi32, #tpu.memory_space<vmem>>
    %dma_start3A_572 = tpu.memref_squeeze %dma_start3A_571 : memref<1x32xi32, #tpu.memory_space<vmem>> -> memref<32xi32, #tpu.memory_space<vmem>>
    %dma_start3A_573 = arith.constant 0 : i32
    %dma_start3A_574 = arith.constant 0 : i32
    %dma_start3A_575 = tpu.memref_slice %arg2[%dma_start3A_573, %dma_start3A_574] : memref<8192x1024xf32, #tpu.memory_space<hbm>> -> memref<8192x1024xf32, #tpu.memory_space<hbm>>
    tpu.enqueue_indirect_dma source(%dma_start3A_575 : memref<8192x1024xf32, #tpu.memory_space<hbm>>) target(%arg9 : memref<32x1024xf32, #tpu.memory_space<vmem>>) offsets(%dma_start3A_572 : memref<32xi32, #tpu.memory_space<vmem>>) semaphore(%arg11 : memref<!tpu.dma_semaphore, #tpu.memory_space<semaphore_mem>>)
    %dma_wait3A_576 = arith.constant 10 : i32
    %dma_wait3A_577 = arith.constant 0 : i32
    %dma_wait3A_578 = tpu.memref_slice %arg7[%dma_wait3A_576, %dma_wait3A_577] : memref<16x32xi32, #tpu.memory_space<vmem>> -> memref<1x32xi32, #tpu.memory_space<vmem>>
    %dma_wait3A_579 = tpu.memref_squeeze %dma_wait3A_578 : memref<1x32xi32, #tpu.memory_space<vmem>> -> memref<32xi32, #tpu.memory_space<vmem>>
    %dma_wait3A_580 = arith.constant 0 : i32
    %dma_wait3A_581 = arith.constant 0 : i32
    %dma_wait3A_582 = tpu.memref_slice %arg2[%dma_wait3A_580, %dma_wait3A_581] : memref<8192x1024xf32, #tpu.memory_space<hbm>> -> memref<8192x1024xf32, #tpu.memory_space<hbm>>
    tpu.wait_indirect_dma semaphore(%arg10 : memref<!tpu.dma_semaphore, #tpu.memory_space<semaphore_mem>>) src(%dma_wait3A_582 : memref<8192x1024xf32, #tpu.memory_space<hbm>>) dst(%arg8 : memref<32x1024xf32, #tpu.memory_space<vmem>>)
    %add3A_583 = arith.constant 10 : i32
    %add3A_584 = arith.addi %mul3A_4, %add3A_583 : i32
    %convert_element_type3A_585 = arith.extui %lt3A_1 : i1 to i32
    %cond3A_586 = arith.constant 0 : i32
    %cond3A_587 = arith.cmpi ne, %convert_element_type3A_585, %cond3A_586 : i32
    scf.if %cond3A_587 {
      %mul3A_898 = arith.constant 32 : i32
      %mul3A_899 = arith.muli %add3A_584, %mul3A_898 : i32
      "tpu.region"() ({
        %run_scoped3A = tpu.sem_alloc : memref<!tpu.dma_semaphore, #tpu.memory_space<semaphore_mem>>
        %dma_start3A_900 = arith.constant 0 : i32
        %dma_start3A_901 = tpu.memref_slice %arg5[%mul3A_899, %dma_start3A_900] : memref<8192x1024xf32, #tpu.memory_space<hbm>> -> memref<32x1024xf32, #tpu.memory_space<hbm>>
        %dma_start3A_902 = arith.constant 0 : i32
        %dma_start3A_903 = tpu.memref_slice %arg5[%mul3A_899, %dma_start3A_902] : memref<8192x1024xf32, #tpu.memory_space<hbm>> -> memref<32x1024xf32, #tpu.memory_space<hbm>>
        tpu.enqueue_dma source(%arg8 : memref<32x1024xf32, #tpu.memory_space<vmem>>) target(%dma_start3A_903 : memref<32x1024xf32, #tpu.memory_space<hbm>>) target_semaphore(%run_scoped3A : memref<!tpu.dma_semaphore, #tpu.memory_space<semaphore_mem>>)
        %dma_wait3A_904 = arith.constant 0 : i32
        %dma_wait3A_905 = tpu.memref_slice %arg5[%mul3A_899, %dma_wait3A_904] : memref<8192x1024xf32, #tpu.memory_space<hbm>> -> memref<32x1024xf32, #tpu.memory_space<hbm>>
        %dma_wait3A_906 = arith.constant 0 : i32
        %dma_wait3A_907 = tpu.memref_slice %arg5[%mul3A_899, %dma_wait3A_906] : memref<8192x1024xf32, #tpu.memory_space<hbm>> -> memref<32x1024xf32, #tpu.memory_space<hbm>>
        tpu.wait_dma2 semaphore(%run_scoped3A : memref<!tpu.dma_semaphore, #tpu.memory_space<semaphore_mem>>) src(%arg8 : memref<32x1024xf32, #tpu.memory_space<vmem>>) dst(%dma_wait3A_907 : memref<32x1024xf32, #tpu.memory_space<hbm>>)
        tpu.yield
      }) : () -> ()
    } else {
    }
    %jit3A_588 = arith.constant 64 : i32
    %div3A_589 = arith.divsi %add3A_584, %jit3A_588 : i32
    %sign3A_590 = arith.constant 0 : i32
    %sign3A_591 = arith.cmpi sgt, %add3A_584, %sign3A_590 : i32
    %sign3A_592 = arith.extui %sign3A_591 : i1 to i32
    %sign3A_593 = arith.constant 0 : i32
    %sign3A_594 = arith.cmpi slt, %add3A_584, %sign3A_593 : i32
    %sign3A_595 = arith.extui %sign3A_594 : i1 to i32
    %sign3A_596 = arith.subi %sign3A_592, %sign3A_595 : i32
    %sign3A_597 = arith.constant 0 : i32
    %sign3A_598 = arith.cmpi sgt, %jit3A_588, %sign3A_597 : i32
    %sign3A_599 = arith.extui %sign3A_598 : i1 to i32
    %sign3A_600 = arith.constant 0 : i32
    %sign3A_601 = arith.cmpi slt, %jit3A_588, %sign3A_600 : i32
    %sign3A_602 = arith.extui %sign3A_601 : i1 to i32
    %sign3A_603 = arith.subi %sign3A_599, %sign3A_602 : i32
    %ne3A_604 = arith.cmpi ne, %sign3A_596, %sign3A_603 : i32
    %rem3A_605 = arith.remsi %add3A_584, %jit3A_588 : i32
    %ne3A_606 = arith.constant 0 : i32
    %ne3A_607 = arith.cmpi ne, %rem3A_605, %ne3A_606 : i32
    %and3A_608 = arith.andi %ne3A_604, %ne3A_607 : i1
    %sub3A_609 = arith.constant 1 : i32
    %sub3A_610 = arith.subi %div3A_589, %sub3A_609 : i32
    %select_n3A_611 = arith.select %and3A_608, %sub3A_610, %div3A_589 : i32
    %mul3A_612 = arith.constant 64 : i32
    %mul3A_613 = arith.muli %select_n3A_611, %mul3A_612 : i32
    %sub3A_614 = arith.subi %add3A_584, %mul3A_613 : i32
    %mul3A_615 = arith.constant 32 : i32
    %mul3A_616 = arith.muli %sub3A_614, %mul3A_615 : i32
    %not3A_617 = arith.constant true
    %not3A_618 = arith.xori %lt3A_1, %not3A_617 : i1
    %lt3A_619 = arith.constant 2016 : i32
    %lt3A_620 = arith.cmpi slt, %mul3A_616, %lt3A_619 : i32
    %and3A_621 = arith.andi %not3A_618, %lt3A_620 : i1
    %convert_element_type3A_622 = arith.extui %and3A_621 : i1 to i32
    %cond3A_623 = arith.constant 0 : i32
    %cond3A_624 = arith.cmpi ne, %convert_element_type3A_622, %cond3A_623 : i32
    scf.if %cond3A_624 {
      "tpu.region"() ({
        %run_scoped3A = tpu.sem_alloc : memref<!tpu.dma_semaphore, #tpu.memory_space<semaphore_mem>>
        %dma_start3A_898 = arith.constant 0 : i32
        %dma_start3A_899 = tpu.memref_slice %arg6[%select_n3A_611, %mul3A_616, %dma_start3A_898] : memref<4x2041x1024xf32, #tpu.memory_space<hbm>> -> memref<1x32x1024xf32, #tpu.memory_space<hbm>>
        %dma_start3A_900 = tpu.memref_squeeze %dma_start3A_899 : memref<1x32x1024xf32, #tpu.memory_space<hbm>> -> memref<32x1024xf32, #tpu.memory_space<hbm>>
        %dma_start3A_901 = arith.constant 0 : i32
        %dma_start3A_902 = tpu.memref_slice %arg6[%select_n3A_611, %mul3A_616, %dma_start3A_901] : memref<4x2041x1024xf32, #tpu.memory_space<hbm>> -> memref<1x32x1024xf32, #tpu.memory_space<hbm>>
        %dma_start3A_903 = tpu.memref_squeeze %dma_start3A_902 : memref<1x32x1024xf32, #tpu.memory_space<hbm>> -> memref<32x1024xf32, #tpu.memory_space<hbm>>
        tpu.enqueue_dma source(%arg8 : memref<32x1024xf32, #tpu.memory_space<vmem>>) target(%dma_start3A_903 : memref<32x1024xf32, #tpu.memory_space<hbm>>) target_semaphore(%run_scoped3A : memref<!tpu.dma_semaphore, #tpu.memory_space<semaphore_mem>>)
        %dma_wait3A_904 = arith.constant 0 : i32
        %dma_wait3A_905 = tpu.memref_slice %arg6[%select_n3A_611, %mul3A_616, %dma_wait3A_904] : memref<4x2041x1024xf32, #tpu.memory_space<hbm>> -> memref<1x32x1024xf32, #tpu.memory_space<hbm>>
        %dma_wait3A_906 = tpu.memref_squeeze %dma_wait3A_905 : memref<1x32x1024xf32, #tpu.memory_space<hbm>> -> memref<32x1024xf32, #tpu.memory_space<hbm>>
        %dma_wait3A_907 = arith.constant 0 : i32
        %dma_wait3A_908 = tpu.memref_slice %arg6[%select_n3A_611, %mul3A_616, %dma_wait3A_907] : memref<4x2041x1024xf32, #tpu.memory_space<hbm>> -> memref<1x32x1024xf32, #tpu.memory_space<hbm>>
        %dma_wait3A_909 = tpu.memref_squeeze %dma_wait3A_908 : memref<1x32x1024xf32, #tpu.memory_space<hbm>> -> memref<32x1024xf32, #tpu.memory_space<hbm>>
        tpu.wait_dma2 semaphore(%run_scoped3A : memref<!tpu.dma_semaphore, #tpu.memory_space<semaphore_mem>>) src(%arg8 : memref<32x1024xf32, #tpu.memory_space<vmem>>) dst(%dma_wait3A_909 : memref<32x1024xf32, #tpu.memory_space<hbm>>)
        tpu.yield
      }) : () -> ()
    } else {
    }
    %dma_start3A_625 = arith.constant 12 : i32
    %dma_start3A_626 = arith.constant 0 : i32
    %dma_start3A_627 = tpu.memref_slice %arg7[%dma_start3A_625, %dma_start3A_626] : memref<16x32xi32, #tpu.memory_space<vmem>> -> memref<1x32xi32, #tpu.memory_space<vmem>>
    %dma_start3A_628 = tpu.memref_squeeze %dma_start3A_627 : memref<1x32xi32, #tpu.memory_space<vmem>> -> memref<32xi32, #tpu.memory_space<vmem>>
    %dma_start3A_629 = arith.constant 0 : i32
    %dma_start3A_630 = arith.constant 0 : i32
    %dma_start3A_631 = tpu.memref_slice %arg2[%dma_start3A_629, %dma_start3A_630] : memref<8192x1024xf32, #tpu.memory_space<hbm>> -> memref<8192x1024xf32, #tpu.memory_space<hbm>>
    tpu.enqueue_indirect_dma source(%dma_start3A_631 : memref<8192x1024xf32, #tpu.memory_space<hbm>>) target(%arg8 : memref<32x1024xf32, #tpu.memory_space<vmem>>) offsets(%dma_start3A_628 : memref<32xi32, #tpu.memory_space<vmem>>) semaphore(%arg10 : memref<!tpu.dma_semaphore, #tpu.memory_space<semaphore_mem>>)
    %dma_wait3A_632 = arith.constant 11 : i32
    %dma_wait3A_633 = arith.constant 0 : i32
    %dma_wait3A_634 = tpu.memref_slice %arg7[%dma_wait3A_632, %dma_wait3A_633] : memref<16x32xi32, #tpu.memory_space<vmem>> -> memref<1x32xi32, #tpu.memory_space<vmem>>
    %dma_wait3A_635 = tpu.memref_squeeze %dma_wait3A_634 : memref<1x32xi32, #tpu.memory_space<vmem>> -> memref<32xi32, #tpu.memory_space<vmem>>
    %dma_wait3A_636 = arith.constant 0 : i32
    %dma_wait3A_637 = arith.constant 0 : i32
    %dma_wait3A_638 = tpu.memref_slice %arg2[%dma_wait3A_636, %dma_wait3A_637] : memref<8192x1024xf32, #tpu.memory_space<hbm>> -> memref<8192x1024xf32, #tpu.memory_space<hbm>>
    tpu.wait_indirect_dma semaphore(%arg11 : memref<!tpu.dma_semaphore, #tpu.memory_space<semaphore_mem>>) src(%dma_wait3A_638 : memref<8192x1024xf32, #tpu.memory_space<hbm>>) dst(%arg9 : memref<32x1024xf32, #tpu.memory_space<vmem>>)
    %add3A_639 = arith.constant 11 : i32
    %add3A_640 = arith.addi %mul3A_4, %add3A_639 : i32
    %convert_element_type3A_641 = arith.extui %lt3A_1 : i1 to i32
    %cond3A_642 = arith.constant 0 : i32
    %cond3A_643 = arith.cmpi ne, %convert_element_type3A_641, %cond3A_642 : i32
    scf.if %cond3A_643 {
      %mul3A_898 = arith.constant 32 : i32
      %mul3A_899 = arith.muli %add3A_640, %mul3A_898 : i32
      "tpu.region"() ({
        %run_scoped3A = tpu.sem_alloc : memref<!tpu.dma_semaphore, #tpu.memory_space<semaphore_mem>>
        %dma_start3A_900 = arith.constant 0 : i32
        %dma_start3A_901 = tpu.memref_slice %arg5[%mul3A_899, %dma_start3A_900] : memref<8192x1024xf32, #tpu.memory_space<hbm>> -> memref<32x1024xf32, #tpu.memory_space<hbm>>
        %dma_start3A_902 = arith.constant 0 : i32
        %dma_start3A_903 = tpu.memref_slice %arg5[%mul3A_899, %dma_start3A_902] : memref<8192x1024xf32, #tpu.memory_space<hbm>> -> memref<32x1024xf32, #tpu.memory_space<hbm>>
        tpu.enqueue_dma source(%arg9 : memref<32x1024xf32, #tpu.memory_space<vmem>>) target(%dma_start3A_903 : memref<32x1024xf32, #tpu.memory_space<hbm>>) target_semaphore(%run_scoped3A : memref<!tpu.dma_semaphore, #tpu.memory_space<semaphore_mem>>)
        %dma_wait3A_904 = arith.constant 0 : i32
        %dma_wait3A_905 = tpu.memref_slice %arg5[%mul3A_899, %dma_wait3A_904] : memref<8192x1024xf32, #tpu.memory_space<hbm>> -> memref<32x1024xf32, #tpu.memory_space<hbm>>
        %dma_wait3A_906 = arith.constant 0 : i32
        %dma_wait3A_907 = tpu.memref_slice %arg5[%mul3A_899, %dma_wait3A_906] : memref<8192x1024xf32, #tpu.memory_space<hbm>> -> memref<32x1024xf32, #tpu.memory_space<hbm>>
        tpu.wait_dma2 semaphore(%run_scoped3A : memref<!tpu.dma_semaphore, #tpu.memory_space<semaphore_mem>>) src(%arg9 : memref<32x1024xf32, #tpu.memory_space<vmem>>) dst(%dma_wait3A_907 : memref<32x1024xf32, #tpu.memory_space<hbm>>)
        tpu.yield
      }) : () -> ()
    } else {
    }
    %jit3A_644 = arith.constant 64 : i32
    %div3A_645 = arith.divsi %add3A_640, %jit3A_644 : i32
    %sign3A_646 = arith.constant 0 : i32
    %sign3A_647 = arith.cmpi sgt, %add3A_640, %sign3A_646 : i32
    %sign3A_648 = arith.extui %sign3A_647 : i1 to i32
    %sign3A_649 = arith.constant 0 : i32
    %sign3A_650 = arith.cmpi slt, %add3A_640, %sign3A_649 : i32
    %sign3A_651 = arith.extui %sign3A_650 : i1 to i32
    %sign3A_652 = arith.subi %sign3A_648, %sign3A_651 : i32
    %sign3A_653 = arith.constant 0 : i32
    %sign3A_654 = arith.cmpi sgt, %jit3A_644, %sign3A_653 : i32
    %sign3A_655 = arith.extui %sign3A_654 : i1 to i32
    %sign3A_656 = arith.constant 0 : i32
    %sign3A_657 = arith.cmpi slt, %jit3A_644, %sign3A_656 : i32
    %sign3A_658 = arith.extui %sign3A_657 : i1 to i32
    %sign3A_659 = arith.subi %sign3A_655, %sign3A_658 : i32
    %ne3A_660 = arith.cmpi ne, %sign3A_652, %sign3A_659 : i32
    %rem3A_661 = arith.remsi %add3A_640, %jit3A_644 : i32
    %ne3A_662 = arith.constant 0 : i32
    %ne3A_663 = arith.cmpi ne, %rem3A_661, %ne3A_662 : i32
    %and3A_664 = arith.andi %ne3A_660, %ne3A_663 : i1
    %sub3A_665 = arith.constant 1 : i32
    %sub3A_666 = arith.subi %div3A_645, %sub3A_665 : i32
    %select_n3A_667 = arith.select %and3A_664, %sub3A_666, %div3A_645 : i32
    %mul3A_668 = arith.constant 64 : i32
    %mul3A_669 = arith.muli %select_n3A_667, %mul3A_668 : i32
    %sub3A_670 = arith.subi %add3A_640, %mul3A_669 : i32
    %mul3A_671 = arith.constant 32 : i32
    %mul3A_672 = arith.muli %sub3A_670, %mul3A_671 : i32
    %not3A_673 = arith.constant true
    %not3A_674 = arith.xori %lt3A_1, %not3A_673 : i1
    %lt3A_675 = arith.constant 2016 : i32
    %lt3A_676 = arith.cmpi slt, %mul3A_672, %lt3A_675 : i32
    %and3A_677 = arith.andi %not3A_674, %lt3A_676 : i1
    %convert_element_type3A_678 = arith.extui %and3A_677 : i1 to i32
    %cond3A_679 = arith.constant 0 : i32
    %cond3A_680 = arith.cmpi ne, %convert_element_type3A_678, %cond3A_679 : i32
    scf.if %cond3A_680 {
      "tpu.region"() ({
        %run_scoped3A = tpu.sem_alloc : memref<!tpu.dma_semaphore, #tpu.memory_space<semaphore_mem>>
        %dma_start3A_898 = arith.constant 0 : i32
        %dma_start3A_899 = tpu.memref_slice %arg6[%select_n3A_667, %mul3A_672, %dma_start3A_898] : memref<4x2041x1024xf32, #tpu.memory_space<hbm>> -> memref<1x32x1024xf32, #tpu.memory_space<hbm>>
        %dma_start3A_900 = tpu.memref_squeeze %dma_start3A_899 : memref<1x32x1024xf32, #tpu.memory_space<hbm>> -> memref<32x1024xf32, #tpu.memory_space<hbm>>
        %dma_start3A_901 = arith.constant 0 : i32
        %dma_start3A_902 = tpu.memref_slice %arg6[%select_n3A_667, %mul3A_672, %dma_start3A_901] : memref<4x2041x1024xf32, #tpu.memory_space<hbm>> -> memref<1x32x1024xf32, #tpu.memory_space<hbm>>
        %dma_start3A_903 = tpu.memref_squeeze %dma_start3A_902 : memref<1x32x1024xf32, #tpu.memory_space<hbm>> -> memref<32x1024xf32, #tpu.memory_space<hbm>>
        tpu.enqueue_dma source(%arg9 : memref<32x1024xf32, #tpu.memory_space<vmem>>) target(%dma_start3A_903 : memref<32x1024xf32, #tpu.memory_space<hbm>>) target_semaphore(%run_scoped3A : memref<!tpu.dma_semaphore, #tpu.memory_space<semaphore_mem>>)
        %dma_wait3A_904 = arith.constant 0 : i32
        %dma_wait3A_905 = tpu.memref_slice %arg6[%select_n3A_667, %mul3A_672, %dma_wait3A_904] : memref<4x2041x1024xf32, #tpu.memory_space<hbm>> -> memref<1x32x1024xf32, #tpu.memory_space<hbm>>
        %dma_wait3A_906 = tpu.memref_squeeze %dma_wait3A_905 : memref<1x32x1024xf32, #tpu.memory_space<hbm>> -> memref<32x1024xf32, #tpu.memory_space<hbm>>
        %dma_wait3A_907 = arith.constant 0 : i32
        %dma_wait3A_908 = tpu.memref_slice %arg6[%select_n3A_667, %mul3A_672, %dma_wait3A_907] : memref<4x2041x1024xf32, #tpu.memory_space<hbm>> -> memref<1x32x1024xf32, #tpu.memory_space<hbm>>
        %dma_wait3A_909 = tpu.memref_squeeze %dma_wait3A_908 : memref<1x32x1024xf32, #tpu.memory_space<hbm>> -> memref<32x1024xf32, #tpu.memory_space<hbm>>
        tpu.wait_dma2 semaphore(%run_scoped3A : memref<!tpu.dma_semaphore, #tpu.memory_space<semaphore_mem>>) src(%arg9 : memref<32x1024xf32, #tpu.memory_space<vmem>>) dst(%dma_wait3A_909 : memref<32x1024xf32, #tpu.memory_space<hbm>>)
        tpu.yield
      }) : () -> ()
    } else {
    }
    %dma_start3A_681 = arith.constant 13 : i32
    %dma_start3A_682 = arith.constant 0 : i32
    %dma_start3A_683 = tpu.memref_slice %arg7[%dma_start3A_681, %dma_start3A_682] : memref<16x32xi32, #tpu.memory_space<vmem>> -> memref<1x32xi32, #tpu.memory_space<vmem>>
    %dma_start3A_684 = tpu.memref_squeeze %dma_start3A_683 : memref<1x32xi32, #tpu.memory_space<vmem>> -> memref<32xi32, #tpu.memory_space<vmem>>
    %dma_start3A_685 = arith.constant 0 : i32
    %dma_start3A_686 = arith.constant 0 : i32
    %dma_start3A_687 = tpu.memref_slice %arg2[%dma_start3A_685, %dma_start3A_686] : memref<8192x1024xf32, #tpu.memory_space<hbm>> -> memref<8192x1024xf32, #tpu.memory_space<hbm>>
    tpu.enqueue_indirect_dma source(%dma_start3A_687 : memref<8192x1024xf32, #tpu.memory_space<hbm>>) target(%arg9 : memref<32x1024xf32, #tpu.memory_space<vmem>>) offsets(%dma_start3A_684 : memref<32xi32, #tpu.memory_space<vmem>>) semaphore(%arg11 : memref<!tpu.dma_semaphore, #tpu.memory_space<semaphore_mem>>)
    %dma_wait3A_688 = arith.constant 12 : i32
    %dma_wait3A_689 = arith.constant 0 : i32
    %dma_wait3A_690 = tpu.memref_slice %arg7[%dma_wait3A_688, %dma_wait3A_689] : memref<16x32xi32, #tpu.memory_space<vmem>> -> memref<1x32xi32, #tpu.memory_space<vmem>>
    %dma_wait3A_691 = tpu.memref_squeeze %dma_wait3A_690 : memref<1x32xi32, #tpu.memory_space<vmem>> -> memref<32xi32, #tpu.memory_space<vmem>>
    %dma_wait3A_692 = arith.constant 0 : i32
    %dma_wait3A_693 = arith.constant 0 : i32
    %dma_wait3A_694 = tpu.memref_slice %arg2[%dma_wait3A_692, %dma_wait3A_693] : memref<8192x1024xf32, #tpu.memory_space<hbm>> -> memref<8192x1024xf32, #tpu.memory_space<hbm>>
    tpu.wait_indirect_dma semaphore(%arg10 : memref<!tpu.dma_semaphore, #tpu.memory_space<semaphore_mem>>) src(%dma_wait3A_694 : memref<8192x1024xf32, #tpu.memory_space<hbm>>) dst(%arg8 : memref<32x1024xf32, #tpu.memory_space<vmem>>)
    %add3A_695 = arith.constant 12 : i32
    %add3A_696 = arith.addi %mul3A_4, %add3A_695 : i32
    %convert_element_type3A_697 = arith.extui %lt3A_1 : i1 to i32
    %cond3A_698 = arith.constant 0 : i32
    %cond3A_699 = arith.cmpi ne, %convert_element_type3A_697, %cond3A_698 : i32
    scf.if %cond3A_699 {
      %mul3A_898 = arith.constant 32 : i32
      %mul3A_899 = arith.muli %add3A_696, %mul3A_898 : i32
      "tpu.region"() ({
        %run_scoped3A = tpu.sem_alloc : memref<!tpu.dma_semaphore, #tpu.memory_space<semaphore_mem>>
        %dma_start3A_900 = arith.constant 0 : i32
        %dma_start3A_901 = tpu.memref_slice %arg5[%mul3A_899, %dma_start3A_900] : memref<8192x1024xf32, #tpu.memory_space<hbm>> -> memref<32x1024xf32, #tpu.memory_space<hbm>>
        %dma_start3A_902 = arith.constant 0 : i32
        %dma_start3A_903 = tpu.memref_slice %arg5[%mul3A_899, %dma_start3A_902] : memref<8192x1024xf32, #tpu.memory_space<hbm>> -> memref<32x1024xf32, #tpu.memory_space<hbm>>
        tpu.enqueue_dma source(%arg8 : memref<32x1024xf32, #tpu.memory_space<vmem>>) target(%dma_start3A_903 : memref<32x1024xf32, #tpu.memory_space<hbm>>) target_semaphore(%run_scoped3A : memref<!tpu.dma_semaphore, #tpu.memory_space<semaphore_mem>>)
        %dma_wait3A_904 = arith.constant 0 : i32
        %dma_wait3A_905 = tpu.memref_slice %arg5[%mul3A_899, %dma_wait3A_904] : memref<8192x1024xf32, #tpu.memory_space<hbm>> -> memref<32x1024xf32, #tpu.memory_space<hbm>>
        %dma_wait3A_906 = arith.constant 0 : i32
        %dma_wait3A_907 = tpu.memref_slice %arg5[%mul3A_899, %dma_wait3A_906] : memref<8192x1024xf32, #tpu.memory_space<hbm>> -> memref<32x1024xf32, #tpu.memory_space<hbm>>
        tpu.wait_dma2 semaphore(%run_scoped3A : memref<!tpu.dma_semaphore, #tpu.memory_space<semaphore_mem>>) src(%arg8 : memref<32x1024xf32, #tpu.memory_space<vmem>>) dst(%dma_wait3A_907 : memref<32x1024xf32, #tpu.memory_space<hbm>>)
        tpu.yield
      }) : () -> ()
    } else {
    }
    %jit3A_700 = arith.constant 64 : i32
    %div3A_701 = arith.divsi %add3A_696, %jit3A_700 : i32
    %sign3A_702 = arith.constant 0 : i32
    %sign3A_703 = arith.cmpi sgt, %add3A_696, %sign3A_702 : i32
    %sign3A_704 = arith.extui %sign3A_703 : i1 to i32
    %sign3A_705 = arith.constant 0 : i32
    %sign3A_706 = arith.cmpi slt, %add3A_696, %sign3A_705 : i32
    %sign3A_707 = arith.extui %sign3A_706 : i1 to i32
    %sign3A_708 = arith.subi %sign3A_704, %sign3A_707 : i32
    %sign3A_709 = arith.constant 0 : i32
    %sign3A_710 = arith.cmpi sgt, %jit3A_700, %sign3A_709 : i32
    %sign3A_711 = arith.extui %sign3A_710 : i1 to i32
    %sign3A_712 = arith.constant 0 : i32
    %sign3A_713 = arith.cmpi slt, %jit3A_700, %sign3A_712 : i32
    %sign3A_714 = arith.extui %sign3A_713 : i1 to i32
    %sign3A_715 = arith.subi %sign3A_711, %sign3A_714 : i32
    %ne3A_716 = arith.cmpi ne, %sign3A_708, %sign3A_715 : i32
    %rem3A_717 = arith.remsi %add3A_696, %jit3A_700 : i32
    %ne3A_718 = arith.constant 0 : i32
    %ne3A_719 = arith.cmpi ne, %rem3A_717, %ne3A_718 : i32
    %and3A_720 = arith.andi %ne3A_716, %ne3A_719 : i1
    %sub3A_721 = arith.constant 1 : i32
    %sub3A_722 = arith.subi %div3A_701, %sub3A_721 : i32
    %select_n3A_723 = arith.select %and3A_720, %sub3A_722, %div3A_701 : i32
    %mul3A_724 = arith.constant 64 : i32
    %mul3A_725 = arith.muli %select_n3A_723, %mul3A_724 : i32
    %sub3A_726 = arith.subi %add3A_696, %mul3A_725 : i32
    %mul3A_727 = arith.constant 32 : i32
    %mul3A_728 = arith.muli %sub3A_726, %mul3A_727 : i32
    %not3A_729 = arith.constant true
    %not3A_730 = arith.xori %lt3A_1, %not3A_729 : i1
    %lt3A_731 = arith.constant 2016 : i32
    %lt3A_732 = arith.cmpi slt, %mul3A_728, %lt3A_731 : i32
    %and3A_733 = arith.andi %not3A_730, %lt3A_732 : i1
    %convert_element_type3A_734 = arith.extui %and3A_733 : i1 to i32
    %cond3A_735 = arith.constant 0 : i32
    %cond3A_736 = arith.cmpi ne, %convert_element_type3A_734, %cond3A_735 : i32
    scf.if %cond3A_736 {
      "tpu.region"() ({
        %run_scoped3A = tpu.sem_alloc : memref<!tpu.dma_semaphore, #tpu.memory_space<semaphore_mem>>
        %dma_start3A_898 = arith.constant 0 : i32
        %dma_start3A_899 = tpu.memref_slice %arg6[%select_n3A_723, %mul3A_728, %dma_start3A_898] : memref<4x2041x1024xf32, #tpu.memory_space<hbm>> -> memref<1x32x1024xf32, #tpu.memory_space<hbm>>
        %dma_start3A_900 = tpu.memref_squeeze %dma_start3A_899 : memref<1x32x1024xf32, #tpu.memory_space<hbm>> -> memref<32x1024xf32, #tpu.memory_space<hbm>>
        %dma_start3A_901 = arith.constant 0 : i32
        %dma_start3A_902 = tpu.memref_slice %arg6[%select_n3A_723, %mul3A_728, %dma_start3A_901] : memref<4x2041x1024xf32, #tpu.memory_space<hbm>> -> memref<1x32x1024xf32, #tpu.memory_space<hbm>>
        %dma_start3A_903 = tpu.memref_squeeze %dma_start3A_902 : memref<1x32x1024xf32, #tpu.memory_space<hbm>> -> memref<32x1024xf32, #tpu.memory_space<hbm>>
        tpu.enqueue_dma source(%arg8 : memref<32x1024xf32, #tpu.memory_space<vmem>>) target(%dma_start3A_903 : memref<32x1024xf32, #tpu.memory_space<hbm>>) target_semaphore(%run_scoped3A : memref<!tpu.dma_semaphore, #tpu.memory_space<semaphore_mem>>)
        %dma_wait3A_904 = arith.constant 0 : i32
        %dma_wait3A_905 = tpu.memref_slice %arg6[%select_n3A_723, %mul3A_728, %dma_wait3A_904] : memref<4x2041x1024xf32, #tpu.memory_space<hbm>> -> memref<1x32x1024xf32, #tpu.memory_space<hbm>>
        %dma_wait3A_906 = tpu.memref_squeeze %dma_wait3A_905 : memref<1x32x1024xf32, #tpu.memory_space<hbm>> -> memref<32x1024xf32, #tpu.memory_space<hbm>>
        %dma_wait3A_907 = arith.constant 0 : i32
        %dma_wait3A_908 = tpu.memref_slice %arg6[%select_n3A_723, %mul3A_728, %dma_wait3A_907] : memref<4x2041x1024xf32, #tpu.memory_space<hbm>> -> memref<1x32x1024xf32, #tpu.memory_space<hbm>>
        %dma_wait3A_909 = tpu.memref_squeeze %dma_wait3A_908 : memref<1x32x1024xf32, #tpu.memory_space<hbm>> -> memref<32x1024xf32, #tpu.memory_space<hbm>>
        tpu.wait_dma2 semaphore(%run_scoped3A : memref<!tpu.dma_semaphore, #tpu.memory_space<semaphore_mem>>) src(%arg8 : memref<32x1024xf32, #tpu.memory_space<vmem>>) dst(%dma_wait3A_909 : memref<32x1024xf32, #tpu.memory_space<hbm>>)
        tpu.yield
      }) : () -> ()
    } else {
    }
    %dma_start3A_737 = arith.constant 14 : i32
    %dma_start3A_738 = arith.constant 0 : i32
    %dma_start3A_739 = tpu.memref_slice %arg7[%dma_start3A_737, %dma_start3A_738] : memref<16x32xi32, #tpu.memory_space<vmem>> -> memref<1x32xi32, #tpu.memory_space<vmem>>
    %dma_start3A_740 = tpu.memref_squeeze %dma_start3A_739 : memref<1x32xi32, #tpu.memory_space<vmem>> -> memref<32xi32, #tpu.memory_space<vmem>>
    %dma_start3A_741 = arith.constant 0 : i32
    %dma_start3A_742 = arith.constant 0 : i32
    %dma_start3A_743 = tpu.memref_slice %arg2[%dma_start3A_741, %dma_start3A_742] : memref<8192x1024xf32, #tpu.memory_space<hbm>> -> memref<8192x1024xf32, #tpu.memory_space<hbm>>
    tpu.enqueue_indirect_dma source(%dma_start3A_743 : memref<8192x1024xf32, #tpu.memory_space<hbm>>) target(%arg8 : memref<32x1024xf32, #tpu.memory_space<vmem>>) offsets(%dma_start3A_740 : memref<32xi32, #tpu.memory_space<vmem>>) semaphore(%arg10 : memref<!tpu.dma_semaphore, #tpu.memory_space<semaphore_mem>>)
    %dma_wait3A_744 = arith.constant 13 : i32
    %dma_wait3A_745 = arith.constant 0 : i32
    %dma_wait3A_746 = tpu.memref_slice %arg7[%dma_wait3A_744, %dma_wait3A_745] : memref<16x32xi32, #tpu.memory_space<vmem>> -> memref<1x32xi32, #tpu.memory_space<vmem>>
    %dma_wait3A_747 = tpu.memref_squeeze %dma_wait3A_746 : memref<1x32xi32, #tpu.memory_space<vmem>> -> memref<32xi32, #tpu.memory_space<vmem>>
    %dma_wait3A_748 = arith.constant 0 : i32
    %dma_wait3A_749 = arith.constant 0 : i32
    %dma_wait3A_750 = tpu.memref_slice %arg2[%dma_wait3A_748, %dma_wait3A_749] : memref<8192x1024xf32, #tpu.memory_space<hbm>> -> memref<8192x1024xf32, #tpu.memory_space<hbm>>
    tpu.wait_indirect_dma semaphore(%arg11 : memref<!tpu.dma_semaphore, #tpu.memory_space<semaphore_mem>>) src(%dma_wait3A_750 : memref<8192x1024xf32, #tpu.memory_space<hbm>>) dst(%arg9 : memref<32x1024xf32, #tpu.memory_space<vmem>>)
    %add3A_751 = arith.constant 13 : i32
    %add3A_752 = arith.addi %mul3A_4, %add3A_751 : i32
    %convert_element_type3A_753 = arith.extui %lt3A_1 : i1 to i32
    %cond3A_754 = arith.constant 0 : i32
    %cond3A_755 = arith.cmpi ne, %convert_element_type3A_753, %cond3A_754 : i32
    scf.if %cond3A_755 {
      %mul3A_898 = arith.constant 32 : i32
      %mul3A_899 = arith.muli %add3A_752, %mul3A_898 : i32
      "tpu.region"() ({
        %run_scoped3A = tpu.sem_alloc : memref<!tpu.dma_semaphore, #tpu.memory_space<semaphore_mem>>
        %dma_start3A_900 = arith.constant 0 : i32
        %dma_start3A_901 = tpu.memref_slice %arg5[%mul3A_899, %dma_start3A_900] : memref<8192x1024xf32, #tpu.memory_space<hbm>> -> memref<32x1024xf32, #tpu.memory_space<hbm>>
        %dma_start3A_902 = arith.constant 0 : i32
        %dma_start3A_903 = tpu.memref_slice %arg5[%mul3A_899, %dma_start3A_902] : memref<8192x1024xf32, #tpu.memory_space<hbm>> -> memref<32x1024xf32, #tpu.memory_space<hbm>>
        tpu.enqueue_dma source(%arg9 : memref<32x1024xf32, #tpu.memory_space<vmem>>) target(%dma_start3A_903 : memref<32x1024xf32, #tpu.memory_space<hbm>>) target_semaphore(%run_scoped3A : memref<!tpu.dma_semaphore, #tpu.memory_space<semaphore_mem>>)
        %dma_wait3A_904 = arith.constant 0 : i32
        %dma_wait3A_905 = tpu.memref_slice %arg5[%mul3A_899, %dma_wait3A_904] : memref<8192x1024xf32, #tpu.memory_space<hbm>> -> memref<32x1024xf32, #tpu.memory_space<hbm>>
        %dma_wait3A_906 = arith.constant 0 : i32
        %dma_wait3A_907 = tpu.memref_slice %arg5[%mul3A_899, %dma_wait3A_906] : memref<8192x1024xf32, #tpu.memory_space<hbm>> -> memref<32x1024xf32, #tpu.memory_space<hbm>>
        tpu.wait_dma2 semaphore(%run_scoped3A : memref<!tpu.dma_semaphore, #tpu.memory_space<semaphore_mem>>) src(%arg9 : memref<32x1024xf32, #tpu.memory_space<vmem>>) dst(%dma_wait3A_907 : memref<32x1024xf32, #tpu.memory_space<hbm>>)
        tpu.yield
      }) : () -> ()
    } else {
    }
    %jit3A_756 = arith.constant 64 : i32
    %div3A_757 = arith.divsi %add3A_752, %jit3A_756 : i32
    %sign3A_758 = arith.constant 0 : i32
    %sign3A_759 = arith.cmpi sgt, %add3A_752, %sign3A_758 : i32
    %sign3A_760 = arith.extui %sign3A_759 : i1 to i32
    %sign3A_761 = arith.constant 0 : i32
    %sign3A_762 = arith.cmpi slt, %add3A_752, %sign3A_761 : i32
    %sign3A_763 = arith.extui %sign3A_762 : i1 to i32
    %sign3A_764 = arith.subi %sign3A_760, %sign3A_763 : i32
    %sign3A_765 = arith.constant 0 : i32
    %sign3A_766 = arith.cmpi sgt, %jit3A_756, %sign3A_765 : i32
    %sign3A_767 = arith.extui %sign3A_766 : i1 to i32
    %sign3A_768 = arith.constant 0 : i32
    %sign3A_769 = arith.cmpi slt, %jit3A_756, %sign3A_768 : i32
    %sign3A_770 = arith.extui %sign3A_769 : i1 to i32
    %sign3A_771 = arith.subi %sign3A_767, %sign3A_770 : i32
    %ne3A_772 = arith.cmpi ne, %sign3A_764, %sign3A_771 : i32
    %rem3A_773 = arith.remsi %add3A_752, %jit3A_756 : i32
    %ne3A_774 = arith.constant 0 : i32
    %ne3A_775 = arith.cmpi ne, %rem3A_773, %ne3A_774 : i32
    %and3A_776 = arith.andi %ne3A_772, %ne3A_775 : i1
    %sub3A_777 = arith.constant 1 : i32
    %sub3A_778 = arith.subi %div3A_757, %sub3A_777 : i32
    %select_n3A_779 = arith.select %and3A_776, %sub3A_778, %div3A_757 : i32
    %mul3A_780 = arith.constant 64 : i32
    %mul3A_781 = arith.muli %select_n3A_779, %mul3A_780 : i32
    %sub3A_782 = arith.subi %add3A_752, %mul3A_781 : i32
    %mul3A_783 = arith.constant 32 : i32
    %mul3A_784 = arith.muli %sub3A_782, %mul3A_783 : i32
    %not3A_785 = arith.constant true
    %not3A_786 = arith.xori %lt3A_1, %not3A_785 : i1
    %lt3A_787 = arith.constant 2016 : i32
    %lt3A_788 = arith.cmpi slt, %mul3A_784, %lt3A_787 : i32
    %and3A_789 = arith.andi %not3A_786, %lt3A_788 : i1
    %convert_element_type3A_790 = arith.extui %and3A_789 : i1 to i32
    %cond3A_791 = arith.constant 0 : i32
    %cond3A_792 = arith.cmpi ne, %convert_element_type3A_790, %cond3A_791 : i32
    scf.if %cond3A_792 {
      "tpu.region"() ({
        %run_scoped3A = tpu.sem_alloc : memref<!tpu.dma_semaphore, #tpu.memory_space<semaphore_mem>>
        %dma_start3A_898 = arith.constant 0 : i32
        %dma_start3A_899 = tpu.memref_slice %arg6[%select_n3A_779, %mul3A_784, %dma_start3A_898] : memref<4x2041x1024xf32, #tpu.memory_space<hbm>> -> memref<1x32x1024xf32, #tpu.memory_space<hbm>>
        %dma_start3A_900 = tpu.memref_squeeze %dma_start3A_899 : memref<1x32x1024xf32, #tpu.memory_space<hbm>> -> memref<32x1024xf32, #tpu.memory_space<hbm>>
        %dma_start3A_901 = arith.constant 0 : i32
        %dma_start3A_902 = tpu.memref_slice %arg6[%select_n3A_779, %mul3A_784, %dma_start3A_901] : memref<4x2041x1024xf32, #tpu.memory_space<hbm>> -> memref<1x32x1024xf32, #tpu.memory_space<hbm>>
        %dma_start3A_903 = tpu.memref_squeeze %dma_start3A_902 : memref<1x32x1024xf32, #tpu.memory_space<hbm>> -> memref<32x1024xf32, #tpu.memory_space<hbm>>
        tpu.enqueue_dma source(%arg9 : memref<32x1024xf32, #tpu.memory_space<vmem>>) target(%dma_start3A_903 : memref<32x1024xf32, #tpu.memory_space<hbm>>) target_semaphore(%run_scoped3A : memref<!tpu.dma_semaphore, #tpu.memory_space<semaphore_mem>>)
        %dma_wait3A_904 = arith.constant 0 : i32
        %dma_wait3A_905 = tpu.memref_slice %arg6[%select_n3A_779, %mul3A_784, %dma_wait3A_904] : memref<4x2041x1024xf32, #tpu.memory_space<hbm>> -> memref<1x32x1024xf32, #tpu.memory_space<hbm>>
        %dma_wait3A_906 = tpu.memref_squeeze %dma_wait3A_905 : memref<1x32x1024xf32, #tpu.memory_space<hbm>> -> memref<32x1024xf32, #tpu.memory_space<hbm>>
        %dma_wait3A_907 = arith.constant 0 : i32
        %dma_wait3A_908 = tpu.memref_slice %arg6[%select_n3A_779, %mul3A_784, %dma_wait3A_907] : memref<4x2041x1024xf32, #tpu.memory_space<hbm>> -> memref<1x32x1024xf32, #tpu.memory_space<hbm>>
        %dma_wait3A_909 = tpu.memref_squeeze %dma_wait3A_908 : memref<1x32x1024xf32, #tpu.memory_space<hbm>> -> memref<32x1024xf32, #tpu.memory_space<hbm>>
        tpu.wait_dma2 semaphore(%run_scoped3A : memref<!tpu.dma_semaphore, #tpu.memory_space<semaphore_mem>>) src(%arg9 : memref<32x1024xf32, #tpu.memory_space<vmem>>) dst(%dma_wait3A_909 : memref<32x1024xf32, #tpu.memory_space<hbm>>)
        tpu.yield
      }) : () -> ()
    } else {
    }
    %dma_start3A_793 = arith.constant 15 : i32
    %dma_start3A_794 = arith.constant 0 : i32
    %dma_start3A_795 = tpu.memref_slice %arg7[%dma_start3A_793, %dma_start3A_794] : memref<16x32xi32, #tpu.memory_space<vmem>> -> memref<1x32xi32, #tpu.memory_space<vmem>>
    %dma_start3A_796 = tpu.memref_squeeze %dma_start3A_795 : memref<1x32xi32, #tpu.memory_space<vmem>> -> memref<32xi32, #tpu.memory_space<vmem>>
    %dma_start3A_797 = arith.constant 0 : i32
    %dma_start3A_798 = arith.constant 0 : i32
    %dma_start3A_799 = tpu.memref_slice %arg2[%dma_start3A_797, %dma_start3A_798] : memref<8192x1024xf32, #tpu.memory_space<hbm>> -> memref<8192x1024xf32, #tpu.memory_space<hbm>>
    tpu.enqueue_indirect_dma source(%dma_start3A_799 : memref<8192x1024xf32, #tpu.memory_space<hbm>>) target(%arg9 : memref<32x1024xf32, #tpu.memory_space<vmem>>) offsets(%dma_start3A_796 : memref<32xi32, #tpu.memory_space<vmem>>) semaphore(%arg11 : memref<!tpu.dma_semaphore, #tpu.memory_space<semaphore_mem>>)
    %dma_wait3A_800 = arith.constant 14 : i32
    %dma_wait3A_801 = arith.constant 0 : i32
    %dma_wait3A_802 = tpu.memref_slice %arg7[%dma_wait3A_800, %dma_wait3A_801] : memref<16x32xi32, #tpu.memory_space<vmem>> -> memref<1x32xi32, #tpu.memory_space<vmem>>
    %dma_wait3A_803 = tpu.memref_squeeze %dma_wait3A_802 : memref<1x32xi32, #tpu.memory_space<vmem>> -> memref<32xi32, #tpu.memory_space<vmem>>
    %dma_wait3A_804 = arith.constant 0 : i32
    %dma_wait3A_805 = arith.constant 0 : i32
    %dma_wait3A_806 = tpu.memref_slice %arg2[%dma_wait3A_804, %dma_wait3A_805] : memref<8192x1024xf32, #tpu.memory_space<hbm>> -> memref<8192x1024xf32, #tpu.memory_space<hbm>>
    tpu.wait_indirect_dma semaphore(%arg10 : memref<!tpu.dma_semaphore, #tpu.memory_space<semaphore_mem>>) src(%dma_wait3A_806 : memref<8192x1024xf32, #tpu.memory_space<hbm>>) dst(%arg8 : memref<32x1024xf32, #tpu.memory_space<vmem>>)
    %add3A_807 = arith.constant 14 : i32
    %add3A_808 = arith.addi %mul3A_4, %add3A_807 : i32
    %convert_element_type3A_809 = arith.extui %lt3A_1 : i1 to i32
    %cond3A_810 = arith.constant 0 : i32
    %cond3A_811 = arith.cmpi ne, %convert_element_type3A_809, %cond3A_810 : i32
    scf.if %cond3A_811 {
      %mul3A_898 = arith.constant 32 : i32
      %mul3A_899 = arith.muli %add3A_808, %mul3A_898 : i32
      "tpu.region"() ({
        %run_scoped3A = tpu.sem_alloc : memref<!tpu.dma_semaphore, #tpu.memory_space<semaphore_mem>>
        %dma_start3A_900 = arith.constant 0 : i32
        %dma_start3A_901 = tpu.memref_slice %arg5[%mul3A_899, %dma_start3A_900] : memref<8192x1024xf32, #tpu.memory_space<hbm>> -> memref<32x1024xf32, #tpu.memory_space<hbm>>
        %dma_start3A_902 = arith.constant 0 : i32
        %dma_start3A_903 = tpu.memref_slice %arg5[%mul3A_899, %dma_start3A_902] : memref<8192x1024xf32, #tpu.memory_space<hbm>> -> memref<32x1024xf32, #tpu.memory_space<hbm>>
        tpu.enqueue_dma source(%arg8 : memref<32x1024xf32, #tpu.memory_space<vmem>>) target(%dma_start3A_903 : memref<32x1024xf32, #tpu.memory_space<hbm>>) target_semaphore(%run_scoped3A : memref<!tpu.dma_semaphore, #tpu.memory_space<semaphore_mem>>)
        %dma_wait3A_904 = arith.constant 0 : i32
        %dma_wait3A_905 = tpu.memref_slice %arg5[%mul3A_899, %dma_wait3A_904] : memref<8192x1024xf32, #tpu.memory_space<hbm>> -> memref<32x1024xf32, #tpu.memory_space<hbm>>
        %dma_wait3A_906 = arith.constant 0 : i32
        %dma_wait3A_907 = tpu.memref_slice %arg5[%mul3A_899, %dma_wait3A_906] : memref<8192x1024xf32, #tpu.memory_space<hbm>> -> memref<32x1024xf32, #tpu.memory_space<hbm>>
        tpu.wait_dma2 semaphore(%run_scoped3A : memref<!tpu.dma_semaphore, #tpu.memory_space<semaphore_mem>>) src(%arg8 : memref<32x1024xf32, #tpu.memory_space<vmem>>) dst(%dma_wait3A_907 : memref<32x1024xf32, #tpu.memory_space<hbm>>)
        tpu.yield
      }) : () -> ()
    } else {
    }
    %jit3A_812 = arith.constant 64 : i32
    %div3A_813 = arith.divsi %add3A_808, %jit3A_812 : i32
    %sign3A_814 = arith.constant 0 : i32
    %sign3A_815 = arith.cmpi sgt, %add3A_808, %sign3A_814 : i32
    %sign3A_816 = arith.extui %sign3A_815 : i1 to i32
    %sign3A_817 = arith.constant 0 : i32
    %sign3A_818 = arith.cmpi slt, %add3A_808, %sign3A_817 : i32
    %sign3A_819 = arith.extui %sign3A_818 : i1 to i32
    %sign3A_820 = arith.subi %sign3A_816, %sign3A_819 : i32
    %sign3A_821 = arith.constant 0 : i32
    %sign3A_822 = arith.cmpi sgt, %jit3A_812, %sign3A_821 : i32
    %sign3A_823 = arith.extui %sign3A_822 : i1 to i32
    %sign3A_824 = arith.constant 0 : i32
    %sign3A_825 = arith.cmpi slt, %jit3A_812, %sign3A_824 : i32
    %sign3A_826 = arith.extui %sign3A_825 : i1 to i32
    %sign3A_827 = arith.subi %sign3A_823, %sign3A_826 : i32
    %ne3A_828 = arith.cmpi ne, %sign3A_820, %sign3A_827 : i32
    %rem3A_829 = arith.remsi %add3A_808, %jit3A_812 : i32
    %ne3A_830 = arith.constant 0 : i32
    %ne3A_831 = arith.cmpi ne, %rem3A_829, %ne3A_830 : i32
    %and3A_832 = arith.andi %ne3A_828, %ne3A_831 : i1
    %sub3A_833 = arith.constant 1 : i32
    %sub3A_834 = arith.subi %div3A_813, %sub3A_833 : i32
    %select_n3A_835 = arith.select %and3A_832, %sub3A_834, %div3A_813 : i32
    %mul3A_836 = arith.constant 64 : i32
    %mul3A_837 = arith.muli %select_n3A_835, %mul3A_836 : i32
    %sub3A_838 = arith.subi %add3A_808, %mul3A_837 : i32
    %mul3A_839 = arith.constant 32 : i32
    %mul3A_840 = arith.muli %sub3A_838, %mul3A_839 : i32
    %not3A_841 = arith.constant true
    %not3A_842 = arith.xori %lt3A_1, %not3A_841 : i1
    %lt3A_843 = arith.constant 2016 : i32
    %lt3A_844 = arith.cmpi slt, %mul3A_840, %lt3A_843 : i32
    %and3A_845 = arith.andi %not3A_842, %lt3A_844 : i1
    %convert_element_type3A_846 = arith.extui %and3A_845 : i1 to i32
    %cond3A_847 = arith.constant 0 : i32
    %cond3A_848 = arith.cmpi ne, %convert_element_type3A_846, %cond3A_847 : i32
    scf.if %cond3A_848 {
      "tpu.region"() ({
        %run_scoped3A = tpu.sem_alloc : memref<!tpu.dma_semaphore, #tpu.memory_space<semaphore_mem>>
        %dma_start3A_898 = arith.constant 0 : i32
        %dma_start3A_899 = tpu.memref_slice %arg6[%select_n3A_835, %mul3A_840, %dma_start3A_898] : memref<4x2041x1024xf32, #tpu.memory_space<hbm>> -> memref<1x32x1024xf32, #tpu.memory_space<hbm>>
        %dma_start3A_900 = tpu.memref_squeeze %dma_start3A_899 : memref<1x32x1024xf32, #tpu.memory_space<hbm>> -> memref<32x1024xf32, #tpu.memory_space<hbm>>
        %dma_start3A_901 = arith.constant 0 : i32
        %dma_start3A_902 = tpu.memref_slice %arg6[%select_n3A_835, %mul3A_840, %dma_start3A_901] : memref<4x2041x1024xf32, #tpu.memory_space<hbm>> -> memref<1x32x1024xf32, #tpu.memory_space<hbm>>
        %dma_start3A_903 = tpu.memref_squeeze %dma_start3A_902 : memref<1x32x1024xf32, #tpu.memory_space<hbm>> -> memref<32x1024xf32, #tpu.memory_space<hbm>>
        tpu.enqueue_dma source(%arg8 : memref<32x1024xf32, #tpu.memory_space<vmem>>) target(%dma_start3A_903 : memref<32x1024xf32, #tpu.memory_space<hbm>>) target_semaphore(%run_scoped3A : memref<!tpu.dma_semaphore, #tpu.memory_space<semaphore_mem>>)
        %dma_wait3A_904 = arith.constant 0 : i32
        %dma_wait3A_905 = tpu.memref_slice %arg6[%select_n3A_835, %mul3A_840, %dma_wait3A_904] : memref<4x2041x1024xf32, #tpu.memory_space<hbm>> -> memref<1x32x1024xf32, #tpu.memory_space<hbm>>
        %dma_wait3A_906 = tpu.memref_squeeze %dma_wait3A_905 : memref<1x32x1024xf32, #tpu.memory_space<hbm>> -> memref<32x1024xf32, #tpu.memory_space<hbm>>
        %dma_wait3A_907 = arith.constant 0 : i32
        %dma_wait3A_908 = tpu.memref_slice %arg6[%select_n3A_835, %mul3A_840, %dma_wait3A_907] : memref<4x2041x1024xf32, #tpu.memory_space<hbm>> -> memref<1x32x1024xf32, #tpu.memory_space<hbm>>
        %dma_wait3A_909 = tpu.memref_squeeze %dma_wait3A_908 : memref<1x32x1024xf32, #tpu.memory_space<hbm>> -> memref<32x1024xf32, #tpu.memory_space<hbm>>
        tpu.wait_dma2 semaphore(%run_scoped3A : memref<!tpu.dma_semaphore, #tpu.memory_space<semaphore_mem>>) src(%arg8 : memref<32x1024xf32, #tpu.memory_space<vmem>>) dst(%dma_wait3A_909 : memref<32x1024xf32, #tpu.memory_space<hbm>>)
        tpu.yield
      }) : () -> ()
    } else {
    }
    %dma_wait3A_849 = arith.constant 15 : i32
    %dma_wait3A_850 = arith.constant 0 : i32
    %dma_wait3A_851 = tpu.memref_slice %arg7[%dma_wait3A_849, %dma_wait3A_850] : memref<16x32xi32, #tpu.memory_space<vmem>> -> memref<1x32xi32, #tpu.memory_space<vmem>>
    %dma_wait3A_852 = tpu.memref_squeeze %dma_wait3A_851 : memref<1x32xi32, #tpu.memory_space<vmem>> -> memref<32xi32, #tpu.memory_space<vmem>>
    %dma_wait3A_853 = arith.constant 0 : i32
    %dma_wait3A_854 = arith.constant 0 : i32
    %dma_wait3A_855 = tpu.memref_slice %arg2[%dma_wait3A_853, %dma_wait3A_854] : memref<8192x1024xf32, #tpu.memory_space<hbm>> -> memref<8192x1024xf32, #tpu.memory_space<hbm>>
    tpu.wait_indirect_dma semaphore(%arg11 : memref<!tpu.dma_semaphore, #tpu.memory_space<semaphore_mem>>) src(%dma_wait3A_855 : memref<8192x1024xf32, #tpu.memory_space<hbm>>) dst(%arg9 : memref<32x1024xf32, #tpu.memory_space<vmem>>)
    %add3A_856 = arith.constant 15 : i32
    %add3A_857 = arith.addi %mul3A_4, %add3A_856 : i32
    %convert_element_type3A_858 = arith.extui %lt3A_1 : i1 to i32
    %cond3A_859 = arith.constant 0 : i32
    %cond3A_860 = arith.cmpi ne, %convert_element_type3A_858, %cond3A_859 : i32
    scf.if %cond3A_860 {
      %mul3A_898 = arith.constant 32 : i32
      %mul3A_899 = arith.muli %add3A_857, %mul3A_898 : i32
      "tpu.region"() ({
        %run_scoped3A = tpu.sem_alloc : memref<!tpu.dma_semaphore, #tpu.memory_space<semaphore_mem>>
        %dma_start3A_900 = arith.constant 0 : i32
        %dma_start3A_901 = tpu.memref_slice %arg5[%mul3A_899, %dma_start3A_900] : memref<8192x1024xf32, #tpu.memory_space<hbm>> -> memref<32x1024xf32, #tpu.memory_space<hbm>>
        %dma_start3A_902 = arith.constant 0 : i32
        %dma_start3A_903 = tpu.memref_slice %arg5[%mul3A_899, %dma_start3A_902] : memref<8192x1024xf32, #tpu.memory_space<hbm>> -> memref<32x1024xf32, #tpu.memory_space<hbm>>
        tpu.enqueue_dma source(%arg9 : memref<32x1024xf32, #tpu.memory_space<vmem>>) target(%dma_start3A_903 : memref<32x1024xf32, #tpu.memory_space<hbm>>) target_semaphore(%run_scoped3A : memref<!tpu.dma_semaphore, #tpu.memory_space<semaphore_mem>>)
        %dma_wait3A_904 = arith.constant 0 : i32
        %dma_wait3A_905 = tpu.memref_slice %arg5[%mul3A_899, %dma_wait3A_904] : memref<8192x1024xf32, #tpu.memory_space<hbm>> -> memref<32x1024xf32, #tpu.memory_space<hbm>>
        %dma_wait3A_906 = arith.constant 0 : i32
        %dma_wait3A_907 = tpu.memref_slice %arg5[%mul3A_899, %dma_wait3A_906] : memref<8192x1024xf32, #tpu.memory_space<hbm>> -> memref<32x1024xf32, #tpu.memory_space<hbm>>
        tpu.wait_dma2 semaphore(%run_scoped3A : memref<!tpu.dma_semaphore, #tpu.memory_space<semaphore_mem>>) src(%arg9 : memref<32x1024xf32, #tpu.memory_space<vmem>>) dst(%dma_wait3A_907 : memref<32x1024xf32, #tpu.memory_space<hbm>>)
        tpu.yield
      }) : () -> ()
    } else {
    }
    %jit3A_861 = arith.constant 64 : i32
    %div3A_862 = arith.divsi %add3A_857, %jit3A_861 : i32
    %sign3A_863 = arith.constant 0 : i32
    %sign3A_864 = arith.cmpi sgt, %add3A_857, %sign3A_863 : i32
    %sign3A_865 = arith.extui %sign3A_864 : i1 to i32
    %sign3A_866 = arith.constant 0 : i32
    %sign3A_867 = arith.cmpi slt, %add3A_857, %sign3A_866 : i32
    %sign3A_868 = arith.extui %sign3A_867 : i1 to i32
    %sign3A_869 = arith.subi %sign3A_865, %sign3A_868 : i32
    %sign3A_870 = arith.constant 0 : i32
    %sign3A_871 = arith.cmpi sgt, %jit3A_861, %sign3A_870 : i32
    %sign3A_872 = arith.extui %sign3A_871 : i1 to i32
    %sign3A_873 = arith.constant 0 : i32
    %sign3A_874 = arith.cmpi slt, %jit3A_861, %sign3A_873 : i32
    %sign3A_875 = arith.extui %sign3A_874 : i1 to i32
    %sign3A_876 = arith.subi %sign3A_872, %sign3A_875 : i32
    %ne3A_877 = arith.cmpi ne, %sign3A_869, %sign3A_876 : i32
    %rem3A_878 = arith.remsi %add3A_857, %jit3A_861 : i32
    %ne3A_879 = arith.constant 0 : i32
    %ne3A_880 = arith.cmpi ne, %rem3A_878, %ne3A_879 : i32
    %and3A_881 = arith.andi %ne3A_877, %ne3A_880 : i1
    %sub3A_882 = arith.constant 1 : i32
    %sub3A_883 = arith.subi %div3A_862, %sub3A_882 : i32
    %select_n3A_884 = arith.select %and3A_881, %sub3A_883, %div3A_862 : i32
    %mul3A_885 = arith.constant 64 : i32
    %mul3A_886 = arith.muli %select_n3A_884, %mul3A_885 : i32
    %sub3A_887 = arith.subi %add3A_857, %mul3A_886 : i32
    %mul3A_888 = arith.constant 32 : i32
    %mul3A_889 = arith.muli %sub3A_887, %mul3A_888 : i32
    %not3A_890 = arith.constant true
    %not3A_891 = arith.xori %lt3A_1, %not3A_890 : i1
    %lt3A_892 = arith.constant 2016 : i32
    %lt3A_893 = arith.cmpi slt, %mul3A_889, %lt3A_892 : i32
    %and3A_894 = arith.andi %not3A_891, %lt3A_893 : i1
    %convert_element_type3A_895 = arith.extui %and3A_894 : i1 to i32
    %cond3A_896 = arith.constant 0 : i32
    %cond3A_897 = arith.cmpi ne, %convert_element_type3A_895, %cond3A_896 : i32
    scf.if %cond3A_897 {
      "tpu.region"() ({
        %run_scoped3A = tpu.sem_alloc : memref<!tpu.dma_semaphore, #tpu.memory_space<semaphore_mem>>
        %dma_start3A_898 = arith.constant 0 : i32
        %dma_start3A_899 = tpu.memref_slice %arg6[%select_n3A_884, %mul3A_889, %dma_start3A_898] : memref<4x2041x1024xf32, #tpu.memory_space<hbm>> -> memref<1x32x1024xf32, #tpu.memory_space<hbm>>
        %dma_start3A_900 = tpu.memref_squeeze %dma_start3A_899 : memref<1x32x1024xf32, #tpu.memory_space<hbm>> -> memref<32x1024xf32, #tpu.memory_space<hbm>>
        %dma_start3A_901 = arith.constant 0 : i32
        %dma_start3A_902 = tpu.memref_slice %arg6[%select_n3A_884, %mul3A_889, %dma_start3A_901] : memref<4x2041x1024xf32, #tpu.memory_space<hbm>> -> memref<1x32x1024xf32, #tpu.memory_space<hbm>>
        %dma_start3A_903 = tpu.memref_squeeze %dma_start3A_902 : memref<1x32x1024xf32, #tpu.memory_space<hbm>> -> memref<32x1024xf32, #tpu.memory_space<hbm>>
        tpu.enqueue_dma source(%arg9 : memref<32x1024xf32, #tpu.memory_space<vmem>>) target(%dma_start3A_903 : memref<32x1024xf32, #tpu.memory_space<hbm>>) target_semaphore(%run_scoped3A : memref<!tpu.dma_semaphore, #tpu.memory_space<semaphore_mem>>)
        %dma_wait3A_904 = arith.constant 0 : i32
        %dma_wait3A_905 = tpu.memref_slice %arg6[%select_n3A_884, %mul3A_889, %dma_wait3A_904] : memref<4x2041x1024xf32, #tpu.memory_space<hbm>> -> memref<1x32x1024xf32, #tpu.memory_space<hbm>>
        %dma_wait3A_906 = tpu.memref_squeeze %dma_wait3A_905 : memref<1x32x1024xf32, #tpu.memory_space<hbm>> -> memref<32x1024xf32, #tpu.memory_space<hbm>>
        %dma_wait3A_907 = arith.constant 0 : i32
        %dma_wait3A_908 = tpu.memref_slice %arg6[%select_n3A_884, %mul3A_889, %dma_wait3A_907] : memref<4x2041x1024xf32, #tpu.memory_space<hbm>> -> memref<1x32x1024xf32, #tpu.memory_space<hbm>>
        %dma_wait3A_909 = tpu.memref_squeeze %dma_wait3A_908 : memref<1x32x1024xf32, #tpu.memory_space<hbm>> -> memref<32x1024xf32, #tpu.memory_space<hbm>>
        tpu.wait_dma2 semaphore(%run_scoped3A : memref<!tpu.dma_semaphore, #tpu.memory_space<semaphore_mem>>) src(%arg9 : memref<32x1024xf32, #tpu.memory_space<vmem>>) dst(%dma_wait3A_909 : memref<32x1024xf32, #tpu.memory_space<hbm>>)
        tpu.yield
      }) : () -> ()
    } else {
    }
    return
  }
}

module attributes {stable_mosaic.version = 14 : i64} {
  func.func @_normalize_body(%arg0: i32, %arg1: memref<1xf32, #tpu.memory_space<smem>>, %arg2: memref<1x2048x1024xf32, #tpu.memory_space<vmem>>, %arg3: memref<1x2048x1xf32, #tpu.memory_space<vmem>>, %arg4: memref<1x2048x1024xf32, #tpu.memory_space<vmem>>) attributes {dimension_semantics = [#tpu.dimension_semantics<arbitrary>], iteration_bounds = array<i64: 4>, scalar_prefetch = 0 : i64, scratch_operands = 0 : i64, tpu.core_type = #tpu.core_type<tc>, window_params = [{transform_indices = @transform_0, window_bounds = array<i64: 1>}, {transform_indices = @transform_1, window_bounds = array<i64: 1, 2048, 1024>}, {transform_indices = @transform_2, window_bounds = array<i64: 1, 2048, 1>}, {transform_indices = @transform_3, window_bounds = array<i64: 1, 2048, 1024>}]} {
    %get3A = arith.constant 0 : index
    %get3A_0 = arith.constant 0 : index
    %get3A_1 = arith.constant 0 : index
    %get3A_2 = vector.load %arg2[%get3A, %get3A_0, %get3A_1] : memref<1x2048x1024xf32, #tpu.memory_space<vmem>>, vector<1x2048x1024xf32>
    %get3A_3 = vector.shape_cast %get3A_2 : vector<1x2048x1024xf32> to vector<2048x1024xf32>
    %get3A_4 = arith.constant 0 : index
    %get3A_5 = arith.constant 0 : index
    %get3A_6 = arith.constant 0 : index
    %get3A_7 = vector.load %arg3[%get3A_4, %get3A_5, %get3A_6] : memref<1x2048x1xf32, #tpu.memory_space<vmem>>, vector<1x2048x1xf32>
    %get3A_8 = vector.shape_cast %get3A_7 : vector<1x2048x1xf32> to vector<2048x1xf32>
    %max3A = arith.constant 9.99999996E-13 : f32
    %max3A_9 = vector.broadcast %max3A : f32 to vector<2048x1xf32>
    %max3A_10 = arith.maximumf %get3A_8, %max3A_9 : vector<2048x1xf32>
    %div3A = vector.broadcast %max3A_10 : vector<2048x1xf32> to vector<2048x1024xf32>
    %div3A_11 = arith.divf %get3A_3, %div3A : vector<2048x1024xf32>
    %get3A_12 = arith.constant 0 : index
    %get3A_13 = memref.load %arg1[%get3A_12] : memref<1xf32, #tpu.memory_space<smem>>
    %mul3A = vector.broadcast %get3A_13 : f32 to vector<2048x1024xf32>
    %mul3A_14 = arith.mulf %div3A_11, %mul3A : vector<2048x1024xf32>
    %swap3A = arith.constant 0 : index
    %swap3A_15 = arith.constant 0 : index
    %swap3A_16 = arith.constant 0 : index
    %swap3A_17 = vector.load %arg4[%swap3A, %swap3A_15, %swap3A_16] : memref<1x2048x1024xf32, #tpu.memory_space<vmem>>, vector<1x2048x1024xf32>
    %swap3A_18 = vector.shape_cast %swap3A_17 : vector<1x2048x1024xf32> to vector<2048x1024xf32>
    %swap3A_19 = vector.shape_cast %mul3A_14 : vector<2048x1024xf32> to vector<1x2048x1024xf32>
    tpu.vector_store %arg4[%swap3A, %swap3A_15, %swap3A_16], %swap3A_19 {strides = array<i32>} : memref<1x2048x1024xf32, #tpu.memory_space<vmem>>, vector<1x2048x1024xf32>,
    return
  }
  func.func @transform_0(%arg0: i32) -> i32 {
    %c0_i32 = arith.constant 0 : i32
    %c0_i32_0 = arith.constant 0 : i32
    return %c0_i32 : i32
  }
  func.func @transform_1(%arg0: i32) -> (i32, i32, i32) {
    %c0_i32 = arith.constant 0 : i32
    %c0_i32_0 = arith.constant 0 : i32
    %c0_i32_1 = arith.constant 0 : i32
    return %arg0, %c0_i32, %c0_i32_0 : i32, i32, i32
  }
  func.func @transform_2(%arg0: i32) -> (i32, i32, i32) {
    %c0_i32 = arith.constant 0 : i32
    %c0_i32_0 = arith.constant 0 : i32
    %c0_i32_1 = arith.constant 0 : i32
    return %arg0, %c0_i32, %c0_i32_0 : i32, i32, i32
  }
  func.func @transform_3(%arg0: i32) -> (i32, i32, i32) {
    %c0_i32 = arith.constant 0 : i32
    %c0_i32_0 = arith.constant 0 : i32
    %c0_i32_1 = arith.constant 0 : i32
    return %arg0, %c0_i32, %c0_i32_0 : i32, i32, i32
  }
}

module attributes {stable_mosaic.version = 14 : i64} {
  func.func @_hash_body(%arg0: i32, %arg1: i32, %arg2: memref<1x2048x1024xf32, #tpu.memory_space<vmem>>, %arg3: memref<1024x1024xf32, #tpu.memory_space<vmem>>, %arg4: memref<1x1x1024xf32, #tpu.memory_space<vmem>>) attributes {dimension_semantics = [#tpu.dimension_semantics<arbitrary>, #tpu.dimension_semantics<arbitrary>], iteration_bounds = array<i64: 4, 2>, scalar_prefetch = 0 : i64, scratch_operands = 0 : i64, tpu.core_type = #tpu.core_type<tc>, window_params = [{transform_indices = @transform_0, window_bounds = array<i64: 1, 2048, 1024>}, {transform_indices = @transform_1, window_bounds = array<i64: 1024, 1024>}, {transform_indices = @transform_2, window_bounds = array<i64: 1, 1, 1024>}]} {
    %get3A = arith.constant 0 : index
    %get3A_0 = arith.constant 0 : index
    %get3A_1 = vector.load %arg3[%get3A, %get3A_0] : memref<1024x1024xf32, #tpu.memory_space<vmem>>, vector<1024x1024xf32>
    %get3A_2 = arith.constant 0 : index
    %get3A_3 = arith.constant 0 : index
    %get3A_4 = arith.constant 0 : index
    %get3A_5 = vector.load %arg2[%get3A_2, %get3A_3, %get3A_4] : memref<1x2048x1024xf32, #tpu.memory_space<vmem>>, vector<1x2048x1024xf32>
    %get3A_6 = vector.shape_cast %get3A_5 : vector<1x2048x1024xf32> to vector<2048x1024xf32>
    %dot_general3A = arith.constant dense<0.000000e+00> : vector<1024x2048xf32>
    %dot_general3A_7 = tpu.matmul %get3A_1, %get3A_6, %dot_general3A {dimension_numbers = #tpu.dot_dimension_numbers<[1], [1], [0], [0], [0, 0, 1, 0], [], []>, transpose_lhs_hint = false} : vector<1024x1024xf32>, vector<2048x1024xf32>, vector<1024x2048xf32> -> vector<1024x2048xf32>
    %gt3A = arith.constant 0.000000e+00 : f32
    %gt3A_8 = vector.broadcast %gt3A : f32 to vector<1024x2048xf32>
    %gt3A_9 = arith.cmpf ogt, %dot_general3A_7, %gt3A_8 : vector<1024x2048xf32>
    %convert_element_type3A = arith.extui %gt3A_9 : vector<1024x2048xi1> to vector<1024x2048xi32>
    %convert_element_type3A_10 = arith.sitofp %convert_element_type3A : vector<1024x2048xi32> to vector<1024x2048xf32>
    %reduce_sum3A = arith.constant dense<0.000000e+00> : vector<1024xf32>
    %reduce_sum3A_11 = vector.multi_reduction <add>, %convert_element_type3A_10, %reduce_sum3A [1] : vector<1024x2048xf32> to vector<1024xf32>
    %swap3A = arith.constant 0 : index
    %swap3A_12 = arith.constant 0 : index
    %swap3A_13 = arith.constant 0 : index
    %swap3A_14 = vector.load %arg4[%swap3A, %swap3A_12, %swap3A_13] : memref<1x1x1024xf32, #tpu.memory_space<vmem>>, vector<1x1x1024xf32>
    %swap3A_15 = vector.shape_cast %swap3A_14 : vector<1x1x1024xf32> to vector<1024xf32>
    %swap3A_16 = vector.shape_cast %reduce_sum3A_11 : vector<1024xf32> to vector<1x1x1024xf32>
    tpu.vector_store %arg4[%swap3A, %swap3A_12, %swap3A_13], %swap3A_16 {strides = array<i32>} : memref<1x1x1024xf32, #tpu.memory_space<vmem>>, vector<1x1x1024xf32>,
    return
  }
  func.func @transform_0(%arg0: i32, %arg1: i32) -> (i32, i32, i32) {
    %c0_i32 = arith.constant 0 : i32
    %c0_i32_0 = arith.constant 0 : i32
    %c0_i32_1 = arith.constant 0 : i32
    return %arg0, %c0_i32, %c0_i32_0 : i32, i32, i32
  }
  func.func @transform_1(%arg0: i32, %arg1: i32) -> (i32, i32) {
    %c0_i32 = arith.constant 0 : i32
    %c0_i32_0 = arith.constant 0 : i32
    return %arg1, %c0_i32 : i32, i32
  }
  func.func @transform_2(%arg0: i32, %arg1: i32) -> (i32, i32, i32) {
    %c0_i32 = arith.constant 0 : i32
    %c0_i32_0 = arith.constant 0 : i32
    return %arg0, %c0_i32, %arg1 : i32, i32, i32
  }
}

module attributes {stable_mosaic.version = 14 : i64} {
  func.func @_rank_body(%arg0: i32, %arg1: i32, %arg2: memref<1x1x2048xf32, #tpu.memory_space<vmem>>, %arg3: memref<1x1x512xf32, #tpu.memory_space<vmem>>, %arg4: memref<1x1x512xi32, #tpu.memory_space<vmem>>) attributes {dimension_semantics = [#tpu.dimension_semantics<arbitrary>, #tpu.dimension_semantics<arbitrary>], iteration_bounds = array<i64: 4, 4>, scalar_prefetch = 0 : i64, scratch_operands = 0 : i64, tpu.core_type = #tpu.core_type<tc>, window_params = [{transform_indices = @transform_0, window_bounds = array<i64: 1, 1, 2048>}, {transform_indices = @transform_1, window_bounds = array<i64: 1, 1, 512>}, {transform_indices = @transform_2, window_bounds = array<i64: 1, 1, 512>}]} {
    %mul3A = arith.constant 512 : i32
    %mul3A_0 = arith.muli %arg1, %mul3A : i32
    %get3A = arith.constant 0 : index
    %get3A_1 = arith.constant 0 : index
    %get3A_2 = arith.constant 0 : index
    %get3A_3 = vector.load %arg2[%get3A, %get3A_1, %get3A_2] : memref<1x1x2048xf32, #tpu.memory_space<vmem>>, vector<1x1x2048xf32>
    %get3A_4 = vector.shape_cast %get3A_3 : vector<1x1x2048xf32> to vector<2048xf32>
    %broadcast_in_dim3A = vector.shape_cast %get3A_4 : vector<2048xf32> to vector<1x2048xf32>
    %get3A_5 = arith.constant 0 : index
    %get3A_6 = arith.constant 0 : index
    %get3A_7 = arith.constant 0 : index
    %get3A_8 = vector.load %arg3[%get3A_5, %get3A_6, %get3A_7] : memref<1x1x512xf32, #tpu.memory_space<vmem>>, vector<1x1x512xf32>
    %get3A_9 = vector.shape_cast %get3A_8 : vector<1x1x512xf32> to vector<512xf32>
    %broadcast_in_dim3A_10 = vector.shape_cast %get3A_9 : vector<512xf32> to vector<512x1xf32>
    %iota3A = tpu.iota {dimensions = array<i32: 1>} : vector<512x2048xi32>
    %iota3A_11 = tpu.iota {dimensions = array<i32: 0>} : vector<512x2048xi32>
    %add3A = vector.broadcast %mul3A_0 : i32 to vector<512x2048xi32>
    %add3A_12 = arith.addi %iota3A_11, %add3A : vector<512x2048xi32>
    %lt3A = vector.broadcast %broadcast_in_dim3A : vector<1x2048xf32> to vector<512x2048xf32>
    %lt3A_13 = vector.broadcast %broadcast_in_dim3A_10 : vector<512x1xf32> to vector<512x2048xf32>
    %lt3A_14 = arith.cmpf olt, %lt3A, %lt3A_13 : vector<512x2048xf32>
    %convert_element_type3A = arith.extui %lt3A_14 : vector<512x2048xi1> to vector<512x2048xi32>
    %eq3A = vector.broadcast %broadcast_in_dim3A : vector<1x2048xf32> to vector<512x2048xf32>
    %eq3A_15 = vector.broadcast %broadcast_in_dim3A_10 : vector<512x1xf32> to vector<512x2048xf32>
    %eq3A_16 = arith.cmpf oeq, %eq3A, %eq3A_15 : vector<512x2048xf32>
    %lt3A_17 = arith.cmpi slt, %iota3A, %add3A_12 : vector<512x2048xi32>
    %and3A = arith.andi %eq3A_16, %lt3A_17 : vector<512x2048xi1>
    %convert_element_type3A_18 = arith.extui %and3A : vector<512x2048xi1> to vector<512x2048xi32>
    %add3A_19 = arith.addi %convert_element_type3A, %convert_element_type3A_18 : vector<512x2048xi32>
    %reduce_sum3A = arith.constant dense<0> : vector<512xi32>
    %reduce_sum3A_20 = vector.multi_reduction <add>, %add3A_19, %reduce_sum3A [1] : vector<512x2048xi32> to vector<512xi32>
    %swap3A = arith.constant 0 : index
    %swap3A_21 = arith.constant 0 : index
    %swap3A_22 = arith.constant 0 : index
    %swap3A_23 = vector.load %arg4[%swap3A, %swap3A_21, %swap3A_22] : memref<1x1x512xi32, #tpu.memory_space<vmem>>, vector<1x1x512xi32>
    %swap3A_24 = vector.shape_cast %swap3A_23 : vector<1x1x512xi32> to vector<512xi32>
    %swap3A_25 = vector.shape_cast %reduce_sum3A_20 : vector<512xi32> to vector<1x1x512xi32>
    tpu.vector_store %arg4[%swap3A, %swap3A_21, %swap3A_22], %swap3A_25 {strides = array<i32>} : memref<1x1x512xi32, #tpu.memory_space<vmem>>, vector<1x1x512xi32>,
    return
  }
  func.func @transform_0(%arg0: i32, %arg1: i32) -> (i32, i32, i32) {
    %c0_i32 = arith.constant 0 : i32
    %c0_i32_0 = arith.constant 0 : i32
    %c0_i32_1 = arith.constant 0 : i32
    return %arg0, %c0_i32, %c0_i32_0 : i32, i32, i32
  }
  func.func @transform_1(%arg0: i32, %arg1: i32) -> (i32, i32, i32) {
    %c0_i32 = arith.constant 0 : i32
    %c0_i32_0 = arith.constant 0 : i32
    return %arg0, %c0_i32, %arg1 : i32, i32, i32
  }
  func.func @transform_2(%arg0: i32, %arg1: i32) -> (i32, i32, i32) {
    %c0_i32 = arith.constant 0 : i32
    %c0_i32_0 = arith.constant 0 : i32
    return %arg0, %c0_i32, %arg1 : i32, i32, i32
  }
}

module attributes {stable_mosaic.version = 14 : i64} {
  func.func @_invert_body(%arg0: i32, %arg1: i32, %arg2: memref<1x1x2048xi32, #tpu.memory_space<vmem>>, %arg3: memref<1x1x512xi32, #tpu.memory_space<vmem>>, %arg4: memref<1x1x512xi32, #tpu.memory_space<vmem>>) attributes {dimension_semantics = [#tpu.dimension_semantics<arbitrary>, #tpu.dimension_semantics<arbitrary>], iteration_bounds = array<i64: 4, 4>, scalar_prefetch = 0 : i64, scratch_operands = 0 : i64, tpu.core_type = #tpu.core_type<tc>, window_params = [{transform_indices = @transform_0, window_bounds = array<i64: 1, 1, 2048>}, {transform_indices = @transform_1, window_bounds = array<i64: 1, 1, 512>}, {transform_indices = @transform_2, window_bounds = array<i64: 1, 1, 512>}]} {
    %mul3A = arith.constant 2048 : i32
    %mul3A_0 = arith.muli %arg0, %mul3A : i32
    %mul3A_1 = arith.constant 512 : i32
    %mul3A_2 = arith.muli %arg1, %mul3A_1 : i32
    %get3A = arith.constant 0 : index
    %get3A_3 = arith.constant 0 : index
    %get3A_4 = arith.constant 0 : index
    %get3A_5 = vector.load %arg2[%get3A, %get3A_3, %get3A_4] : memref<1x1x2048xi32, #tpu.memory_space<vmem>>, vector<1x1x2048xi32>
    %get3A_6 = vector.shape_cast %get3A_5 : vector<1x1x2048xi32> to vector<2048xi32>
    %broadcast_in_dim3A = vector.shape_cast %get3A_6 : vector<2048xi32> to vector<1x2048xi32>
    %iota3A = tpu.iota {dimensions = array<i32: 0>} : vector<512x2048xi32>
    %add3A = vector.broadcast %mul3A_2 : i32 to vector<512x2048xi32>
    %add3A_7 = arith.addi %iota3A, %add3A : vector<512x2048xi32>
    %iota3A_8 = tpu.iota {dimensions = array<i32: 1>} : vector<512x2048xi32>
    %eq3A = vector.broadcast %broadcast_in_dim3A : vector<1x2048xi32> to vector<512x2048xi32>
    %eq3A_9 = arith.cmpi eq, %eq3A, %add3A_7 : vector<512x2048xi32>
    %jit3A = arith.constant 0 : i32
    %broadcast_in_dim3A_10 = vector.broadcast %jit3A : i32 to vector<512x2048xi32>
    %select_n3A = arith.select %eq3A_9, %iota3A_8, %broadcast_in_dim3A_10 : vector<512x2048xi1>, vector<512x2048xi32>
    %reduce_sum3A = arith.constant dense<0> : vector<512xi32>
    %reduce_sum3A_11 = vector.multi_reduction <add>, %select_n3A, %reduce_sum3A [1] : vector<512x2048xi32> to vector<512xi32>
    %add3A_12 = vector.broadcast %mul3A_0 : i32 to vector<512xi32>
    %add3A_13 = arith.addi %reduce_sum3A_11, %add3A_12 : vector<512xi32>
    %swap3A = arith.constant 0 : index
    %swap3A_14 = arith.constant 0 : index
    %swap3A_15 = arith.constant 0 : index
    %swap3A_16 = vector.load %arg3[%swap3A, %swap3A_14, %swap3A_15] : memref<1x1x512xi32, #tpu.memory_space<vmem>>, vector<1x1x512xi32>
    %swap3A_17 = vector.shape_cast %swap3A_16 : vector<1x1x512xi32> to vector<512xi32>
    %swap3A_18 = vector.shape_cast %add3A_13 : vector<512xi32> to vector<1x1x512xi32>
    tpu.vector_store %arg3[%swap3A, %swap3A_14, %swap3A_15], %swap3A_18 {strides = array<i32>} : memref<1x1x512xi32, #tpu.memory_space<vmem>>, vector<1x1x512xi32>,
    %gt3A = arith.constant 984 : i32
    %gt3A_19 = vector.broadcast %gt3A : i32 to vector<512x2048xi32>
    %gt3A_20 = arith.cmpi sgt, %add3A_7, %gt3A_19 : vector<512x2048xi32>
    %jit3A_21 = arith.constant 7 : i32
    %jit3A_22 = arith.constant 0 : i32
    %broadcast_in_dim3A_23 = vector.broadcast %jit3A_21 : i32 to vector<512x2048xi32>
    %broadcast_in_dim3A_24 = vector.broadcast %jit3A_22 : i32 to vector<512x2048xi32>
    %select_n3A_25 = arith.select %gt3A_20, %broadcast_in_dim3A_23, %broadcast_in_dim3A_24 : vector<512x2048xi1>, vector<512x2048xi32>
    %add3A_26 = arith.addi %add3A_7, %select_n3A_25 : vector<512x2048xi32>
    %eq3A_27 = vector.broadcast %broadcast_in_dim3A : vector<1x2048xi32> to vector<512x2048xi32>
    %eq3A_28 = arith.cmpi eq, %eq3A_27, %add3A_26 : vector<512x2048xi32>
    %jit3A_29 = arith.constant 0 : i32
    %broadcast_in_dim3A_30 = vector.broadcast %jit3A_29 : i32 to vector<512x2048xi32>
    %select_n3A_31 = arith.select %eq3A_28, %iota3A_8, %broadcast_in_dim3A_30 : vector<512x2048xi1>, vector<512x2048xi32>
    %reduce_sum3A_32 = arith.constant dense<0> : vector<512xi32>
    %reduce_sum3A_33 = vector.multi_reduction <add>, %select_n3A_31, %reduce_sum3A_32 [1] : vector<512x2048xi32> to vector<512xi32>
    %add3A_34 = vector.broadcast %mul3A_0 : i32 to vector<512xi32>
    %add3A_35 = arith.addi %reduce_sum3A_33, %add3A_34 : vector<512xi32>
    %swap3A_36 = arith.constant 0 : index
    %swap3A_37 = arith.constant 0 : index
    %swap3A_38 = arith.constant 0 : index
    %swap3A_39 = vector.load %arg4[%swap3A_36, %swap3A_37, %swap3A_38] : memref<1x1x512xi32, #tpu.memory_space<vmem>>, vector<1x1x512xi32>
    %swap3A_40 = vector.shape_cast %swap3A_39 : vector<1x1x512xi32> to vector<512xi32>
    %swap3A_41 = vector.shape_cast %add3A_35 : vector<512xi32> to vector<1x1x512xi32>
    tpu.vector_store %arg4[%swap3A_36, %swap3A_37, %swap3A_38], %swap3A_41 {strides = array<i32>} : memref<1x1x512xi32, #tpu.memory_space<vmem>>, vector<1x1x512xi32>,
    return
  }
  func.func @transform_0(%arg0: i32, %arg1: i32) -> (i32, i32, i32) {
    %c0_i32 = arith.constant 0 : i32
    %c0_i32_0 = arith.constant 0 : i32
    %c0_i32_1 = arith.constant 0 : i32
    return %arg0, %c0_i32, %c0_i32_0 : i32, i32, i32
  }
  func.func @transform_1(%arg0: i32, %arg1: i32) -> (i32, i32, i32) {
    %c0_i32 = arith.constant 0 : i32
    %c0_i32_0 = arith.constant 0 : i32
    return %arg0, %c0_i32, %arg1 : i32, i32, i32
  }
  func.func @transform_2(%arg0: i32, %arg1: i32) -> (i32, i32, i32) {
    %c0_i32 = arith.constant 0 : i32
    %c0_i32_0 = arith.constant 0 : i32
    return %arg0, %c0_i32, %arg1 : i32, i32, i32
  }
}

module attributes {stable_mosaic.version = 14 : i64} {
  func.func @_merge_body(%arg0: i32, %arg1: i32, %arg2: memref<1x41x1024xf32, #tpu.memory_space<vmem>>, %arg3: memref<1x64x1024xf32, #tpu.memory_space<vmem>>, %arg4: memref<1x64x1024xf32, #tpu.memory_space<vmem>>, %arg5: memref<1x64x1024xf32, #tpu.memory_space<vmem>>) attributes {dimension_semantics = [#tpu.dimension_semantics<arbitrary>, #tpu.dimension_semantics<arbitrary>], iteration_bounds = array<i64: 4, 2>, scalar_prefetch = 0 : i64, scratch_operands = 0 : i64, tpu.core_type = #tpu.core_type<tc>, window_params = [{transform_indices = @transform_0, window_bounds = array<i64: 1, 41, 1024>}, {transform_indices = @transform_1, window_bounds = array<i64: 1, 64, 1024>}, {transform_indices = @transform_2, window_bounds = array<i64: 1, 64, 1024>}, {transform_indices = @transform_3, window_bounds = array<i64: 1, 64, 1024>}]} {
    %get3A = arith.constant 0 : index
    %get3A_0 = arith.constant 0 : index
    %get3A_1 = arith.constant 0 : index
    %get3A_2 = vector.load %arg2[%get3A, %get3A_0, %get3A_1] : memref<1x41x1024xf32, #tpu.memory_space<vmem>>, vector<1x41x1024xf32>
    %get3A_3 = vector.shape_cast %get3A_2 : vector<1x41x1024xf32> to vector<41x1024xf32>
    %mul3A = arith.mulf %get3A_3, %get3A_3 : vector<41x1024xf32>
    %reduce_sum3A = arith.constant dense<0.000000e+00> : vector<41xf32>
    %reduce_sum3A_4 = vector.multi_reduction <add>, %mul3A, %reduce_sum3A [1] : vector<41x1024xf32> to vector<41xf32>
    %broadcast_in_dim3A = vector.shape_cast %reduce_sum3A_4 : vector<41xf32> to vector<41x1xf32>
    %sqrt3A = math.sqrt %broadcast_in_dim3A : vector<41x1xf32>
    %max3A = arith.constant 9.99999996E-13 : f32
    %max3A_5 = vector.broadcast %max3A : f32 to vector<41x1xf32>
    %max3A_6 = arith.maximumf %sqrt3A, %max3A_5 : vector<41x1xf32>
    %div3A = vector.broadcast %max3A_6 : vector<41x1xf32> to vector<41x1024xf32>
    %div3A_7 = arith.divf %get3A_3, %div3A : vector<41x1024xf32>
    %dot_general3A = arith.constant dense<0.000000e+00> : vector<41x41xf32>
    %dot_general3A_8 = tpu.matmul %div3A_7, %div3A_7, %dot_general3A {dimension_numbers = #tpu.dot_dimension_numbers<[1], [1], [0], [0], [0, 0, 1, 0], [], []>, transpose_lhs_hint = false} : vector<41x1024xf32>, vector<41x1024xf32>, vector<41x41xf32> -> vector<41x41xf32>
    %iota3A = tpu.iota {dimensions = array<i32: 0>} : vector<41x41xi32>
    %iota3A_9 = tpu.iota {dimensions = array<i32: 1>} : vector<41x41xi32>
    %gt3A = arith.cmpi sgt, %iota3A_9, %iota3A : vector<41x41xi32>
    %jit3A = arith.constant 0.000000e+00 : f32
    %broadcast_in_dim3A_10 = vector.broadcast %jit3A : f32 to vector<41x41xf32>
    %select_n3A = arith.select %gt3A, %dot_general3A_8, %broadcast_in_dim3A_10 : vector<41x41xi1>, vector<41x41xf32>
    %reduce_max3A = arith.constant dense<0xFF800000> : vector<41xf32>
    %reduce_max3A_11 = vector.multi_reduction <maximumf>, %select_n3A, %reduce_max3A [1] : vector<41x41xf32> to vector<41xf32>
    %broadcast_in_dim3A_12 = vector.shape_cast %reduce_max3A_11 : vector<41xf32> to vector<41x1xf32>
    %iota3A_13 = tpu.iota {dimensions = array<i32: 0>} : vector<41x1xi32>
    %broadcast_in_dim3A_14 = arith.constant 0.000000e+00 : f32
    %broadcast_in_dim3A_15 = vector.broadcast %broadcast_in_dim3A_14 : f32 to vector<1x1024xf32>
    %reduce_max3A_16 = vector.shape_cast %broadcast_in_dim3A_12 : vector<41x1xf32> to vector<1x41x1xf32>
    %reduce_max3A_17 = arith.constant dense<0xFF800000> : vector<1xf32>
    %reduce_max3A_18 = vector.multi_reduction <maximumf>, %reduce_max3A_16, %reduce_max3A_17 [1, 2] : vector<1x41x1xf32> to vector<1xf32>
    %reduce_max3A_19 = vector.shape_cast %reduce_max3A_18 : vector<1xf32> to vector<1x1x1xf32>
    %reduce_max3A_20 = vector.extract %reduce_max3A_19[0, 0, 0] : f32 from vector<1x1x1xf32>
    %eq3A = vector.broadcast %reduce_max3A_20 : f32 to vector<41x1xf32>
    %eq3A_21 = arith.cmpf oeq, %broadcast_in_dim3A_12, %eq3A : vector<41x1xf32>
    %jit3A_22 = arith.constant 41 : i32
    %broadcast_in_dim3A_23 = vector.broadcast %jit3A_22 : i32 to vector<41x1xi32>
    %select_n3A_24 = arith.select %eq3A_21, %iota3A_13, %broadcast_in_dim3A_23 : vector<41x1xi1>, vector<41x1xi32>
    %reduce_min3A = vector.shape_cast %select_n3A_24 : vector<41x1xi32> to vector<1x41x1xi32>
    %reduce_min3A_25 = arith.constant dense<2147483647> : vector<1xi32>
    %reduce_min3A_26 = vector.multi_reduction <minsi>, %reduce_min3A, %reduce_min3A_25 [1, 2] : vector<1x41x1xi32> to vector<1xi32>
    %reduce_min3A_27 = vector.shape_cast %reduce_min3A_26 : vector<1xi32> to vector<1x1x1xi32>
    %reduce_min3A_28 = vector.extract %reduce_min3A_27[0, 0, 0] : i32 from vector<1x1x1xi32>
    %eq3A_29 = vector.broadcast %reduce_min3A_28 : i32 to vector<41x1xi32>
    %eq3A_30 = arith.cmpi eq, %iota3A_13, %eq3A_29 : vector<41x1xi32>
    %jit3A_31 = arith.constant 0.000000e+00 : f32
    %broadcast_in_dim3A_32 = vector.shape_cast %eq3A_30 : vector<41x1xi1> to vector<41x1xi1>
    %broadcast_in_dim3A_33 = vector.broadcast %broadcast_in_dim3A_32 : vector<41x1xi1> to vector<41x1024xi1>
    %broadcast_in_dim3A_34 = vector.broadcast %jit3A_31 : f32 to vector<41x1024xf32>
    %select_n3A_35 = arith.select %broadcast_in_dim3A_33, %get3A_3, %broadcast_in_dim3A_34 : vector<41x1024xi1>, vector<41x1024xf32>
    %reduce_sum3A_36 = arith.constant dense<0.000000e+00> : vector<1024xf32>
    %reduce_sum3A_37 = vector.multi_reduction <add>, %select_n3A_35, %reduce_sum3A_36 [0] : vector<41x1024xf32> to vector<1024xf32>
    %broadcast_in_dim3A_38 = vector.shape_cast %reduce_sum3A_37 : vector<1024xf32> to vector<1x1024xf32>
    %add3A = arith.addf %broadcast_in_dim3A_15, %broadcast_in_dim3A_38 : vector<1x1024xf32>
    %jit3A_39 = arith.constant 0xFF800000 : f32
    %broadcast_in_dim3A_40 = vector.broadcast %jit3A_39 : f32 to vector<41x1xf32>
    %select_n3A_41 = arith.select %eq3A_30, %broadcast_in_dim3A_40, %broadcast_in_dim3A_12 : vector<41x1xi1>, vector<41x1xf32>
    %reduce_max3A_42 = vector.shape_cast %select_n3A_41 : vector<41x1xf32> to vector<1x41x1xf32>
    %reduce_max3A_43 = arith.constant dense<0xFF800000> : vector<1xf32>
    %reduce_max3A_44 = vector.multi_reduction <maximumf>, %reduce_max3A_42, %reduce_max3A_43 [1, 2] : vector<1x41x1xf32> to vector<1xf32>
    %reduce_max3A_45 = vector.shape_cast %reduce_max3A_44 : vector<1xf32> to vector<1x1x1xf32>
    %reduce_max3A_46 = vector.extract %reduce_max3A_45[0, 0, 0] : f32 from vector<1x1x1xf32>
    %eq3A_47 = vector.broadcast %reduce_max3A_46 : f32 to vector<41x1xf32>
    %eq3A_48 = arith.cmpf oeq, %select_n3A_41, %eq3A_47 : vector<41x1xf32>
    %jit3A_49 = arith.constant 41 : i32
    %broadcast_in_dim3A_50 = vector.broadcast %jit3A_49 : i32 to vector<41x1xi32>
    %select_n3A_51 = arith.select %eq3A_48, %iota3A_13, %broadcast_in_dim3A_50 : vector<41x1xi1>, vector<41x1xi32>
    %reduce_min3A_52 = vector.shape_cast %select_n3A_51 : vector<41x1xi32> to vector<1x41x1xi32>
    %reduce_min3A_53 = arith.constant dense<2147483647> : vector<1xi32>
    %reduce_min3A_54 = vector.multi_reduction <minsi>, %reduce_min3A_52, %reduce_min3A_53 [1, 2] : vector<1x41x1xi32> to vector<1xi32>
    %reduce_min3A_55 = vector.shape_cast %reduce_min3A_54 : vector<1xi32> to vector<1x1x1xi32>
    %reduce_min3A_56 = vector.extract %reduce_min3A_55[0, 0, 0] : i32 from vector<1x1x1xi32>
    %eq3A_57 = vector.broadcast %reduce_min3A_56 : i32 to vector<41x1xi32>
    %eq3A_58 = arith.cmpi eq, %iota3A_13, %eq3A_57 : vector<41x1xi32>
    %jit3A_59 = arith.constant 0.000000e+00 : f32
    %broadcast_in_dim3A_60 = vector.shape_cast %eq3A_58 : vector<41x1xi1> to vector<41x1xi1>
    %broadcast_in_dim3A_61 = vector.broadcast %broadcast_in_dim3A_60 : vector<41x1xi1> to vector<41x1024xi1>
    %broadcast_in_dim3A_62 = vector.broadcast %jit3A_59 : f32 to vector<41x1024xf32>
    %select_n3A_63 = arith.select %broadcast_in_dim3A_61, %get3A_3, %broadcast_in_dim3A_62 : vector<41x1024xi1>, vector<41x1024xf32>
    %reduce_sum3A_64 = arith.constant dense<0.000000e+00> : vector<1024xf32>
    %reduce_sum3A_65 = vector.multi_reduction <add>, %select_n3A_63, %reduce_sum3A_64 [0] : vector<41x1024xf32> to vector<1024xf32>
    %broadcast_in_dim3A_66 = vector.shape_cast %reduce_sum3A_65 : vector<1024xf32> to vector<1x1024xf32>
    %add3A_67 = arith.addf %add3A, %broadcast_in_dim3A_66 : vector<1x1024xf32>
    %jit3A_68 = arith.constant 0xFF800000 : f32
    %broadcast_in_dim3A_69 = vector.broadcast %jit3A_68 : f32 to vector<41x1xf32>
    %select_n3A_70 = arith.select %eq3A_58, %broadcast_in_dim3A_69, %select_n3A_41 : vector<41x1xi1>, vector<41x1xf32>
    %reduce_max3A_71 = vector.shape_cast %select_n3A_70 : vector<41x1xf32> to vector<1x41x1xf32>
    %reduce_max3A_72 = arith.constant dense<0xFF800000> : vector<1xf32>
    %reduce_max3A_73 = vector.multi_reduction <maximumf>, %reduce_max3A_71, %reduce_max3A_72 [1, 2] : vector<1x41x1xf32> to vector<1xf32>
    %reduce_max3A_74 = vector.shape_cast %reduce_max3A_73 : vector<1xf32> to vector<1x1x1xf32>
    %reduce_max3A_75 = vector.extract %reduce_max3A_74[0, 0, 0] : f32 from vector<1x1x1xf32>
    %eq3A_76 = vector.broadcast %reduce_max3A_75 : f32 to vector<41x1xf32>
    %eq3A_77 = arith.cmpf oeq, %select_n3A_70, %eq3A_76 : vector<41x1xf32>
    %jit3A_78 = arith.constant 41 : i32
    %broadcast_in_dim3A_79 = vector.broadcast %jit3A_78 : i32 to vector<41x1xi32>
    %select_n3A_80 = arith.select %eq3A_77, %iota3A_13, %broadcast_in_dim3A_79 : vector<41x1xi1>, vector<41x1xi32>
    %reduce_min3A_81 = vector.shape_cast %select_n3A_80 : vector<41x1xi32> to vector<1x41x1xi32>
    %reduce_min3A_82 = arith.constant dense<2147483647> : vector<1xi32>
    %reduce_min3A_83 = vector.multi_reduction <minsi>, %reduce_min3A_81, %reduce_min3A_82 [1, 2] : vector<1x41x1xi32> to vector<1xi32>
    %reduce_min3A_84 = vector.shape_cast %reduce_min3A_83 : vector<1xi32> to vector<1x1x1xi32>
    %reduce_min3A_85 = vector.extract %reduce_min3A_84[0, 0, 0] : i32 from vector<1x1x1xi32>
    %eq3A_86 = vector.broadcast %reduce_min3A_85 : i32 to vector<41x1xi32>
    %eq3A_87 = arith.cmpi eq, %iota3A_13, %eq3A_86 : vector<41x1xi32>
    %jit3A_88 = arith.constant 0.000000e+00 : f32
    %broadcast_in_dim3A_89 = vector.shape_cast %eq3A_87 : vector<41x1xi1> to vector<41x1xi1>
    %broadcast_in_dim3A_90 = vector.broadcast %broadcast_in_dim3A_89 : vector<41x1xi1> to vector<41x1024xi1>
    %broadcast_in_dim3A_91 = vector.broadcast %jit3A_88 : f32 to vector<41x1024xf32>
    %select_n3A_92 = arith.select %broadcast_in_dim3A_90, %get3A_3, %broadcast_in_dim3A_91 : vector<41x1024xi1>, vector<41x1024xf32>
    %reduce_sum3A_93 = arith.constant dense<0.000000e+00> : vector<1024xf32>
    %reduce_sum3A_94 = vector.multi_reduction <add>, %select_n3A_92, %reduce_sum3A_93 [0] : vector<41x1024xf32> to vector<1024xf32>
    %broadcast_in_dim3A_95 = vector.shape_cast %reduce_sum3A_94 : vector<1024xf32> to vector<1x1024xf32>
    %add3A_96 = arith.addf %add3A_67, %broadcast_in_dim3A_95 : vector<1x1024xf32>
    %jit3A_97 = arith.constant 0xFF800000 : f32
    %broadcast_in_dim3A_98 = vector.broadcast %jit3A_97 : f32 to vector<41x1xf32>
    %select_n3A_99 = arith.select %eq3A_87, %broadcast_in_dim3A_98, %select_n3A_70 : vector<41x1xi1>, vector<41x1xf32>
    %reduce_max3A_100 = vector.shape_cast %select_n3A_99 : vector<41x1xf32> to vector<1x41x1xf32>
    %reduce_max3A_101 = arith.constant dense<0xFF800000> : vector<1xf32>
    %reduce_max3A_102 = vector.multi_reduction <maximumf>, %reduce_max3A_100, %reduce_max3A_101 [1, 2] : vector<1x41x1xf32> to vector<1xf32>
    %reduce_max3A_103 = vector.shape_cast %reduce_max3A_102 : vector<1xf32> to vector<1x1x1xf32>
    %reduce_max3A_104 = vector.extract %reduce_max3A_103[0, 0, 0] : f32 from vector<1x1x1xf32>
    %eq3A_105 = vector.broadcast %reduce_max3A_104 : f32 to vector<41x1xf32>
    %eq3A_106 = arith.cmpf oeq, %select_n3A_99, %eq3A_105 : vector<41x1xf32>
    %jit3A_107 = arith.constant 41 : i32
    %broadcast_in_dim3A_108 = vector.broadcast %jit3A_107 : i32 to vector<41x1xi32>
    %select_n3A_109 = arith.select %eq3A_106, %iota3A_13, %broadcast_in_dim3A_108 : vector<41x1xi1>, vector<41x1xi32>
    %reduce_min3A_110 = vector.shape_cast %select_n3A_109 : vector<41x1xi32> to vector<1x41x1xi32>
    %reduce_min3A_111 = arith.constant dense<2147483647> : vector<1xi32>
    %reduce_min3A_112 = vector.multi_reduction <minsi>, %reduce_min3A_110, %reduce_min3A_111 [1, 2] : vector<1x41x1xi32> to vector<1xi32>
    %reduce_min3A_113 = vector.shape_cast %reduce_min3A_112 : vector<1xi32> to vector<1x1x1xi32>
    %reduce_min3A_114 = vector.extract %reduce_min3A_113[0, 0, 0] : i32 from vector<1x1x1xi32>
    %eq3A_115 = vector.broadcast %reduce_min3A_114 : i32 to vector<41x1xi32>
    %eq3A_116 = arith.cmpi eq, %iota3A_13, %eq3A_115 : vector<41x1xi32>
    %jit3A_117 = arith.constant 0.000000e+00 : f32
    %broadcast_in_dim3A_118 = vector.shape_cast %eq3A_116 : vector<41x1xi1> to vector<41x1xi1>
    %broadcast_in_dim3A_119 = vector.broadcast %broadcast_in_dim3A_118 : vector<41x1xi1> to vector<41x1024xi1>
    %broadcast_in_dim3A_120 = vector.broadcast %jit3A_117 : f32 to vector<41x1024xf32>
    %select_n3A_121 = arith.select %broadcast_in_dim3A_119, %get3A_3, %broadcast_in_dim3A_120 : vector<41x1024xi1>, vector<41x1024xf32>
    %reduce_sum3A_122 = arith.constant dense<0.000000e+00> : vector<1024xf32>
    %reduce_sum3A_123 = vector.multi_reduction <add>, %select_n3A_121, %reduce_sum3A_122 [0] : vector<41x1024xf32> to vector<1024xf32>
    %broadcast_in_dim3A_124 = vector.shape_cast %reduce_sum3A_123 : vector<1024xf32> to vector<1x1024xf32>
    %add3A_125 = arith.addf %add3A_96, %broadcast_in_dim3A_124 : vector<1x1024xf32>
    %jit3A_126 = arith.constant 0xFF800000 : f32
    %broadcast_in_dim3A_127 = vector.broadcast %jit3A_126 : f32 to vector<41x1xf32>
    %select_n3A_128 = arith.select %eq3A_116, %broadcast_in_dim3A_127, %select_n3A_99 : vector<41x1xi1>, vector<41x1xf32>
    %reduce_max3A_129 = vector.shape_cast %select_n3A_128 : vector<41x1xf32> to vector<1x41x1xf32>
    %reduce_max3A_130 = arith.constant dense<0xFF800000> : vector<1xf32>
    %reduce_max3A_131 = vector.multi_reduction <maximumf>, %reduce_max3A_129, %reduce_max3A_130 [1, 2] : vector<1x41x1xf32> to vector<1xf32>
    %reduce_max3A_132 = vector.shape_cast %reduce_max3A_131 : vector<1xf32> to vector<1x1x1xf32>
    %reduce_max3A_133 = vector.extract %reduce_max3A_132[0, 0, 0] : f32 from vector<1x1x1xf32>
    %eq3A_134 = vector.broadcast %reduce_max3A_133 : f32 to vector<41x1xf32>
    %eq3A_135 = arith.cmpf oeq, %select_n3A_128, %eq3A_134 : vector<41x1xf32>
    %jit3A_136 = arith.constant 41 : i32
    %broadcast_in_dim3A_137 = vector.broadcast %jit3A_136 : i32 to vector<41x1xi32>
    %select_n3A_138 = arith.select %eq3A_135, %iota3A_13, %broadcast_in_dim3A_137 : vector<41x1xi1>, vector<41x1xi32>
    %reduce_min3A_139 = vector.shape_cast %select_n3A_138 : vector<41x1xi32> to vector<1x41x1xi32>
    %reduce_min3A_140 = arith.constant dense<2147483647> : vector<1xi32>
    %reduce_min3A_141 = vector.multi_reduction <minsi>, %reduce_min3A_139, %reduce_min3A_140 [1, 2] : vector<1x41x1xi32> to vector<1xi32>
    %reduce_min3A_142 = vector.shape_cast %reduce_min3A_141 : vector<1xi32> to vector<1x1x1xi32>
    %reduce_min3A_143 = vector.extract %reduce_min3A_142[0, 0, 0] : i32 from vector<1x1x1xi32>
    %eq3A_144 = vector.broadcast %reduce_min3A_143 : i32 to vector<41x1xi32>
    %eq3A_145 = arith.cmpi eq, %iota3A_13, %eq3A_144 : vector<41x1xi32>
    %jit3A_146 = arith.constant 0.000000e+00 : f32
    %broadcast_in_dim3A_147 = vector.shape_cast %eq3A_145 : vector<41x1xi1> to vector<41x1xi1>
    %broadcast_in_dim3A_148 = vector.broadcast %broadcast_in_dim3A_147 : vector<41x1xi1> to vector<41x1024xi1>
    %broadcast_in_dim3A_149 = vector.broadcast %jit3A_146 : f32 to vector<41x1024xf32>
    %select_n3A_150 = arith.select %broadcast_in_dim3A_148, %get3A_3, %broadcast_in_dim3A_149 : vector<41x1024xi1>, vector<41x1024xf32>
    %reduce_sum3A_151 = arith.constant dense<0.000000e+00> : vector<1024xf32>
    %reduce_sum3A_152 = vector.multi_reduction <add>, %select_n3A_150, %reduce_sum3A_151 [0] : vector<41x1024xf32> to vector<1024xf32>
    %broadcast_in_dim3A_153 = vector.shape_cast %reduce_sum3A_152 : vector<1024xf32> to vector<1x1024xf32>
    %add3A_154 = arith.addf %add3A_125, %broadcast_in_dim3A_153 : vector<1x1024xf32>
    %jit3A_155 = arith.constant 0xFF800000 : f32
    %broadcast_in_dim3A_156 = vector.broadcast %jit3A_155 : f32 to vector<41x1xf32>
    %select_n3A_157 = arith.select %eq3A_145, %broadcast_in_dim3A_156, %select_n3A_128 : vector<41x1xi1>, vector<41x1xf32>
    %reduce_max3A_158 = vector.shape_cast %select_n3A_157 : vector<41x1xf32> to vector<1x41x1xf32>
    %reduce_max3A_159 = arith.constant dense<0xFF800000> : vector<1xf32>
    %reduce_max3A_160 = vector.multi_reduction <maximumf>, %reduce_max3A_158, %reduce_max3A_159 [1, 2] : vector<1x41x1xf32> to vector<1xf32>
    %reduce_max3A_161 = vector.shape_cast %reduce_max3A_160 : vector<1xf32> to vector<1x1x1xf32>
    %reduce_max3A_162 = vector.extract %reduce_max3A_161[0, 0, 0] : f32 from vector<1x1x1xf32>
    %eq3A_163 = vector.broadcast %reduce_max3A_162 : f32 to vector<41x1xf32>
    %eq3A_164 = arith.cmpf oeq, %select_n3A_157, %eq3A_163 : vector<41x1xf32>
    %jit3A_165 = arith.constant 41 : i32
    %broadcast_in_dim3A_166 = vector.broadcast %jit3A_165 : i32 to vector<41x1xi32>
    %select_n3A_167 = arith.select %eq3A_164, %iota3A_13, %broadcast_in_dim3A_166 : vector<41x1xi1>, vector<41x1xi32>
    %reduce_min3A_168 = vector.shape_cast %select_n3A_167 : vector<41x1xi32> to vector<1x41x1xi32>
    %reduce_min3A_169 = arith.constant dense<2147483647> : vector<1xi32>
    %reduce_min3A_170 = vector.multi_reduction <minsi>, %reduce_min3A_168, %reduce_min3A_169 [1, 2] : vector<1x41x1xi32> to vector<1xi32>
    %reduce_min3A_171 = vector.shape_cast %reduce_min3A_170 : vector<1xi32> to vector<1x1x1xi32>
    %reduce_min3A_172 = vector.extract %reduce_min3A_171[0, 0, 0] : i32 from vector<1x1x1xi32>
    %eq3A_173 = vector.broadcast %reduce_min3A_172 : i32 to vector<41x1xi32>
    %eq3A_174 = arith.cmpi eq, %iota3A_13, %eq3A_173 : vector<41x1xi32>
    %jit3A_175 = arith.constant 0.000000e+00 : f32
    %broadcast_in_dim3A_176 = vector.shape_cast %eq3A_174 : vector<41x1xi1> to vector<41x1xi1>
    %broadcast_in_dim3A_177 = vector.broadcast %broadcast_in_dim3A_176 : vector<41x1xi1> to vector<41x1024xi1>
    %broadcast_in_dim3A_178 = vector.broadcast %jit3A_175 : f32 to vector<41x1024xf32>
    %select_n3A_179 = arith.select %broadcast_in_dim3A_177, %get3A_3, %broadcast_in_dim3A_178 : vector<41x1024xi1>, vector<41x1024xf32>
    %reduce_sum3A_180 = arith.constant dense<0.000000e+00> : vector<1024xf32>
    %reduce_sum3A_181 = vector.multi_reduction <add>, %select_n3A_179, %reduce_sum3A_180 [0] : vector<41x1024xf32> to vector<1024xf32>
    %broadcast_in_dim3A_182 = vector.shape_cast %reduce_sum3A_181 : vector<1024xf32> to vector<1x1024xf32>
    %add3A_183 = arith.addf %add3A_154, %broadcast_in_dim3A_182 : vector<1x1024xf32>
    %jit3A_184 = arith.constant 0xFF800000 : f32
    %broadcast_in_dim3A_185 = vector.broadcast %jit3A_184 : f32 to vector<41x1xf32>
    %select_n3A_186 = arith.select %eq3A_174, %broadcast_in_dim3A_185, %select_n3A_157 : vector<41x1xi1>, vector<41x1xf32>
    %reduce_max3A_187 = vector.shape_cast %select_n3A_186 : vector<41x1xf32> to vector<1x41x1xf32>
    %reduce_max3A_188 = arith.constant dense<0xFF800000> : vector<1xf32>
    %reduce_max3A_189 = vector.multi_reduction <maximumf>, %reduce_max3A_187, %reduce_max3A_188 [1, 2] : vector<1x41x1xf32> to vector<1xf32>
    %reduce_max3A_190 = vector.shape_cast %reduce_max3A_189 : vector<1xf32> to vector<1x1x1xf32>
    %reduce_max3A_191 = vector.extract %reduce_max3A_190[0, 0, 0] : f32 from vector<1x1x1xf32>
    %eq3A_192 = vector.broadcast %reduce_max3A_191 : f32 to vector<41x1xf32>
    %eq3A_193 = arith.cmpf oeq, %select_n3A_186, %eq3A_192 : vector<41x1xf32>
    %jit3A_194 = arith.constant 41 : i32
    %broadcast_in_dim3A_195 = vector.broadcast %jit3A_194 : i32 to vector<41x1xi32>
    %select_n3A_196 = arith.select %eq3A_193, %iota3A_13, %broadcast_in_dim3A_195 : vector<41x1xi1>, vector<41x1xi32>
    %reduce_min3A_197 = vector.shape_cast %select_n3A_196 : vector<41x1xi32> to vector<1x41x1xi32>
    %reduce_min3A_198 = arith.constant dense<2147483647> : vector<1xi32>
    %reduce_min3A_199 = vector.multi_reduction <minsi>, %reduce_min3A_197, %reduce_min3A_198 [1, 2] : vector<1x41x1xi32> to vector<1xi32>
    %reduce_min3A_200 = vector.shape_cast %reduce_min3A_199 : vector<1xi32> to vector<1x1x1xi32>
    %reduce_min3A_201 = vector.extract %reduce_min3A_200[0, 0, 0] : i32 from vector<1x1x1xi32>
    %eq3A_202 = vector.broadcast %reduce_min3A_201 : i32 to vector<41x1xi32>
    %eq3A_203 = arith.cmpi eq, %iota3A_13, %eq3A_202 : vector<41x1xi32>
    %jit3A_204 = arith.constant 0.000000e+00 : f32
    %broadcast_in_dim3A_205 = vector.shape_cast %eq3A_203 : vector<41x1xi1> to vector<41x1xi1>
    %broadcast_in_dim3A_206 = vector.broadcast %broadcast_in_dim3A_205 : vector<41x1xi1> to vector<41x1024xi1>
    %broadcast_in_dim3A_207 = vector.broadcast %jit3A_204 : f32 to vector<41x1024xf32>
    %select_n3A_208 = arith.select %broadcast_in_dim3A_206, %get3A_3, %broadcast_in_dim3A_207 : vector<41x1024xi1>, vector<41x1024xf32>
    %reduce_sum3A_209 = arith.constant dense<0.000000e+00> : vector<1024xf32>
    %reduce_sum3A_210 = vector.multi_reduction <add>, %select_n3A_208, %reduce_sum3A_209 [0] : vector<41x1024xf32> to vector<1024xf32>
    %broadcast_in_dim3A_211 = vector.shape_cast %reduce_sum3A_210 : vector<1024xf32> to vector<1x1024xf32>
    %add3A_212 = arith.addf %add3A_183, %broadcast_in_dim3A_211 : vector<1x1024xf32>
    %jit3A_213 = arith.constant 0xFF800000 : f32
    %broadcast_in_dim3A_214 = vector.broadcast %jit3A_213 : f32 to vector<41x1xf32>
    %select_n3A_215 = arith.select %eq3A_203, %broadcast_in_dim3A_214, %select_n3A_186 : vector<41x1xi1>, vector<41x1xf32>
    %reduce_max3A_216 = vector.shape_cast %select_n3A_215 : vector<41x1xf32> to vector<1x41x1xf32>
    %reduce_max3A_217 = arith.constant dense<0xFF800000> : vector<1xf32>
    %reduce_max3A_218 = vector.multi_reduction <maximumf>, %reduce_max3A_216, %reduce_max3A_217 [1, 2] : vector<1x41x1xf32> to vector<1xf32>
    %reduce_max3A_219 = vector.shape_cast %reduce_max3A_218 : vector<1xf32> to vector<1x1x1xf32>
    %reduce_max3A_220 = vector.extract %reduce_max3A_219[0, 0, 0] : f32 from vector<1x1x1xf32>
    %eq3A_221 = vector.broadcast %reduce_max3A_220 : f32 to vector<41x1xf32>
    %eq3A_222 = arith.cmpf oeq, %select_n3A_215, %eq3A_221 : vector<41x1xf32>
    %jit3A_223 = arith.constant 41 : i32
    %broadcast_in_dim3A_224 = vector.broadcast %jit3A_223 : i32 to vector<41x1xi32>
    %select_n3A_225 = arith.select %eq3A_222, %iota3A_13, %broadcast_in_dim3A_224 : vector<41x1xi1>, vector<41x1xi32>
    %reduce_min3A_226 = vector.shape_cast %select_n3A_225 : vector<41x1xi32> to vector<1x41x1xi32>
    %reduce_min3A_227 = arith.constant dense<2147483647> : vector<1xi32>
    %reduce_min3A_228 = vector.multi_reduction <minsi>, %reduce_min3A_226, %reduce_min3A_227 [1, 2] : vector<1x41x1xi32> to vector<1xi32>
    %reduce_min3A_229 = vector.shape_cast %reduce_min3A_228 : vector<1xi32> to vector<1x1x1xi32>
    %reduce_min3A_230 = vector.extract %reduce_min3A_229[0, 0, 0] : i32 from vector<1x1x1xi32>
    %eq3A_231 = vector.broadcast %reduce_min3A_230 : i32 to vector<41x1xi32>
    %eq3A_232 = arith.cmpi eq, %iota3A_13, %eq3A_231 : vector<41x1xi32>
    %jit3A_233 = arith.constant 0.000000e+00 : f32
    %broadcast_in_dim3A_234 = vector.shape_cast %eq3A_232 : vector<41x1xi1> to vector<41x1xi1>
    %broadcast_in_dim3A_235 = vector.broadcast %broadcast_in_dim3A_234 : vector<41x1xi1> to vector<41x1024xi1>
    %broadcast_in_dim3A_236 = vector.broadcast %jit3A_233 : f32 to vector<41x1024xf32>
    %select_n3A_237 = arith.select %broadcast_in_dim3A_235, %get3A_3, %broadcast_in_dim3A_236 : vector<41x1024xi1>, vector<41x1024xf32>
    %reduce_sum3A_238 = arith.constant dense<0.000000e+00> : vector<1024xf32>
    %reduce_sum3A_239 = vector.multi_reduction <add>, %select_n3A_237, %reduce_sum3A_238 [0] : vector<41x1024xf32> to vector<1024xf32>
    %broadcast_in_dim3A_240 = vector.shape_cast %reduce_sum3A_239 : vector<1024xf32> to vector<1x1024xf32>
    %add3A_241 = arith.addf %add3A_212, %broadcast_in_dim3A_240 : vector<1x1024xf32>
    %iota3A_242 = tpu.iota {dimensions = array<i32: 0>} : vector<64x1xi32>
    %eq3A_243 = arith.constant 24 : i32
    %eq3A_244 = vector.broadcast %eq3A_243 : i32 to vector<64x1xi32>
    %eq3A_245 = arith.cmpi eq, %iota3A_242, %eq3A_244 : vector<64x1xi32>
    %div3A_246 = arith.constant 8.000000e+00 : f32
    %div3A_247 = vector.broadcast %div3A_246 : f32 to vector<1x1024xf32>
    %div3A_248 = arith.divf %add3A_241, %div3A_247 : vector<1x1024xf32>
    %get3A_249 = arith.constant 0 : index
    %get3A_250 = arith.constant 0 : index
    %get3A_251 = arith.constant 0 : index
    %get3A_252 = vector.load %arg3[%get3A_249, %get3A_250, %get3A_251] : memref<1x64x1024xf32, #tpu.memory_space<vmem>>, vector<1x64x1024xf32>
    %get3A_253 = vector.shape_cast %get3A_252 : vector<1x64x1024xf32> to vector<64x1024xf32>
    %broadcast_in_dim3A_254 = vector.shape_cast %eq3A_245 : vector<64x1xi1> to vector<64x1xi1>
    %broadcast_in_dim3A_255 = vector.broadcast %broadcast_in_dim3A_254 : vector<64x1xi1> to vector<64x1024xi1>
    %broadcast_in_dim3A_256 = vector.shape_cast %div3A_248 : vector<1x1024xf32> to vector<1x1024xf32>
    %broadcast_in_dim3A_257 = vector.broadcast %broadcast_in_dim3A_256 : vector<1x1024xf32> to vector<64x1024xf32>
    %select_n3A_258 = arith.select %broadcast_in_dim3A_255, %broadcast_in_dim3A_257, %get3A_253 : vector<64x1024xi1>, vector<64x1024xf32>
    %get3A_259 = arith.constant 0 : index
    %get3A_260 = arith.constant 0 : index
    %get3A_261 = arith.constant 0 : index
    %get3A_262 = vector.load %arg4[%get3A_259, %get3A_260, %get3A_261] : memref<1x64x1024xf32, #tpu.memory_space<vmem>>, vector<1x64x1024xf32>
    %get3A_263 = vector.shape_cast %get3A_262 : vector<1x64x1024xf32> to vector<64x1024xf32>
    %slice3A = vector.extract_strided_slice %get3A_263 {offsets = [7, 0], sizes = [57, 1024], strides = [1, 1]} : vector<64x1024xf32> to vector<57x1024xf32>
    %slice3A_264 = vector.extract_strided_slice %get3A_263 {offsets = [0, 0], sizes = [7, 1024], strides = [1, 1]} : vector<64x1024xf32> to vector<7x1024xf32>
    %concatenate3A = tpu.concatenate %slice3A, %slice3A_264 in 0 : vector<57x1024xf32>, vector<7x1024xf32> -> vector<64x1024xf32>
    %eq3A_265 = arith.constant 0 : i32
    %eq3A_266 = arith.cmpi eq, %arg1, %eq3A_265 : i32
    %select_n3A_267 = arith.select %eq3A_266, %select_n3A_258, %concatenate3A : vector<64x1024xf32>
    %swap3A = arith.constant 0 : index
    %swap3A_268 = arith.constant 0 : index
    %swap3A_269 = arith.constant 0 : index
    %swap3A_270 = vector.load %arg5[%swap3A, %swap3A_268, %swap3A_269] : memref<1x64x1024xf32, #tpu.memory_space<vmem>>, vector<1x64x1024xf32>
    %swap3A_271 = vector.shape_cast %swap3A_270 : vector<1x64x1024xf32> to vector<64x1024xf32>
    %swap3A_272 = vector.shape_cast %select_n3A_267 : vector<64x1024xf32> to vector<1x64x1024xf32>
    tpu.vector_store %arg5[%swap3A, %swap3A_268, %swap3A_269], %swap3A_272 {strides = array<i32>} : memref<1x64x1024xf32, #tpu.memory_space<vmem>>, vector<1x64x1024xf32>,
    return
  }
  func.func @transform_0(%arg0: i32, %arg1: i32) -> (i32, i32, i32) {
    %c0_i32 = arith.constant 0 : i32
    %c0_i32_0 = arith.constant 0 : i32
    %c0_i32_1 = arith.constant 0 : i32
    return %arg0, %c0_i32, %c0_i32_0 : i32, i32, i32
  }
  func.func @transform_1(%arg0: i32, %arg1: i32) -> (i32, i32, i32) {
    %mul3A = arith.constant 16 : i32
    %mul3A_0 = arith.muli %mul3A, %arg1 : i32
    %add3A = arith.constant 15 : i32
    %add3A_1 = arith.addi %add3A, %mul3A_0 : i32
    %c0_i32 = arith.constant 0 : i32
    %c0_i32_2 = arith.constant 0 : i32
    return %arg0, %add3A_1, %c0_i32 : i32, i32, i32
  }
  func.func @transform_2(%arg0: i32, %arg1: i32) -> (i32, i32, i32) {
    %c31_i32 = arith.constant 31 : i32
    %c0_i32 = arith.constant 0 : i32
    %c0_i32_0 = arith.constant 0 : i32
    return %arg0, %c31_i32, %c0_i32 : i32, i32, i32
  }
  func.func @transform_3(%arg0: i32, %arg1: i32) -> (i32, i32, i32) {
    %mul3A = arith.constant 16 : i32
    %mul3A_0 = arith.muli %mul3A, %arg1 : i32
    %add3A = arith.constant 15 : i32
    %add3A_1 = arith.addi %add3A, %mul3A_0 : i32
    %c0_i32 = arith.constant 0 : i32
    %c0_i32_2 = arith.constant 0 : i32
    return %arg0, %add3A_1, %c0_i32 : i32, i32, i32
  }
}

</mosaic_0001>

<sc_bundles>
// kernel: kernel.8.cloned.1.call-start
scs
__scs_entry_jumppad:
0x0: {  	(pc) =	sbr.rel $0x88, $3  }
0x1: {  	(tag) =	ssettag $0x0;
	lr =	simm.s32 $0x1  }
0x2: {  	[smem:$0x3F9E] =	sst lr;
	_ =	strace $0xD0000000  }
0x3: {  	_ = 	snop  }
0x4: {  	_ = 	snop  }
0x5: {  	_ = 	snop  }
0x6: {  	_ = 	snop  }
0x7: {  	_ = 	snop  }
__scs_overlays_trampoline_lowered:
0x8: {  	[smem:$0x3FAD] =	sst s0  }
0x9: {  	[smem:$0x3FAE] =	sst s1  }
0xa: {  	[smem:$0x3FAF] =	sst s2  }
0xb: {  	[smem:$0x3FB0] =	sst s3  }
0xc: {  	[smem:$0x3FB1] =	sst s4  }
0xd: {  	[smem:$0x3FB2] =	sst s5  }
0xe: {  	[smem:$0x3FB3] =	sst s6  }
0xf: {  	[smem:$0x3FB4] =	sst s7  }
0x10: {  	[smem:$0x3FB5] =	sst s8  }
0x11: {  	[smem:$0x3FB6] =	sst s9;
	s0 =	simm.s32 @!p0 $0x0  }
0x12: {  	s1 =	sld [smem:$0x3F9C];
	s0 =	simm.s32 @p0 $0x1  }
0x13: {  	[smem:$0x3FB7] =	sst s0;
	s0 =	simm.s32 @!p1 $0x0  }
0x14: {  	s2 =	sld [smem:$0x3F9B];
	s0 =	simm.s32 @p1 $0x1  }
0x15: {  	[smem:$0x3FB8] =	sst s0;
	s0 =	simm.s32 @!p2 $0x0  }
0x16: {  	s3 =	sld [smem:$0x3FDB];
	s0 =	simm.s32 @p2 $0x1  }
0x17: {  	s4 =	simm.s32 $0x1BF5;
	[smem:$0x3FBA] =	sst s0  }
0x18: {  	s0 =	sld [smem:$0x3F9D];
	_ =	swait.ge [sflag:s4], $0x0  }
0x19: {  	s7 =	sld [smem:$0x3F9E]  }
0x1a: {  	s8 =	sadd.s32 $0xFFFFE003, lr  }
0x1b: {  	s9 =	sadd.s32 $0xFFFFFEF7, lr;
	s5 =	simm.s32 $0xFFFFFFFF;
	p2 =	slt.u32 s8, $0xFFFFF086  }
0x1c: {  	p1 =	slt.u32 s9, $0xF7A;
	s5 =	simm.s32 @!p2 $0x0  }
0x1d: {  	s5 =	simm.s32 @p1 $0x1;
	p0 =	seq.s32 s7, s2  }
0x1e: {  	s7 =	smul.u32 @!p0 $0xF7A, s2;
	p2 =	seq.s32 @!p0 s5, $0x0  }
0x1f: {  	s9 =	smul.u32 $0xF7A, s1;
	s8 =	simm.s32 @!p0 $0x1BF5;
	p2 =	por !p2, p0  }
0x20: {  	[sflag:s8] =	ssyncset.s32 @!p0 $0xFFFFF086;
	s6 =	sadd.s32 @!p0 s3, s7;
	s7 =	simm.s32 @!p0 $0x108  }
0x21: {  	s3 =	sadd.s32 s3, s9;
	s6 =	sadd.s32 @!p0 $0x88, s6;
	s7 =	simm.s32 @p2 $0x1082  }
0x22: {  	[simem:s7], [sflag:s8] =	dma.local @!p0 [hbm:s6], $0xF7A  }
0x23: {  	s9 =	sor.u32 $0xD0000000, s2;
	s6 =	simm.s32 $0x108;
	_ =	swait.ge @!p0 [sflag:s8], $0x0  }
0x24: {  	s3 =	sadd.s32 $0x88, s3;
	s6 =	simm.s32 @!p1 $0x1082;
	[sflag:s4] =	ssyncset.s32 $0xFFFFF086  }
0x25: {  	[simem:s6], [sflag:s4] =	dma.local [hbm:s3], $0xF7A  }
0x26: {  	[smem:$0x3F9E] =	sst s1;
	(tag) =	ssettag s2;
	_ =	strace s9  }
0x27: {  	s1 =	sld [smem:$0x3FAE]  }
0x28: {  	s2 =	sld [smem:$0x3FAF]  }
0x29: {  	s4 =	sld [smem:$0x3FB1]  }
0x2a: {  	p0 =	seq.s32 s5, $0x0;
	s5 =	sld [smem:$0x3FB2]  }
0x2b: {  	s6 =	sld [smem:$0x3FB3]  }
0x2c: {  	s7 =	sld [smem:$0x3FB4]  }
0x2d: {  	s3 =	simm.s32 $0x108;
	s8 =	sld [smem:$0x3FB5]  }
0x2e: {  	s3 =	simm.s32 @!p0 $0x1082;
	s9 =	sld [smem:$0x3FB6]  }
0x2f: {  	lr =	sadd.s32 s0, s3;
	s0 =	sld [smem:$0x3FAD]  }
0x30: {  	s3 =	sld [smem:$0x3FB0]  }
0x31: {  	[smem:$0x3FB9] =	sst s10  }
0x32: {  	s10 =	sld [smem:$0x3FB7];
	_ =	sdelay $0x3  }
0x33: {  	p0 =	seq.s32 s10, $0x1;
	s10 =	sld [smem:$0x3FB9];
	_ =	sdelay $0x3  }
0x34: {  	[smem:$0x3FB9] =	sst s10  }
0x35: {  	s10 =	sld [smem:$0x3FB8];
	_ =	sdelay $0x3  }
0x36: {  	p1 =	seq.s32 s10, $0x1;
	s10 =	sld [smem:$0x3FB9];
	_ =	sdelay $0x3  }
0x37: {  	[smem:$0x3FB9] =	sst s10  }
0x38: {  	s10 =	sld [smem:$0x3FBA]  }
0x39: {  	_ = 	snop;
	(pc) =	sbr.ind lr, $3  }
0x3a: {  	_ = 	snop  }
0x3b: {  	_ = 	snop  }
0x3c: {  	p2 =	seq.s32 s10, $0x1;
	s10 =	sld [smem:$0x3FB9]  }
0x3d: {  	_ =	shalt  }
0x3e: {  	_ =	shalt  }
0x3f: {  	_ =	shalt  }
0x40: {  	_ =	shalt  }
0x41: {  	_ =	shalt  }
0x42: {  	_ =	shalt  }
0x43: {  	_ =	shalt  }
0x44: {  	_ =	shalt  }
0x45: {  	_ =	shalt  }
0x46: {  	_ =	shalt  }
0x47: {  	_ =	shalt  }
0x48: {  	_ =	shalt  }
0x49: {  	_ =	shalt  }
0x4a: {  	_ =	shalt  }
0x4b: {  	_ =	shalt  }
0x4c: {  	_ =	shalt  }
0x4d: {  	_ =	shalt  }
0x4e: {  	_ =	shalt  }
0x4f: {  	_ =	shalt  }
0x50: {  	_ =	shalt  }
0x51: {  	_ =	shalt  }
0x52: {  	_ =	shalt  }
0x53: {  	_ =	shalt  }
0x54: {  	_ =	shalt  }
0x55: {  	_ =	shalt  }
0x56: {  	_ =	shalt  }
0x57: {  	_ =	shalt  }
0x58: {  	_ =	shalt  }
0x59: {  	_ =	shalt  }
0x5a: {  	_ =	shalt  }
0x5b: {  	_ =	shalt  }
0x5c: {  	_ =	shalt  }
0x5d: {  	_ =	shalt  }
0x5e: {  	_ =	shalt  }
0x5f: {  	_ =	shalt  }
0x60: {  	_ =	shalt  }
0x61: {  	_ =	shalt  }
0x62: {  	_ =	shalt  }
0x63: {  	_ =	shalt  }
0x64: {  	_ =	shalt  }
0x65: {  	_ =	shalt  }
0x66: {  	_ =	shalt  }
0x67: {  	_ =	shalt  }
0x68: {  	_ =	shalt  }
0x69: {  	_ =	shalt  }
0x6a: {  	_ =	shalt  }
0x6b: {  	_ =	shalt  }
0x6c: {  	_ =	shalt  }
0x6d: {  	_ =	shalt  }
0x6e: {  	_ =	shalt  }
0x6f: {  	_ =	shalt  }
0x70: {  	_ =	shalt  }
0x71: {  	_ =	shalt  }
0x72: {  	_ =	shalt  }
0x73: {  	_ =	shalt  }
0x74: {  	_ =	shalt  }
0x75: {  	_ =	shalt  }
0x76: {  	_ =	shalt  }
0x77: {  	_ =	shalt  }
0x78: {  	_ =	shalt  }
0x79: {  	_ =	shalt  }
0x7a: {  	_ =	shalt  }
0x7b: {  	_ =	shalt  }
0x7c: {  	_ =	shalt  }
0x7d: {  	_ =	shalt  }
0x7e: {  	_ =	shalt  }
0x7f: {  	_ =	shalt  }
0x80: {  	_ =	shalt  }
0x81: {  	_ =	shalt  }
0x82: {  	_ =	shalt  }
0x83: {  	_ =	shalt  }
0x84: {  	_ =	shalt  }
0x85: {  	_ =	shalt  }
0x86: {  	_ =	shalt  }
0x87: {  	_ =	shalt  }
.Lfunc_end0:
.L_simem_size_0:
called_computation_lowered:
.L_overlay_start_0:
0x88: {  	s2 =	sld [smem:$0x3FD9]  }
0x89: {  	s3 =	sld [smem:$0x3FFE];
	_ =	sdelay $0x1  }
0x8a: {  	s1 =	srdreg.scid  }
0x8b: {  	s0 =	sand.u32 $0x1, s1  }
0x8c: {  	s14 =	sshll.u32 s0, $0xA;
	s2 =	sadd.s32 s3, s2  }
0x8d: {  	s2 =	sadd.s32 s2, s14  }
0x8e: {  	[smem:$0x3FC5] =	sst s2  }
0x8f: {  	_ = 	snop  }
0x90: {  	s2 =	sld [smem:$0x3FD0];
	_ =	sdelay $0x2  }
0x91: {  	s15 =	simm.s32 $0xA;
	s4 =	simm.s32 $0x10  }
0x92: {  	[smem:s4], [sflag:s15] =	dma.local [hbm:s2], $0x1  }
0x93: {  	_ =	swait.eq [sflag:s15], $0x1  }
0x94: {  	[sflag:s15] =	ssyncset.done $0x0  }
0x95: {  	s16 =	sld [smem:$0x10];
	[sflag:s15] =	ssyncadd.s32 $0xFFFFFFFF  }
0x96: {  	s17 =	sld [smem:$0x11];
	(tm) =	ssettm $0x1  }
0x97: {  	s18 =	sld [smem:$0x3FFB];
	_ =	sdelay $0x3  }
0x98: {  	_ =	strace s18  }
0x99: {  	s4 =	sld [smem:$0x3FFC];
	_ =	sdelay $0x3  }
0x9a: {  	_ =	strace s4  }
0x9b: {  	s4 =	sld [smem:$0x3FFD];
	_ =	sdelay $0x3  }
0x9c: {  	_ =	strace s4  }
0x9d: {  	_ =	strace $0x8FFFFFFF  }
0x9e: {  	s19 =	sld [smem:$0x3FDB];
	_ =	sdelay $0x1  }
0x9f: {  	s5 =	simm.s32 $_scs_section_size  }
0xa0: {  	s6 =	simm.s32 $_size__tile_overlayer_lowered;
	s7 =	simm.s32 $_tile_overlayer_lowered  }
0xa1: {  	s22 =	simm.s32 $0x1BFF;
	s21 =	sshll.u32 s7, $0x1;
	s4 =	sadd.s32 s5, s19  }
0xa2: {  	s8 =	simm.s32 $0x0;
	s20 =	sshll.u32 s6, $0x1;
	s6 =	sadd.s32 s21, s4  }
0xa3: {  	[timem:s8], [sflag:s22] =	dma.local [hbm:s6], s20  }
0xa4: {  	_ =	swait.ge [sflag:s22], s20  }
0xa5: {  	s5 =	ssub.s32 $0x0, s20;
	[sflag:s22] =	ssyncset.done $0x0  }
0xa6: {  	[sflag:s22] =	ssyncadd.s32 s5;
	_ =	sdelay $0x1  }
0xa7: {  	s23 =	simm.s32 $0x1B8B  }
0xa8: {  	_ =	swait.ge [sflag:s23], $0x1  }
0xa9: {  	[sflag:s23] =	ssyncset.done $0x0  }
0xaa: {  	s25 =	simm.s32 $0x1B8E;
	s24 =	sld [smem:$0x3FFE];
	[sflag:s23] =	ssyncadd.s32 $0xFFFFFFFF  }
0xab: {  	s26 =	simm.s32 $execute0_lowered;
	[smem:$0x3FD2] =	sst s25  }
0xac: {  	s6 =	sshll.u32 s26, $0x1;
	_ =	strace $0x80000046;
	[dreg:$0x1] =	wrdreg $0xFFFFFFFF  }
0xad: {  	s28 =	simm.s32 $_size_execute0_lowered;
	s4 =	sadd.s32 s4, s6;
	[dreg:$0x0] =	wrdreg $0x0  }
0xae: {  	s6 =	sshll.u32 s28, $0x1;
	[dreg:$0x2] =	wrdreg s4  }
0xaf: {  	[dreg:$0x3] =	wrdreg s6  }
0xb0: {  	[dreg:$0x4] =	wrdreg $0xC0  }
0xb1: {  	_ =	task [dreg:s8], $0x5FFFF  }
0xb2: {  	[dreg:$0x1] =	wrdreg $0xFFFFFFFF  }
0xb3: {  	[dreg:$0x0] =	wrdreg $0x60  }
0xb4: {  	[dreg:$0x2] =	wrdreg s24  }
0xb5: {  	[dreg:$0x3] =	wrdreg s16  }
0xb6: {  	[dreg:$0x4] =	wrdreg s17  }
0xb7: {  	[dreg:$0x5] =	wrdreg $0x9  }
0xb8: {  	_ =	task.clear_ibuf [dreg:s8], $0x6FFFF;
	_ =	strace $0x90000046  }
0xb9: {  	s29 =	simm.s32 $0x9;
	_ =	strace $0x80000048  }
0xba: {  	_ =	swait.ge [sflag:s29], $0x1  }
0xbb: {  	[sflag:s29] =	ssyncadd.s32 $0xFFFFFFFF  }
0xbc: {  	_ =	strace $0x90000048  }
0xbd: {  	_ =	sfence  }
0xbe: {  	s30 =	sld [smem:$0x0];
	_ =	sdelay $0x2  }
0xbf: {  	s31 =	sshll.u32 s1, $0xD;
	s1 =	sshrl.u32 s1, $0x2  }
0xc0: {  	s3 =	sand.u32 $0x4000, s31;
	s1 =	sadd.s32 s1, s30  }
0xc1: {  	s0 =	sor.u32 s3, s0;
	s1 =	sshll.u32 s1, $0x11  }
0xc2: {  	s0 =	sor.u32 s1, s0  }
0xc3: {  	s0 =	sadd.s32 $0x8F2B, s0  }
0xc4: {  	[sflag:s0] =	ssyncadd.remote.s32 $0x1  }
0xc5: {  	_ =	sfence.sel $0xFFFF  }
0xc6: {  	[dreg:$0x0] =	wrdreg $0xFFFFFFFF;
	(pc) =	sbr.abs _section_cstart, $3  }
0xc7: {  	[dreg:$0x1] =	wrdreg $0xFFFFFFFF  }
0xc8: {  	_ =	task.clear_ibuf [dreg:s8], $0x2FFFF;
	_ =	strace $0x9FFFFFFF  }
0xc9: {  	(tm) =	ssettm $0x7FFFFFFF  }
tec
execute0_lowered:
.L_overlay_start_1:
0x0: {  	(tag) =	ssettag $0x1  }
0x1: {  	s0 =	srdreg.scid;
	s2 =	stileid.u32  }
0x2: {  	s24 =	rddreg [dreg:$0x1];
	s0 =	sand.u32 $0x1, s0;
	s1 =	sshll.u32 s2, $0x1  }
0x3: {  	p0 =	sgt.u32 s2, $0x7;
	s12 =	sor.u32 s0, s1;
	s0 =	ssub.s32 $0x2, s0  }
0x4: {  	s18 =	sadd.s32 $0xFFFFFFF0, s12;
	s9 =	smov.u32 s12;
	s5 =	sshrl.u32 s0, $0x1  }
0x5: {  	s29 =	sshll.u32 s12, $0x8;
	s9 =	smov.u32 @p0 s18;
	s0 =	ssub.s32 s0, s5  }
0x6: {  	s15 =	sadd.s32 s24, s29;
	s3 =	sand.u32 $0x3, s9;
	s4 =	sshrl.u32 s9, $0xD  }
0x7: {  	p1 =	slt.s32 s9, $0x1;
	[dreg:$0x18] =	wrdreg s0;
	s16 =	sshll.u32 s9, $0x4  }
0x8: {  	s30 =	sshll.u32 s9, $0x9;
	s31 =	sxor.u32 $0xFFFFFFFF, s9;
	s6 =	sshra.s32 s9, $0x1B  }
0x9: {  	p2 =	sne.s32 s3, $0x0;
	s25 =	sand.u32 $0x3, s4;
	s4 =	simm.s32 $0x1  }
0xa: {  	s1 =	sshra.s32 s16, $0x1F;
	s2 =	sshrl.u32 s31, $0x1F;
	s14 =	sor.u32 $0x1, s16  }
0xb: {  	s13 =	sor.u32 $0x2, s16;
	p1 =	por !p1, !p2;
	s3 =	sadd.s32 s25, s9  }
0xc: {  	s8 =	sshrl.u32 s1, $0x1A;
	s7 =	sadd.s32 s2, s6;
	s21 =	sshll.u32 s13, $0x5  }
0xd: {  	p1 =	por !p1, !p1;
	s3 =	sshra.s32 s3, $0x2;
	s10 =	sadd.s32 s8, s14  }
0xe: {  	s19 =	sadd.s32 s8, s13;
	s4 =	simm.s32 @!p1 $0x0;
	p1 =	sne.s32 s7, $0x1  }
0xf: {  	s5 =	sshra.s32 s10, $0x6;
	s26 =	ssub.s32 s3, s4;
	s3 =	simm.s32 $0x1  }
0x10: {  	s7 =	sshll.u32 s14, $0x5;
	s4 =	sshll.u32 s26, $0xB;
	s3 =	simm.s32 @!p1 $0x0  }
0x11: {  	s0 =	sshll.u32 s26, $0x15;
	s4 =	ssub.s32 s30, s4;
	s5 =	ssub.s32 s5, s3  }
0x12: {  	p2 =	slt.s32 s4, $0x7E0;
	s4 =	sshll.u32 s4, $0xA;
	s11 =	sshll.u32 s5, $0xB  }
0x13: {  	s5 =	sshll.u32 s5, $0x15;
	s0 =	sadd.s32 s0, s4;
	s17 =	ssub.s32 s7, s11  }
0x14: {  	s4 =	sshra.s32 s19, $0x6;
	s19 =	sor.u32 $0x4, s16;
	[dreg:$0x19] =	wrdreg s0  }
0x15: {  	p3 =	slt.s32 s17, $0x7E0;
	s0 =	sshll.u32 s17, $0xA;
	s4 =	ssub.s32 s4, s3  }
0x16: {  	s17 =	sor.u32 $0x3, s16;
	s26 =	sadd.s32 s8, s19;
	s1 =	sshll.u32 s19, $0x5  }
0x17: {  	s19 =	sshll.u32 s19, $0xC;
	s20 =	sshll.u32 s4, $0xB;
	s10 =	sadd.s32 s8, s17  }
0x18: {  	s0 =	sadd.s32 s5, s0;
	s4 =	sshll.u32 s4, $0x15;
	s25 =	sshll.u32 s17, $0x5  }
0x19: {  	s29 =	sshra.s32 s26, $0x6;
	s17 =	sshll.u32 s17, $0xC;
	[dreg:$0x1a] =	wrdreg s0  }
0x1a: {  	s22 =	ssub.s32 s21, s20;
	s23 =	sshra.s32 s10, $0x6;
	s20 =	sor.u32 $0x5, s16  }
0x1b: {  	s17 =	sand.u32 $0x1FFF3000, s17;
	p4 =	slt.s32 s22, $0x7E0;
	s5 =	ssub.s32 s23, s3  }
0x1c: {  	s0 =	sshll.u32 s22, $0xA;
	s2 =	sadd.s32 s8, s20;
	s23 =	sor.u32 $0x6, s16  }
0x1d: {  	s24 =	sshll.u32 s5, $0xB;
	s0 =	sadd.s32 s4, s0;
	s30 =	sshll.u32 s5, $0x15  }
0x1e: {  	s11 =	sshra.s32 s2, $0x6;
	s26 =	sadd.s32 s8, s23;
	s6 =	ssub.s32 s25, s24  }
0x1f: {  	[dreg:$0x1b] =	wrdreg s0;
	s0 =	ssub.s32 s29, s3;
	s22 =	ssub.s32 s11, s3  }
0x20: {  	s25 =	sshll.u32 s20, $0x5;
	s20 =	sshll.u32 s20, $0xC;
	p5 =	slt.s32 s6, $0x7E0  }
0x21: {  	s31 =	sshll.u32 s0, $0xB;
	s6 =	sshll.u32 s6, $0xA;
	s0 =	sshll.u32 s0, $0x15  }
0x22: {  	s24 =	sshll.u32 s22, $0xB;
	s4 =	sshll.u32 s22, $0x15;
	s20 =	sand.u32 $0x1FFF5000, s20  }
0x23: {  	s5 =	ssub.s32 s1, s31;
	s21 =	sadd.s32 s30, s6;
	s6 =	ssub.s32 s25, s24  }
0x24: {  	s25 =	sor.u32 $0x7, s16;
	s1 =	sshll.u32 s23, $0x5;
	s23 =	sshll.u32 s23, $0xC  }
0x25: {  	[dreg:$0x1c] =	wrdreg s21;
	p6 =	slt.s32 s5, $0x7E0;
	s5 =	sshll.u32 s5, $0xA  }
0x26: {  	p1 =	slt.s32 s6, $0x7E0;
	s29 =	sshll.u32 s6, $0xA;
	s2 =	sadd.s32 s8, s25  }
0x27: {  	s11 =	sshll.u32 s25, $0x5;
	s23 =	sand.u32 $0x1FFF6000, s23;
	s25 =	sshll.u32 s25, $0xC  }
0x28: {  	s0 =	sadd.s32 s0, s5;
	s30 =	sadd.s32 s4, s29;
	s6 =	sshra.s32 s2, $0x6  }
0x29: {  	[dreg:$0x1d] =	wrdreg s0;
	s0 =	simm.s32 @!p1 $0x0;
	s5 =	ssub.s32 s6, s3  }
0x2a: {  	[dreg:$0x1e] =	wrdreg s30;
	s0 =	simm.s32 @p1 $0x1;
	s10 =	sshll.u32 s5, $0xB  }
0x2b: {  	s5 =	sshll.u32 s5, $0x15;
	[smem:$0x7D6] =	sst s0;
	s0 =	sshra.s32 s26, $0x6  }
0x2c: {  	s26 =	sor.u32 $0x8, s16;
	s21 =	ssub.s32 s11, s10;
	s11 =	sor.u32 $0xA, s16  }
0x2d: {  	s0 =	ssub.s32 s0, s3;
	s22 =	sadd.s32 s8, s26;
	s24 =	sshll.u32 s21, $0xA  }
0x2e: {  	s31 =	sshll.u32 s0, $0xB;
	s0 =	sshll.u32 s0, $0x15;
	s29 =	sadd.s32 s5, s24  }
0x2f: {  	s24 =	sshll.u32 s11, $0x5;
	s4 =	ssub.s32 s1, s31;
	[smem:$0x7D4] =	sst s29  }
0x30: {  	s31 =	sor.u32 $0x9, s16;
	s7 =	sshll.u32 s4, $0xA;
	p1 =	slt.s32 s4, $0x7E0  }
0x31: {  	s4 =	sshra.s32 s22, $0x6;
	s2 =	sadd.s32 s8, s31;
	s10 =	sshll.u32 s31, $0x5  }
0x32: {  	s31 =	sshll.u32 s31, $0xC;
	s1 =	simm.s32 @!p1 $0x0;
	s0 =	sadd.s32 s0, s7  }
0x33: {  	s30 =	ssub.s32 s4, s3;
	s5 =	sshra.s32 s2, $0x6;
	s31 =	sand.u32 $0x1FFF9000, s31  }
0x34: {  	s1 =	simm.s32 @p1 $0x1;
	[dreg:$0x1f] =	wrdreg s0;
	p1 =	slt.s32 s21, $0x7E0  }
0x35: {  	s4 =	sshll.u32 s30, $0xB;
	s6 =	ssub.s32 s5, s3;
	s21 =	sadd.s32 s8, s11  }
0x36: {  	s11 =	sshll.u32 s11, $0xC;
	[smem:$0x7D7] =	sst s1;
	s0 =	simm.s32 @!p1 $0x0  }
0x37: {  	s1 =	sshll.u32 s26, $0x5;
	s7 =	sshll.u32 s6, $0xB;
	s22 =	sshra.s32 s21, $0x6  }
0x38: {  	s26 =	sshll.u32 s26, $0xC;
	s0 =	simm.s32 @p1 $0x1;
	s4 =	ssub.s32 s1, s4  }
0x39: {  	s5 =	ssub.s32 s22, s3;
	s26 =	sand.u32 $0x1FFF8000, s26;
	[smem:$0x7D8] =	sst s0  }
0x3a: {  	s0 =	sshll.u32 s30, $0x15;
	p1 =	slt.s32 s4, $0x7E0;
	s4 =	sshll.u32 s4, $0xA  }
0x3b: {  	s22 =	sshll.u32 s5, $0xB;
	s30 =	sshll.u32 s5, $0x15;
	s1 =	simm.s32 @!p1 $0x0  }
0x3c: {  	s0 =	sadd.s32 s0, s4;
	s4 =	ssub.s32 s10, s7;
	s10 =	sor.u32 $0xB, s16  }
0x3d: {  	s24 =	ssub.s32 s24, s22;
	s7 =	sor.u32 $0xC, s16;
	s1 =	simm.s32 @p1 $0x1  }
0x3e: {  	[smem:$0x7D5] =	sst s0;
	s0 =	sshll.u32 s6, $0x15;
	p1 =	slt.s32 s4, $0x7E0  }
0x3f: {  	s4 =	sshll.u32 s4, $0xA;
	s29 =	sadd.s32 s8, s10;
	s28 =	sshll.u32 s10, $0x5  }
0x40: {  	[smem:$0x7D9] =	sst s1;
	s1 =	simm.s32 @!p1 $0x0;
	s21 =	sadd.s32 s0, s4  }
0x41: {  	s4 =	sshra.s32 s29, $0x6;
	s0 =	sshll.u32 s24, $0xA;
	s29 =	sadd.s32 s8, s7  }
0x42: {  	s1 =	simm.s32 @p1 $0x1;
	p1 =	slt.s32 s24, $0x7E0;
	s4 =	ssub.s32 s4, s3  }
0x43: {  	s22 =	sadd.s32 s30, s0;
	[smem:$0x7DA] =	sst s1;
	s1 =	simm.s32 @!p1 $0x0  }
0x44: {  	s5 =	sshra.s32 s29, $0x6;
	s30 =	sshll.u32 s7, $0x5;
	s1 =	simm.s32 @p1 $0x1  }
0x45: {  	s7 =	sshll.u32 s7, $0xC;
	[smem:$0x7DB] =	sst s1;
	s1 =	sshll.u32 s4, $0xB  }
0x46: {  	s4 =	sshll.u32 s4, $0x15;
	s2 =	ssub.s32 s28, s1;
	s28 =	ssub.s32 s5, s3  }
0x47: {  	s5 =	sor.u32 $0xD, s16;
	p1 =	slt.s32 s2, $0x7E0;
	s0 =	sshll.u32 s2, $0xA  }
0x48: {  	s6 =	sshll.u32 s28, $0xB;
	s28 =	sshll.u32 s28, $0x15;
	s1 =	simm.s32 @!p1 $0x0  }
0x49: {  	s24 =	sadd.s32 s4, s0;
	s29 =	ssub.s32 s30, s6;
	s0 =	sadd.s32 s8, s5  }
0x4a: {  	s6 =	sor.u32 $0xE, s16;
	s1 =	simm.s32 @p1 $0x1;
	s16 =	sshra.s32 s0, $0x6  }
0x4b: {  	p1 =	slt.s32 s29, $0x7E0;
	s29 =	sshll.u32 s29, $0xA;
	s4 =	sshll.u32 s6, $0x5  }
0x4c: {  	[smem:$0x7DC] =	sst s1;
	s0 =	simm.s32 @!p1 $0x0;
	s1 =	sadd.s32 s8, s6  }
0x4d: {  	s16 =	ssub.s32 s16, s3;
	s28 =	sadd.s32 s28, s29;
	s0 =	simm.s32 @p1 $0x1  }
0x4e: {  	s30 =	sshra.s32 s1, $0x6;
	s2 =	sshll.u32 s16, $0xB;
	s1 =	sshll.u32 s5, $0x5  }
0x4f: {  	s16 =	sshll.u32 s16, $0x15;
	s5 =	sshll.u32 s5, $0xC;
	s30 =	ssub.s32 s30, s3  }
0x50: {  	[smem:$0x7DD] =	sst s0;
	s2 =	ssub.s32 s1, s2;
	s0 =	sshll.u32 s30, $0xB  }
0x51: {  	s1 =	sshll.u32 s30, $0x15;
	s30 =	sshll.u32 s2, $0xA;
	p1 =	slt.s32 s2, $0x7E0  }
0x52: {  	s29 =	ssub.s32 s4, s0;
	s2 =	simm.s32 @!p1 $0x0;
	s30 =	sadd.s32 s16, s30  }
0x53: {  	s4 =	sshll.u32 s18, $0x8;
	s18 =	sshll.u32 s12, $0x10;
	s12 =	sshll.u32 s14, $0xC  }
0x54: {  	s14 =	sshll.u32 s13, $0xC;
	s0 =	sshll.u32 s29, $0xA;
	s2 =	simm.s32 @p1 $0x1  }
0x55: {  	s4 =	sand.u32 $0x1FFFFF00, s4;
	s14 =	sand.u32 $0x1FFF2000, s14;
	[smem:$0x7DE] =	sst s2  }
0x56: {  	s16 =	sadd.s32 s1, s0;
	s2 =	rddreg [dreg:$0x2];
	s0 =	sand.u32 $0x1FFF1000, s12  }
0x57: {  	s18 =	sadd.s32 s2, s18;
	s13 =	sadd.s32 s2, s0;
	s14 =	sadd.s32 s2, s14  }
0x58: {  	s17 =	sadd.s32 s2, s17;
	s0 =	sand.u32 $0x1FFF4000, s19;
	s20 =	sadd.s32 s2, s20  }
0x59: {  	s12 =	sadd.s32 s2, s26;
	s19 =	sadd.s32 s2, s0;
	s0 =	sand.u32 $0x1FFF7000, s25  }
0x5a: {  	s26 =	sadd.s32 s2, s31;
	s31 =	sshll.u32 s10, $0xC;
	s25 =	sadd.s32 s2, s0  }
0x5b: {  	s0 =	sand.u32 $0x1FFFA000, s11;
	s11 =	sand.u32 $0x1FFFB000, s31;
	s31 =	sand.u32 $0x1FFFC000, s7  }
0x5c: {  	s10 =	sadd.s32 s2, s0;
	s7 =	sadd.s32 s2, s11;
	s11 =	sadd.s32 s2, s31  }
0x5d: {  	s0 =	sand.u32 $0x1FFFD000, s5;
	s31 =	sshll.u32 s6, $0xC;
	s5 =	sshllo.u32 s9, $0x4  }
0x5e: {  	s9 =	sadd.s32 s2, s0;
	s1 =	sand.u32 $0x1FFFE000, s31;
	s6 =	sshll.u32 s5, $0xC  }
0x5f: {  	s0 =	sadd.s32 s2, s1;
	s1 =	sand.u32 $0x1FFFF000, s6;
	s6 =	rddreg [dreg:$0x19]  }
0x60: {  	s23 =	sadd.s32 s2, s23;
	s31 =	sadd.s32 s8, s5;
	[dreg:$0x13] =	wrdreg s0  }
0x61: {  	s31 =	sshra.s32 s31, $0x6;
	s0 =	rddreg [dreg:$0x0];
	s1 =	sadd.s32 s2, s1  }
0x62: {  	s8 =	sshrl.u32 s6, $0x3;
	s2 =	ssub.s32 s31, s3;
	s6 =	rddreg [dreg:$0x1b]  }
0x63: {  	[dreg:$0x14] =	wrdreg s1;
	s4 =	sadd.s32 s4, s0;
	s1 =	sadd.s32 $0x101200, s0  }
0x64: {  	s3 =	sadd.s32 $0x100200, s4;
	s4 =	sadd.s32 s1, s8;
	s8 =	rddreg [dreg:$0x1c]  }
0x65: {  	s15 =	smov.u32 @p0 s3;
	s18 =	smov.u32 @p0 s4;
	s4 =	rddreg [dreg:$0x1a]  }
0x66: {  	[dreg:$0x4] =	wrdreg s15  }
0x67: {  	[dreg:$0x5] =	wrdreg s18;
	s3 =	sshrl.u32 s4, $0x3  }
0x68: {  	s4 =	sshrl.u32 s6, $0x3;
	s6 =	sshrl.u32 s8, $0x3;
	s3 =	sadd.s32 s1, s3  }
0x69: {  	s13 =	smov.u32 @p0 s3;
	s3 =	sadd.s32 s1, s4;
	s4 =	sadd.s32 s1, s6  }
0x6a: {  	s15 =	rddreg [dreg:$0x1d];
	s17 =	smov.u32 @p0 s4  }
0x6b: {  	[dreg:$0x8] =	wrdreg s17  }
0x6c: {  	s14 =	smov.u32 @p0 s3;
	s3 =	sshrl.u32 s15, $0x3;
	s17 =	rddreg [dreg:$0x1e]  }
0x6d: {  	s18 =	rddreg [dreg:$0x1f];
	s3 =	sadd.s32 s1, s3;
	s4 =	sshrl.u32 s17, $0x3  }
0x6e: {  	s6 =	sshrl.u32 s18, $0x3;
	s19 =	smov.u32 @p0 s3;
	s3 =	sadd.s32 s1, s4  }
0x6f: {  	s4 =	sadd.s32 s1, s6;
	s20 =	smov.u32 @p0 s3  }
0x70: {  	s23 =	smov.u32 @p0 s4;
	[dreg:$0xa] =	wrdreg s20  }
0x71: {  	[dreg:$0xb] =	wrdreg s23  }
0x72: {  	s20 =	sld [smem:$0x7D4]  }
0x73: {  	s23 =	sld [smem:$0x7D5];
	_ =	sdelay $0x1  }
0x74: {  	s3 =	sshrl.u32 s20, $0x3  }
0x75: {  	p2 =	por !p0, !p2;
	s4 =	sshrl.u32 s23, $0x3;
	s3 =	sadd.s32 s1, s3  }
0x76: {  	s31 =	sshrl.u32 s21, $0x3;
	s25 =	smov.u32 @p0 s3;
	s3 =	sadd.s32 s1, s4  }
0x77: {  	s8 =	sshrl.u32 s22, $0x3;
	[dreg:$0x7] =	wrdreg s14;
	s12 =	smov.u32 @p0 s3  }
0x78: {  	s3 =	sadd.s32 s1, s8;
	[dreg:$0xd] =	wrdreg s12;
	s12 =	sshrl.u32 s24, $0x3  }
0x79: {  	s14 =	sshrl.u32 s30, $0x3;
	s10 =	smov.u32 @p0 s3;
	s3 =	sadd.s32 s1, s12  }
0x7a: {  	s21 =	sld [smem:$0x7D8];
	s7 =	smov.u32 @p0 s3;
	s3 =	sadd.s32 s1, s14  }
0x7b: {  	s18 =	sld [smem:$0x7D6];
	s9 =	smov.u32 @p0 s3;
	s3 =	simm.s32 @!p2 $0x0  }
0x7c: {  	s20 =	sld [smem:$0x7D7];
	s3 =	simm.s32 @p2 $0x1;
	p2 =	por !p0, !p3  }
0x7d: {  	p3 =	por !p0, !p4;
	[smem:$0x7DF] =	sst s3;
	s3 =	simm.s32 @!p2 $0x0  }
0x7e: {  	p4 =	por !p0, !p5;
	s3 =	simm.s32 @p2 $0x1;
	p2 =	seq.s32 s18, $0x1  }
0x7f: {  	p5 =	por !p0, !p6;
	p6 =	por !p0, !p2;
	p2 =	seq.s32 s20, $0x1  }
0x80: {  	p2 =	por !p0, !p2  }
0x81: {  	[smem:$0x7E0] =	sst s3;
	s3 =	simm.s32 @!p2 $0x0  }
0x82: {  	s22 =	sld [smem:$0x7D9];
	s3 =	simm.s32 @p2 $0x1;
	p2 =	seq.s32 s21, $0x1  }
0x83: {  	p1 =	slt.s32 s29, $0x7E0;
	s29 =	sld [smem:$0x7DE];
	p2 =	por !p0, !p2  }
0x84: {  	[smem:$0x7E1] =	sst s3;
	s3 =	simm.s32 @!p2 $0x0  }
0x85: {  	s23 =	sld [smem:$0x7DA];
	s3 =	simm.s32 @p2 $0x1;
	p2 =	seq.s32 s22, $0x1  }
0x86: {  	[dreg:$0x6] =	wrdreg s13;
	p2 =	por !p0, !p2  }
0x87: {  	[smem:$0x7E2] =	sst s3;
	s3 =	simm.s32 @!p2 $0x0  }
0x88: {  	s24 =	sld [smem:$0x7DB];
	s3 =	simm.s32 @p2 $0x1;
	p2 =	seq.s32 s23, $0x1  }
0x89: {  	s4 =	sadd.s32 s1, s31;
	[dreg:$0xc] =	wrdreg s25;
	p2 =	por !p0, !p2  }
0x8a: {  	s26 =	smov.u32 @p0 s4;
	[smem:$0x7E3] =	sst s3;
	s3 =	simm.s32 @!p2 $0x0  }
0x8b: {  	s25 =	sld [smem:$0x7DC];
	s3 =	simm.s32 @p2 $0x1;
	p2 =	seq.s32 s24, $0x1  }
0x8c: {  	[dreg:$0xe] =	wrdreg s26;
	p2 =	por !p0, !p2  }
0x8d: {  	[smem:$0x7E4] =	sst s3;
	s3 =	simm.s32 @!p2 $0x0  }
0x8e: {  	s26 =	sld [smem:$0x7DD];
	s3 =	simm.s32 @p2 $0x1;
	p2 =	seq.s32 s25, $0x1  }
0x8f: {  	[dreg:$0x9] =	wrdreg s19;
	p2 =	por !p0, !p2  }
0x90: {  	s13 =	sshrl.u32 s28, $0x3;
	[smem:$0x7E5] =	sst s3;
	s3 =	simm.s32 @!p2 $0x0  }
0x91: {  	s19 =	simm.s32 $0x0;
	s3 =	simm.s32 @p2 $0x1;
	p2 =	seq.s32 s26, $0x1  }
0x92: {  	[smem:$0x7FF] =	sst s19;
	s4 =	sadd.s32 s1, s13;
	p2 =	por !p0, !p2  }
0x93: {  	s11 =	smov.u32 @p0 s4;
	[smem:$0x7E6] =	sst s3;
	s3 =	simm.s32 @!p2 $0x0  }
0x94: {  	[dreg:$0xf] =	wrdreg s10;
	s3 =	simm.s32 @p2 $0x1;
	p2 =	seq.s32 s29, $0x1  }
0x95: {  	[dreg:$0x11] =	wrdreg s11;
	p2 =	por !p0, !p2  }
0x96: {  	[smem:$0x7E7] =	sst s3;
	s3 =	simm.s32 @!p2 $0x0  }
0x97: {  	p1 =	por !p0, !p1;
	[dreg:$0x10] =	wrdreg s7;
	s3 =	simm.s32 @p2 $0x1  }
0x98: {  	[smem:$0x7E8] =	sst s3;
	s3 =	simm.s32 @!p1 $0x0  }
0x99: {  	s31 =	sshrl.u32 s16, $0x3;
	[dreg:$0x12] =	wrdreg s9;
	s3 =	simm.s32 @p1 $0x1  }
0x9a: {  	[smem:$0x7E9] =	sst s3;
	s3 =	sadd.s32 s1, s31  }
0x9b: {  	_ =	strace $0x80000047;
	[dreg:$0x15] =	wrdreg s3  }
0x9c: {  	s15 =	sshll.u32 s5, $0x5;
	s17 =	sshll.u32 s2, $0xB;
	s3 =	sld [smem:$0x7DF]  }
0x9d: {  	s4 =	ssub.s32 s15, s17  }
0x9e: {  	p2 =	slt.s32 s4, $0x7E0  }
0x9f: {  	p1 =	por !p0, !p2;
	s5 =	sld [smem:$0x7E1];
	p2 =	seq.s32 s3, $0x1  }
0xa0: {  	s20 =	sadd.s32 $0x200, s0;
	s23 =	sadd.s32 $0x300, s0;
	p0 =	por !p2, !p2  }
0xa1: {  	s24 =	sadd.s32 $0x400, s0;
	s25 =	sadd.s32 $0x500, s0;
	s0 =	simm.s32 @!p0 $0x0  }
0xa2: {  	s6 =	sld [smem:$0x7E2];
	s0 =	simm.s32 @p0 $0x1;
	p0 =	seq.s32 s5, $0x1  }
0xa3: {  	p0 =	por !p0, !p0  }
0xa4: {  	[smem:$0x7EC] =	sst s0;
	s0 =	simm.s32 @!p0 $0x0  }
0xa5: {  	s7 =	sld [smem:$0x7E3];
	s0 =	simm.s32 @p0 $0x1;
	p0 =	seq.s32 s6, $0x1  }
0xa6: {  	s2 =	sshll.u32 s2, $0x15;
	s30 =	sshll.u32 s4, $0xA;
	p0 =	por !p0, !p0  }
0xa7: {  	s2 =	sadd.s32 s2, s30;
	[smem:$0x7F3] =	sst s0;
	s0 =	simm.s32 @!p0 $0x0  }
0xa8: {  	s8 =	sld [smem:$0x7E4];
	s0 =	simm.s32 @p0 $0x1;
	p0 =	seq.s32 s7, $0x1  }
0xa9: {  	s2 =	sshrl.u32 s2, $0x3;
	p0 =	por !p0, !p0  }
0xaa: {  	s1 =	sadd.s32 s1, s2;
	[smem:$0x7F5] =	sst s0;
	s0 =	simm.s32 @!p0 $0x0  }
0xab: {  	s9 =	sld [smem:$0x7E5];
	s0 =	simm.s32 @p0 $0x1;
	p0 =	seq.s32 s8, $0x1  }
0xac: {  	[dreg:$0x16] =	wrdreg s1;
	p0 =	por !p0, !p0  }
0xad: {  	[smem:$0x7F7] =	sst s0;
	s0 =	simm.s32 @!p0 $0x0  }
0xae: {  	s10 =	sld [smem:$0x7E6];
	s0 =	simm.s32 @p0 $0x1;
	p0 =	seq.s32 s9, $0x1  }
0xaf: {  	s4 =	sld [smem:$0x7E0];
	p0 =	por !p0, !p0  }
0xb0: {  	[smem:$0x7F8] =	sst s0;
	s0 =	simm.s32 @!p0 $0x0  }
0xb1: {  	s11 =	sld [smem:$0x7E7];
	s0 =	simm.s32 @p0 $0x1;
	p0 =	seq.s32 s10, $0x1  }
0xb2: {  	s12 =	sld [smem:$0x7E8];
	p0 =	por !p0, !p0  }
0xb3: {  	[smem:$0x7F9] =	sst s0;
	s0 =	simm.s32 @!p0 $0x0  }
0xb4: {  	s13 =	sld [smem:$0x7E9];
	s0 =	simm.s32 @p0 $0x1;
	p0 =	seq.s32 s11, $0x1  }
0xb5: {  	s28 =	simm.s32 $0x1;
	s15 =	rddreg [dreg:$0x18];
	p0 =	por !p0, !p0  }
0xb6: {  	s14 =	stileid.u32;
	[smem:$0x7FA] =	sst s0;
	s0 =	simm.s32 @!p0 $0x0  }
0xb7: {  	s16 =	sld [smem:$0x7EC];
	s0 =	simm.s32 @p0 $0x1;
	p0 =	seq.s32 s12, $0x1  }
0xb8: {  	p3 =	por !p3, !p3;
	s17 =	sld [smem:$0x7F3];
	p0 =	por !p0, !p0  }
0xb9: {  	p4 =	por !p4, !p4;
	[smem:$0x7FB] =	sst s0;
	s0 =	simm.s32 @!p0 $0x0  }
0xba: {  	s18 =	sld [smem:$0x7F5];
	s0 =	simm.s32 @p0 $0x1;
	p0 =	seq.s32 s13, $0x1  }
0xbb: {  	p5 =	por !p5, !p5;
	s21 =	sld [smem:$0x7F7];
	p0 =	por !p0, !p0  }
0xbc: {  	p6 =	por !p6, !p6;
	[smem:$0x7FD] =	sst s0;
	s0 =	simm.s32 @!p0 $0x0  }
0xbd: {  	p1 =	por !p1, !p1;
	s22 =	sld [smem:$0x7F8];
	s0 =	simm.s32 @p0 $0x1  }
0xbe: {  	s2 =	simm.s32 $0x2;
	[smem:$0x7EA] =	sst s0;
	s0 =	simm.s32 @!p1 $0x0  }
0xbf: {  	p0 =	slt.u32 s14, $0x8;
	s0 =	simm.s32 @p1 $0x1;
	p1 =	seq.s32 s16, $0x1  }
0xc0: {  	p2 =	seq.s32 s4, $0x1;
	s26 =	sld [smem:$0x7F9];
	p1 =	por p0, p1  }
0xc1: {  	p2 =	por !p2, !p2;
	[smem:$0x7EB] =	sst s0;
	s0 =	simm.s32 @!p1 $0x0  }
0xc2: {  	s29 =	sld [smem:$0x7FA];
	s0 =	simm.s32 @p1 $0x1;
	p1 =	por p0, p2  }
0xc3: {  	s1 =	smax.u32 s15, $0x1;
	[smem:$0x7ED] =	sst s0;
	s0 =	simm.s32 @!p1 $0x0  }
0xc4: {  	s30 =	sld [smem:$0x7FB];
	s0 =	simm.s32 @p1 $0x1;
	p1 =	por p0, p3  }
0xc5: {  	s4 =	simm.s32 $0x3;
	[smem:$0x7EE] =	sst s0;
	s0 =	simm.s32 @!p1 $0x0  }
0xc6: {  	s31 =	sld [smem:$0x7FD];
	s0 =	simm.s32 @p1 $0x1;
	p1 =	por p0, p4  }
0xc7: {  	p2 =	seq.s32 s17, $0x1;
	[smem:$0x7EF] =	sst s0;
	s0 =	simm.s32 @!p1 $0x0  }
0xc8: {  	p3 =	seq.s32 s18, $0x1;
	s0 =	simm.s32 @p1 $0x1;
	p1 =	por p0, p5  }
0xc9: {  	p4 =	seq.s32 s21, $0x1;
	[smem:$0x7F0] =	sst s0;
	s0 =	simm.s32 @!p1 $0x0  }
0xca: {  	p4 =	por p0, p4;
	s0 =	simm.s32 @p1 $0x1;
	p1 =	por p0, p6  }
0xcb: {  	p5 =	seq.s32 s22, $0x1;
	[smem:$0x7F1] =	sst s0;
	s0 =	simm.s32 @!p1 $0x0  }
0xcc: {  	p5 =	por p0, p5;
	s0 =	simm.s32 @p1 $0x1;
	p1 =	por p0, p2  }
0xcd: {  	p6 =	seq.s32 s26, $0x1;
	[smem:$0x7F2] =	sst s0;
	s0 =	simm.s32 @!p1 $0x0  }
0xce: {  	p2 =	seq.s32 s29, $0x1;
	s0 =	simm.s32 @p1 $0x1;
	p1 =	por p0, p3  }
.Ltmp0:
0xcf: {  	[smem:$0x7F4] =	sst s0;
	s0 =	simm.s32 @!p1 $0x0;
	(pc) =	sbr.rel .LBB2_1-.Ltmp0, $4  }
0xd0: {  	p6 =	por p0, p6;
	p2 =	por p0, p2;
	s0 =	simm.s32 @p1 $0x1  }
0xd1: {  	v2 =	vlaneseq.u32;
	p3 =	seq.s32 s30, $0x1;
	[smem:$0x7F6] =	sst s0;
	s0 =	simm.s32 @!p0 $0x0  }
0xd2: {  	vm0 =	vmmov $0xffff;
	v1 =	vshrl.u32 v2, $0x3;
	p1 =	por p0, p3;
	p3 =	seq.s32 s31, $0x1;
	s0 =	simm.s32 @p0 $0x1  }
0xd3: {  	v0 =	vand.u32 $0x7, v2;
	v2 =	vor.u32 $0x8, v2;
	v1 =	vmul.u32 $0x8, v1;
	p0 =	por p0, p3;
	[smem:$0x7FC] =	sst s0;
	s0 =	simm.s32 $0x800  }
.LBB2_6:
0xd4: {  	s3 =	rddreg [dreg:$0x13];
	s0 =	simm.s32 $0x3  }
0xd5: {  	[hbm4b:s3+s19] =	stream.linear.scatter [tilespmem:s16], [sflag:$0x3], $0x8000, $0x38;
	[tilespmem:$0x10800] =	vst v63  }
0xd6: {  	_ =	swait.ge [sflag:s0], $0x8000  }
0xd7: {  	[sflag:s0] =	ssyncset.done $0x0  }
0xd8: {  	[sflag:s0] =	ssyncadd.s32 $0xFFFF8000  }
0xd9: {  	_ =	swait.ge [sflag:s2], $0x8000  }
0xda: {  	s4 =	simm.s32 $0x3;
	[sflag:s2] =	ssyncset.done $0x0;
	s3 =	rddreg [dreg:$0x14]  }
0xdb: {  	s0 =	simm.s32 $0x800;
	s1 =	rddreg [dreg:$0x17];
	[sflag:s2] =	ssyncadd.s32 $0xFFFF8000  }
.LBB2_3:
0xdc: {  	[hbm4b:s3+s19] =	stream.linear.scatter [tilespmem:s6], [sflag:$0x3], $0x8000, $0x38;
	[tilespmem:$0x10800] =	vst v63  }
0xdd: {  	_ =	swait.ge [sflag:s4], $0x8000  }
0xde: {  	[sflag:s4] =	ssyncset.done $0x0  }
0xdf: {  	[sflag:s4] =	ssyncadd.s32 $0xFFFF8000  }
.LBB2_4:
0xe0: {  	s1 =	sadd.s32 $0xFFFFFFFF, s1  }
0xe1: {  	p3 =	sne.s32 s1, $0x0  }
.Ltmp1:
0xe2: {  	_ = 	snop;
	(pc) =	sbr.rel @!p3 .LBB2_5-.Ltmp1, $1  }
0xe3: {  	_ =	sdelay $0x3  }
.LBB2_1:
0xe4: {  	[dreg:$0x17] =	wrdreg s1  }
0xe5: {  	s3 =	rddreg [dreg:$0x4]  }
0xe6: {  	[tilespmem:s19], [sflag:$0x3] =	stream.linear.gather [hbm4b:s3+s19], $0x800, $0x38;
	[tilespmem:$0x10800] =	vst v63  }
0xe7: {  	_ =	swait.ge [sflag:s4], $0x800  }
0xe8: {  	[sflag:s4] =	ssyncset.done $0x0  }
0xe9: {  	[sflag:s4] =	ssyncadd.s32 $0xFFFFF800  }
0xea: {  	v3 =	vld [tilespmem:$0x0];
	_ =	sdelay $0x4  }
0xeb: {  	v4 =	vshll.u32 v3, $0x3  }
0xec: {  	v3 =	vand.u32 $0x7, v3;
	v4 =	vand.u32 $0xFFFFFFC0, v4  }
0xed: {  	v3 =	vor.u32 v3, v4  }
0xee: {  	v4 =	vperm.xlane v3, v0;
	_ =	sdelay $0x1  }
0xef: {  	v4 =	vadd.s32 v1, v4;
	_ =	sdelay $0x4  }
0xf0: {  	[tilespmem:s0], [sflag:$0x1] =	stream.indirect_vreg.gather [hbm4b:s20+s19], $0x80, v4, vm0, $0xb8;
	[tilespmem:$0x10800] =	vst v63  }
0xf1: {  	s26 =	simm.s32 $0x1000;
	v3 =	vperm.xlane v3, v2  }
0xf2: {  	[tilespmem:s26], [sflag:$0x1] =	stream.indirect_vreg.gather [hbm4b:s23+s19], $0x80, v4, vm0, $0xb8;
	[tilespmem:$0x10800] =	vst v63  }
0xf3: {  	s29 =	simm.s32 $0x1800;
	v3 =	vadd.s32 v1, v3  }
0xf4: {  	[tilespmem:s29], [sflag:$0x1] =	stream.indirect_vreg.gather [hbm4b:s24+s19], $0x80, v4, vm0, $0xb8;
	[tilespmem:$0x10800] =	vst v63  }
0xf5: {  	s30 =	simm.s32 $0x2000  }
0xf6: {  	[tilespmem:s30], [sflag:$0x1] =	stream.indirect_vreg.gather [hbm4b:s25+s19], $0x80, v4, vm0, $0xb8;
	[tilespmem:$0x10800] =	vst v63  }
0xf7: {  	s31 =	simm.s32 $0x2800  }
0xf8: {  	[tilespmem:s31], [sflag:$0x1] =	stream.indirect_vreg.gather [hbm4b:s20+s19], $0x80, v3, vm0, $0xb8;
	[tilespmem:$0x10800] =	vst v63  }
0xf9: {  	s1 =	simm.s32 $0x3000  }
0xfa: {  	[tilespmem:s1], [sflag:$0x1] =	stream.indirect_vreg.gather [hbm4b:s23+s19], $0x80, v3, vm0, $0xb8;
	[tilespmem:$0x10800] =	vst v63  }
0xfb: {  	s3 =	simm.s32 $0x3800  }
0xfc: {  	[tilespmem:s3], [sflag:$0x1] =	stream.indirect_vreg.gather [hbm4b:s24+s19], $0x80, v3, vm0, $0xb8;
	[tilespmem:$0x10800] =	vst v63  }
0xfd: {  	s4 =	simm.s32 $0x4000  }
0xfe: {  	[tilespmem:s4], [sflag:$0x1] =	stream.indirect_vreg.gather [hbm4b:s25+s19], $0x80, v3, vm0, $0xb8;
	[tilespmem:$0x10800] =	vst v63  }
0xff: {  	v3 =	vld [tilespmem:$0x10];
	_ =	sdelay $0x4  }
0x100: {  	v33 =	vshll.u32 v3, $0x3  }
0x101: {  	v3 =	vand.u32 $0x7, v3;
	v4 =	vand.u32 $0xFFFFFFC0, v33  }
0x102: {  	v3 =	vor.u32 v3, v4  }
0x103: {  	v4 =	vperm.xlane v3, v0;
	_ =	sdelay $0x1  }
0x104: {  	v4 =	vadd.s32 v1, v4;
	_ =	sdelay $0x3  }
0x105: {  	s5 =	simm.s32 $0x4800  }
0x106: {  	[tilespmem:s5], [sflag:$0x1] =	stream.indirect_vreg.gather [hbm4b:s20+s19], $0x80, v4, vm0, $0xb8;
	[tilespmem:$0x10800] =	vst v63  }
0x107: {  	s6 =	simm.s32 $0x5000;
	v3 =	vperm.xlane v3, v2  }
0x108: {  	[tilespmem:s6], [sflag:$0x1] =	stream.indirect_vreg.gather [hbm4b:s23+s19], $0x80, v4, vm0, $0xb8;
	[tilespmem:$0x10800] =	vst v63  }
0x109: {  	s7 =	simm.s32 $0x5800;
	v3 =	vadd.s32 v1, v3  }
0x10a: {  	[tilespmem:s7], [sflag:$0x1] =	stream.indirect_vreg.gather [hbm4b:s24+s19], $0x80, v4, vm0, $0xb8;
	[tilespmem:$0x10800] =	vst v63  }
0x10b: {  	s8 =	simm.s32 $0x6000  }
0x10c: {  	[tilespmem:s8], [sflag:$0x1] =	stream.indirect_vreg.gather [hbm4b:s25+s19], $0x80, v4, vm0, $0xb8;
	[tilespmem:$0x10800] =	vst v63  }
0x10d: {  	s9 =	simm.s32 $0x6800  }
0x10e: {  	[tilespmem:s9], [sflag:$0x1] =	stream.indirect_vreg.gather [hbm4b:s20+s19], $0x80, v3, vm0, $0xb8;
	[tilespmem:$0x10800] =	vst v63  }
0x10f: {  	s10 =	simm.s32 $0x7000  }
0x110: {  	[tilespmem:s10], [sflag:$0x1] =	stream.indirect_vreg.gather [hbm4b:s23+s19], $0x80, v3, vm0, $0xb8;
	[tilespmem:$0x10800] =	vst v63  }
0x111: {  	s11 =	simm.s32 $0x7800  }
0x112: {  	[tilespmem:s11], [sflag:$0x1] =	stream.indirect_vreg.gather [hbm4b:s24+s19], $0x80, v3, vm0, $0xb8;
	[tilespmem:$0x10800] =	vst v63  }
0x113: {  	s12 =	simm.s32 $0x8000  }
0x114: {  	[tilespmem:s12], [sflag:$0x1] =	stream.indirect_vreg.gather [hbm4b:s25+s19], $0x80, v3, vm0, $0xb8;
	[tilespmem:$0x10800] =	vst v63  }
0x115: {  	v3 =	vld [tilespmem:$0x80];
	_ =	sdelay $0x4  }
0x116: {  	v34 =	vshll.u32 v3, $0x3  }
0x117: {  	v3 =	vand.u32 $0x7, v3;
	v4 =	vand.u32 $0xFFFFFFC0, v34  }
0x118: {  	v3 =	vor.u32 v3, v4  }
0x119: {  	v4 =	vperm.xlane v3, v0;
	_ =	sdelay $0x1  }
0x11a: {  	v4 =	vadd.s32 v1, v4;
	_ =	sdelay $0x3  }
0x11b: {  	s1 =	simm.s32 $0x8800  }
0x11c: {  	[tilespmem:s1], [sflag:$0x2] =	stream.indirect_vreg.gather [hbm4b:s20+s19], $0x80, v4, vm0, $0xb8;
	[tilespmem:$0x10800] =	vst v63  }
0x11d: {  	s3 =	simm.s32 $0x9000;
	v3 =	vperm.xlane v3, v2  }
0x11e: {  	[tilespmem:s3], [sflag:$0x2] =	stream.indirect_vreg.gather [hbm4b:s23+s19], $0x80, v4, vm0, $0xb8;
	[tilespmem:$0x10800] =	vst v63  }
0x11f: {  	s4 =	simm.s32 $0x9800;
	v3 =	vadd.s32 v1, v3  }
0x120: {  	[tilespmem:s4], [sflag:$0x2] =	stream.indirect_vreg.gather [hbm4b:s24+s19], $0x80, v4, vm0, $0xb8;
	[tilespmem:$0x10800] =	vst v63  }
0x121: {  	s5 =	simm.s32 $0xA000  }
0x122: {  	[tilespmem:s5], [sflag:$0x2] =	stream.indirect_vreg.gather [hbm4b:s25+s19], $0x80, v4, vm0, $0xb8;
	[tilespmem:$0x10800] =	vst v63  }
0x123: {  	s7 =	simm.s32 $0xA800  }
0x124: {  	[tilespmem:s7], [sflag:$0x2] =	stream.indirect_vreg.gather [hbm4b:s20+s19], $0x80, v3, vm0, $0xb8;
	[tilespmem:$0x10800] =	vst v63  }
0x125: {  	s8 =	simm.s32 $0xB000  }
0x126: {  	[tilespmem:s8], [sflag:$0x2] =	stream.indirect_vreg.gather [hbm4b:s23+s19], $0x80, v3, vm0, $0xb8;
	[tilespmem:$0x10800] =	vst v63  }
0x127: {  	s9 =	simm.s32 $0xB800  }
0x128: {  	[tilespmem:s9], [sflag:$0x2] =	stream.indirect_vreg.gather [hbm4b:s24+s19], $0x80, v3, vm0, $0xb8;
	[tilespmem:$0x10800] =	vst v63  }
0x129: {  	s12 =	simm.s32 $0xC000  }
0x12a: {  	[tilespmem:s12], [sflag:$0x2] =	stream.indirect_vreg.gather [hbm4b:s25+s19], $0x80, v3, vm0, $0xb8;
	[tilespmem:$0x10800] =	vst v63  }
0x12b: {  	v3 =	vld [tilespmem:$0x90];
	_ =	sdelay $0x4  }
0x12c: {  	v35 =	vshll.u32 v3, $0x3  }
0x12d: {  	v3 =	vand.u32 $0x7, v3;
	v4 =	vand.u32 $0xFFFFFFC0, v35  }
0x12e: {  	v3 =	vor.u32 v3, v4  }
0x12f: {  	v4 =	vperm.xlane v3, v0;
	_ =	sdelay $0x1  }
0x130: {  	v4 =	vadd.s32 v1, v4;
	_ =	sdelay $0x3  }
0x131: {  	s3 =	simm.s32 $0xC800  }
0x132: {  	[tilespmem:s3], [sflag:$0x2] =	stream.indirect_vreg.gather [hbm4b:s20+s19], $0x80, v4, vm0, $0xb8;
	[tilespmem:$0x10800] =	vst v63  }
0x133: {  	s4 =	simm.s32 $0xD000;
	v3 =	vperm.xlane v3, v2  }
0x134: {  	[tilespmem:s4], [sflag:$0x2] =	stream.indirect_vreg.gather [hbm4b:s23+s19], $0x80, v4, vm0, $0xb8;
	[tilespmem:$0x10800] =	vst v63  }
0x135: {  	s5 =	simm.s32 $0xD800;
	v3 =	vadd.s32 v1, v3  }
0x136: {  	[tilespmem:s5], [sflag:$0x2] =	stream.indirect_vreg.gather [hbm4b:s24+s19], $0x80, v4, vm0, $0xb8;
	[tilespmem:$0x10800] =	vst v63  }
0x137: {  	s12 =	simm.s32 $0xE000  }
0x138: {  	[tilespmem:s12], [sflag:$0x2] =	stream.indirect_vreg.gather [hbm4b:s25+s19], $0x80, v4, vm0, $0xb8;
	[tilespmem:$0x10800] =	vst v63  }
0x139: {  	s3 =	simm.s32 $0xE800  }
0x13a: {  	[tilespmem:s3], [sflag:$0x2] =	stream.indirect_vreg.gather [hbm4b:s20+s19], $0x80, v3, vm0, $0xb8;
	[tilespmem:$0x10800] =	vst v63  }
0x13b: {  	s4 =	simm.s32 $0xF000  }
0x13c: {  	[tilespmem:s4], [sflag:$0x2] =	stream.indirect_vreg.gather [hbm4b:s23+s19], $0x80, v3, vm0, $0xb8;
	[tilespmem:$0x10800] =	vst v63  }
0x13d: {  	s5 =	simm.s32 $0xF800  }
0x13e: {  	[tilespmem:s5], [sflag:$0x2] =	stream.indirect_vreg.gather [hbm4b:s24+s19], $0x80, v3, vm0, $0xb8;
	[tilespmem:$0x10800] =	vst v63  }
0x13f: {  	s12 =	simm.s32 $0x10000  }
0x140: {  	[tilespmem:s12], [sflag:$0x2] =	stream.indirect_vreg.gather [hbm4b:s25+s19], $0x80, v3, vm0, $0xb8;
	[tilespmem:$0x10800] =	vst v63  }
0x141: {  	_ =	swait.ge [sflag:s28], $0x8000  }
0x142: {  	s3 =	sld [smem:$0x7ED];
	_ =	sdelay $0x2  }
0x143: {  	[sflag:s28] =	ssyncset.done $0x0;
	s5 =	rddreg [dreg:$0x5];
	p3 =	seq.s32 s3, $0x1  }
0x144: {  	[sflag:s28] =	ssyncadd.s32 $0xFFFF8000;
	s3 =	simm.s32 @p3 $0x0;
	s4 =	simm.s32 @p3 $0x800  }
0x145: {  	[hbm4b:s5+s3] =	stream.linear.scatter @p3 [tilespmem:s4], [sflag:$0x3], $0x8000, $0x38;
	[tilespmem:$0x10800] =	vst v63  }
0x146: {  	s3 =	simm.s32 @p3 $0x3  }
0x147: {  	_ =	swait.ge @p3 [sflag:s3], $0x8000  }
0x148: {  	[sflag:s3] =	ssyncset.done @p3 $0x0  }
0x149: {  	[sflag:s3] =	ssyncadd.s32 @p3 $0xFFFF8000  }
0x14a: {  	v3 =	vld [tilespmem:$0x100];
	_ =	sdelay $0x4  }
0x14b: {  	v36 =	vshll.u32 v3, $0x3  }
0x14c: {  	v3 =	vand.u32 $0x7, v3;
	v4 =	vand.u32 $0xFFFFFFC0, v36  }
0x14d: {  	v3 =	vor.u32 v3, v4  }
0x14e: {  	v4 =	vperm.xlane v3, v0;
	_ =	sdelay $0x1  }
0x14f: {  	v4 =	vadd.s32 v1, v4;
	_ =	sdelay $0x3  }
0x150: {  	s31 =	simm.s32 $0x800  }
0x151: {  	[tilespmem:s31], [sflag:$0x1] =	stream.indirect_vreg.gather [hbm4b:s20+s19], $0x80, v4, vm0, $0xb8;
	[tilespmem:$0x10800] =	vst v63  }
0x152: {  	v3 =	vperm.xlane v3, v2;
	s31 =	simm.s32 $0x1000  }
0x153: {  	[tilespmem:s31], [sflag:$0x1] =	stream.indirect_vreg.gather [hbm4b:s23+s19], $0x80, v4, vm0, $0xb8;
	[tilespmem:$0x10800] =	vst v63  }
0x154: {  	s22 =	simm.s32 $0x1800;
	v3 =	vadd.s32 v1, v3  }
0x155: {  	[tilespmem:s22], [sflag:$0x1] =	stream.indirect_vreg.gather [hbm4b:s24+s19], $0x80, v4, vm0, $0xb8;
	[tilespmem:$0x10800] =	vst v63  }
0x156: {  	s30 =	simm.s32 $0x2000  }
0x157: {  	[tilespmem:s30], [sflag:$0x1] =	stream.indirect_vreg.gather [hbm4b:s25+s19], $0x80, v4, vm0, $0xb8;
	[tilespmem:$0x10800] =	vst v63  }
0x158: {  	s26 =	simm.s32 $0x2800  }
0x159: {  	[tilespmem:s26], [sflag:$0x1] =	stream.indirect_vreg.gather [hbm4b:s20+s19], $0x80, v3, vm0, $0xb8;
	[tilespmem:$0x10800] =	vst v63  }
0x15a: {  	s13 =	simm.s32 $0x3000  }
0x15b: {  	[tilespmem:s13], [sflag:$0x1] =	stream.indirect_vreg.gather [hbm4b:s23+s19], $0x80, v3, vm0, $0xb8;
	[tilespmem:$0x10800] =	vst v63  }
0x15c: {  	s14 =	simm.s32 $0x3800  }
0x15d: {  	[tilespmem:s14], [sflag:$0x1] =	stream.indirect_vreg.gather [hbm4b:s24+s19], $0x80, v3, vm0, $0xb8;
	[tilespmem:$0x10800] =	vst v63  }
0x15e: {  	s17 =	simm.s32 $0x4000  }
0x15f: {  	[tilespmem:s17], [sflag:$0x1] =	stream.indirect_vreg.gather [hbm4b:s25+s19], $0x80, v3, vm0, $0xb8;
	[tilespmem:$0x10800] =	vst v63  }
0x160: {  	v3 =	vld [tilespmem:$0x110];
	_ =	sdelay $0x4  }
0x161: {  	v37 =	vshll.u32 v3, $0x3  }
0x162: {  	v3 =	vand.u32 $0x7, v3;
	v4 =	vand.u32 $0xFFFFFFC0, v37  }
0x163: {  	v3 =	vor.u32 v3, v4  }
0x164: {  	v4 =	vperm.xlane v3, v0;
	_ =	sdelay $0x1  }
0x165: {  	v4 =	vadd.s32 v1, v4;
	_ =	sdelay $0x3  }
0x166: {  	s18 =	simm.s32 $0x4800  }
0x167: {  	[tilespmem:s18], [sflag:$0x1] =	stream.indirect_vreg.gather [hbm4b:s20+s19], $0x80, v4, vm0, $0xb8;
	[tilespmem:$0x10800] =	vst v63  }
0x168: {  	s21 =	simm.s32 $0x5000;
	v3 =	vperm.xlane v3, v2  }
0x169: {  	[tilespmem:s21], [sflag:$0x1] =	stream.indirect_vreg.gather [hbm4b:s23+s19], $0x80, v4, vm0, $0xb8;
	[tilespmem:$0x10800] =	vst v63  }
0x16a: {  	s29 =	simm.s32 $0x5800;
	v3 =	vadd.s32 v1, v3  }
0x16b: {  	[tilespmem:s29], [sflag:$0x1] =	stream.indirect_vreg.gather [hbm4b:s24+s19], $0x80, v4, vm0, $0xb8;
	[tilespmem:$0x10800] =	vst v63  }
0x16c: {  	s29 =	simm.s32 $0x6000  }
0x16d: {  	[tilespmem:s29], [sflag:$0x1] =	stream.indirect_vreg.gather [hbm4b:s25+s19], $0x80, v4, vm0, $0xb8;
	[tilespmem:$0x10800] =	vst v63  }
0x16e: {  	s30 =	simm.s32 $0x6800  }
0x16f: {  	[tilespmem:s30], [sflag:$0x1] =	stream.indirect_vreg.gather [hbm4b:s20+s19], $0x80, v3, vm0, $0xb8;
	[tilespmem:$0x10800] =	vst v63  }
0x170: {  	s15 =	simm.s32 $0x7000  }
0x171: {  	[tilespmem:s15], [sflag:$0x1] =	stream.indirect_vreg.gather [hbm4b:s23+s19], $0x80, v3, vm0, $0xb8;
	[tilespmem:$0x10800] =	vst v63  }
0x172: {  	s16 =	simm.s32 $0x7800  }
0x173: {  	[tilespmem:s16], [sflag:$0x1] =	stream.indirect_vreg.gather [hbm4b:s24+s19], $0x80, v3, vm0, $0xb8;
	[tilespmem:$0x10800] =	vst v63  }
0x174: {  	s16 =	simm.s32 $0x8000  }
0x175: {  	[tilespmem:s16], [sflag:$0x1] =	stream.indirect_vreg.gather [hbm4b:s25+s19], $0x80, v3, vm0, $0xb8;
	[tilespmem:$0x10800] =	vst v63  }
0x176: {  	_ =	swait.ge [sflag:s2], $0x8000  }
0x177: {  	s4 =	sld [smem:$0x7EE];
	_ =	sdelay $0x2  }
0x178: {  	[sflag:s2] =	ssyncset.done $0x0;
	s5 =	rddreg [dreg:$0x6];
	p3 =	seq.s32 s4, $0x1  }
0x179: {  	[sflag:s2] =	ssyncadd.s32 $0xFFFF8000;
	s3 =	simm.s32 @p3 $0x0;
	s4 =	simm.s32 @p3 $0x8800  }
0x17a: {  	[hbm4b:s5+s3] =	stream.linear.scatter @p3 [tilespmem:s4], [sflag:$0x3], $0x8000, $0x38;
	[tilespmem:$0x10800] =	vst v63  }
0x17b: {  	s3 =	simm.s32 @p3 $0x3  }
0x17c: {  	_ =	swait.ge @p3 [sflag:s3], $0x8000  }
0x17d: {  	[sflag:s3] =	ssyncset.done @p3 $0x0  }
0x17e: {  	[sflag:s3] =	ssyncadd.s32 @p3 $0xFFFF8000  }
0x17f: {  	v3 =	vld [tilespmem:$0x180];
	_ =	sdelay $0x4  }
0x180: {  	v38 =	vshll.u32 v3, $0x3  }
0x181: {  	v3 =	vand.u32 $0x7, v3;
	v4 =	vand.u32 $0xFFFFFFC0, v38  }
0x182: {  	v3 =	vor.u32 v3, v4  }
0x183: {  	v4 =	vperm.xlane v3, v0;
	_ =	sdelay $0x1  }
0x184: {  	v4 =	vadd.s32 v1, v4;
	_ =	sdelay $0x3  }
0x185: {  	s10 =	simm.s32 $0x8800  }
0x186: {  	[tilespmem:s10], [sflag:$0x2] =	stream.indirect_vreg.gather [hbm4b:s20+s19], $0x80, v4, vm0, $0xb8;
	[tilespmem:$0x10800] =	vst v63  }
0x187: {  	s11 =	simm.s32 $0x9000;
	v3 =	vperm.xlane v3, v2  }
0x188: {  	[tilespmem:s11], [sflag:$0x2] =	stream.indirect_vreg.gather [hbm4b:s23+s19], $0x80, v4, vm0, $0xb8;
	[tilespmem:$0x10800] =	vst v63  }
0x189: {  	s6 =	simm.s32 $0x9800;
	v3 =	vadd.s32 v1, v3  }
0x18a: {  	[tilespmem:s6], [sflag:$0x2] =	stream.indirect_vreg.gather [hbm4b:s24+s19], $0x80, v4, vm0, $0xb8;
	[tilespmem:$0x10800] =	vst v63  }
0x18b: {  	s1 =	simm.s32 $0xA000  }
0x18c: {  	[tilespmem:s1], [sflag:$0x2] =	stream.indirect_vreg.gather [hbm4b:s25+s19], $0x80, v4, vm0, $0xb8;
	[tilespmem:$0x10800] =	vst v63  }
0x18d: {  	s0 =	simm.s32 $0xA800  }
0x18e: {  	[tilespmem:s0], [sflag:$0x2] =	stream.indirect_vreg.gather [hbm4b:s20+s19], $0x80, v3, vm0, $0xb8;
	[tilespmem:$0x10800] =	vst v63  }
0x18f: {  	s0 =	simm.s32 $0xB000  }
0x190: {  	[tilespmem:s0], [sflag:$0x2] =	stream.indirect_vreg.gather [hbm4b:s23+s19], $0x80, v3, vm0, $0xb8;
	[tilespmem:$0x10800] =	vst v63  }
0x191: {  	s6 =	simm.s32 $0xB800  }
0x192: {  	[tilespmem:s6], [sflag:$0x2] =	stream.indirect_vreg.gather [hbm4b:s24+s19], $0x80, v3, vm0, $0xb8;
	[tilespmem:$0x10800] =	vst v63  }
0x193: {  	s7 =	simm.s32 $0xC000  }
0x194: {  	[tilespmem:s7], [sflag:$0x2] =	stream.indirect_vreg.gather [hbm4b:s25+s19], $0x80, v3, vm0, $0xb8;
	[tilespmem:$0x10800] =	vst v63  }
0x195: {  	v3 =	vld [tilespmem:$0x190];
	_ =	sdelay $0x4  }
0x196: {  	v39 =	vshll.u32 v3, $0x3  }
0x197: {  	v3 =	vand.u32 $0x7, v3;
	v4 =	vand.u32 $0xFFFFFFC0, v39  }
0x198: {  	v3 =	vor.u32 v3, v4  }
0x199: {  	v4 =	vperm.xlane v3, v0;
	_ =	sdelay $0x1  }
0x19a: {  	v4 =	vadd.s32 v1, v4;
	_ =	sdelay $0x3  }
0x19b: {  	s8 =	simm.s32 $0xC800  }
0x19c: {  	[tilespmem:s8], [sflag:$0x2] =	stream.indirect_vreg.gather [hbm4b:s20+s19], $0x80, v4, vm0, $0xb8;
	[tilespmem:$0x10800] =	vst v63  }
0x19d: {  	s9 =	simm.s32 $0xD000;
	v3 =	vperm.xlane v3, v2  }
0x19e: {  	[tilespmem:s9], [sflag:$0x2] =	stream.indirect_vreg.gather [hbm4b:s23+s19], $0x80, v4, vm0, $0xb8;
	[tilespmem:$0x10800] =	vst v63  }
0x19f: {  	s7 =	simm.s32 $0xD800;
	v3 =	vadd.s32 v1, v3  }
0x1a0: {  	[tilespmem:s7], [sflag:$0x2] =	stream.indirect_vreg.gather [hbm4b:s24+s19], $0x80, v4, vm0, $0xb8;
	[tilespmem:$0x10800] =	vst v63  }
0x1a1: {  	s8 =	simm.s32 $0xE000  }
0x1a2: {  	[tilespmem:s8], [sflag:$0x2] =	stream.indirect_vreg.gather [hbm4b:s25+s19], $0x80, v4, vm0, $0xb8;
	[tilespmem:$0x10800] =	vst v63  }
0x1a3: {  	s9 =	simm.s32 $0xE800  }
0x1a4: {  	[tilespmem:s9], [sflag:$0x2] =	stream.indirect_vreg.gather [hbm4b:s20+s19], $0x80, v3, vm0, $0xb8;
	[tilespmem:$0x10800] =	vst v63  }
0x1a5: {  	s10 =	simm.s32 $0xF000  }
0x1a6: {  	[tilespmem:s10], [sflag:$0x2] =	stream.indirect_vreg.gather [hbm4b:s23+s19], $0x80, v3, vm0, $0xb8;
	[tilespmem:$0x10800] =	vst v63  }
0x1a7: {  	s11 =	simm.s32 $0xF800  }
0x1a8: {  	[tilespmem:s11], [sflag:$0x2] =	stream.indirect_vreg.gather [hbm4b:s24+s19], $0x80, v3, vm0, $0xb8;
	[tilespmem:$0x10800] =	vst v63  }
0x1a9: {  	s12 =	simm.s32 $0x10000  }
0x1aa: {  	[tilespmem:s12], [sflag:$0x2] =	stream.indirect_vreg.gather [hbm4b:s25+s19], $0x80, v3, vm0, $0xb8;
	[tilespmem:$0x10800] =	vst v63  }
0x1ab: {  	_ =	swait.ge [sflag:s28], $0x8000  }
0x1ac: {  	s5 =	sld [smem:$0x7EF];
	_ =	sdelay $0x1  }
0x1ad: {  	[sflag:s28] =	ssyncset.done $0x0  }
0x1ae: {  	[sflag:s28] =	ssyncadd.s32 $0xFFFF8000;
	p3 =	seq.s32 s5, $0x1  }
0x1af: {  	s5 =	rddreg [dreg:$0x7];
	s3 =	simm.s32 @p3 $0x0;
	s4 =	simm.s32 @p3 $0x800  }
0x1b0: {  	[hbm4b:s5+s3] =	stream.linear.scatter @p3 [tilespmem:s4], [sflag:$0x3], $0x8000, $0x38;
	[tilespmem:$0x10800] =	vst v63  }
0x1b1: {  	s3 =	simm.s32 @p3 $0x3  }
0x1b2: {  	_ =	swait.ge @p3 [sflag:s3], $0x8000  }
0x1b3: {  	[sflag:s3] =	ssyncset.done @p3 $0x0  }
0x1b4: {  	[sflag:s3] =	ssyncadd.s32 @p3 $0xFFFF8000  }
0x1b5: {  	v3 =	vld [tilespmem:$0x200];
	_ =	sdelay $0x4  }
0x1b6: {  	v40 =	vshll.u32 v3, $0x3  }
0x1b7: {  	v3 =	vand.u32 $0x7, v3;
	v4 =	vand.u32 $0xFFFFFFC0, v40  }
0x1b8: {  	v3 =	vor.u32 v3, v4  }
0x1b9: {  	v4 =	vperm.xlane v3, v0;
	_ =	sdelay $0x1  }
0x1ba: {  	v4 =	vadd.s32 v1, v4;
	_ =	sdelay $0x3  }
0x1bb: {  	s4 =	simm.s32 $0x800  }
0x1bc: {  	[tilespmem:s4], [sflag:$0x1] =	stream.indirect_vreg.gather [hbm4b:s20+s19], $0x80, v4, vm0, $0xb8;
	[tilespmem:$0x10800] =	vst v63  }
0x1bd: {  	v3 =	vperm.xlane v3, v2  }
0x1be: {  	[tilespmem:s31], [sflag:$0x1] =	stream.indirect_vreg.gather [hbm4b:s23+s19], $0x80, v4, vm0, $0xb8;
	[tilespmem:$0x10800] =	vst v63  }
0x1bf: {  	s5 =	simm.s32 $0x1800;
	v3 =	vadd.s32 v1, v3  }
0x1c0: {  	[tilespmem:s5], [sflag:$0x1] =	stream.indirect_vreg.gather [hbm4b:s24+s19], $0x80, v4, vm0, $0xb8;
	[tilespmem:$0x10800] =	vst v63  }
0x1c1: {  	s4 =	simm.s32 $0x2000  }
0x1c2: {  	[tilespmem:s4], [sflag:$0x1] =	stream.indirect_vreg.gather [hbm4b:s25+s19], $0x80, v4, vm0, $0xb8;
	[tilespmem:$0x10800] =	vst v63  }
0x1c3: {  	s5 =	simm.s32 $0x2800  }
0x1c4: {  	[tilespmem:s5], [sflag:$0x1] =	stream.indirect_vreg.gather [hbm4b:s20+s19], $0x80, v3, vm0, $0xb8;
	[tilespmem:$0x10800] =	vst v63  }
0x1c5: {  	s4 =	simm.s32 $0x3000  }
0x1c6: {  	[tilespmem:s4], [sflag:$0x1] =	stream.indirect_vreg.gather [hbm4b:s23+s19], $0x80, v3, vm0, $0xb8;
	[tilespmem:$0x10800] =	vst v63  }
0x1c7: {  	s5 =	simm.s32 $0x3800  }
0x1c8: {  	[tilespmem:s5], [sflag:$0x1] =	stream.indirect_vreg.gather [hbm4b:s24+s19], $0x80, v3, vm0, $0xb8;
	[tilespmem:$0x10800] =	vst v63  }
0x1c9: {  	s4 =	simm.s32 $0x4000  }
0x1ca: {  	[tilespmem:s4], [sflag:$0x1] =	stream.indirect_vreg.gather [hbm4b:s25+s19], $0x80, v3, vm0, $0xb8;
	[tilespmem:$0x10800] =	vst v63  }
0x1cb: {  	v3 =	vld [tilespmem:$0x210];
	_ =	sdelay $0x4  }
0x1cc: {  	v41 =	vshll.u32 v3, $0x3  }
0x1cd: {  	v3 =	vand.u32 $0x7, v3;
	v4 =	vand.u32 $0xFFFFFFC0, v41  }
0x1ce: {  	v3 =	vor.u32 v3, v4  }
0x1cf: {  	v4 =	vperm.xlane v3, v0;
	_ =	sdelay $0x1  }
0x1d0: {  	v4 =	vadd.s32 v1, v4;
	_ =	sdelay $0x3  }
0x1d1: {  	s5 =	simm.s32 $0x4800  }
0x1d2: {  	[tilespmem:s5], [sflag:$0x1] =	stream.indirect_vreg.gather [hbm4b:s20+s19], $0x80, v4, vm0, $0xb8;
	[tilespmem:$0x10800] =	vst v63  }
0x1d3: {  	s21 =	simm.s32 $0x5000;
	v3 =	vperm.xlane v3, v2  }
0x1d4: {  	[tilespmem:s21], [sflag:$0x1] =	stream.indirect_vreg.gather [hbm4b:s23+s19], $0x80, v4, vm0, $0xb8;
	[tilespmem:$0x10800] =	vst v63  }
0x1d5: {  	v3 =	vadd.s32 v1, v3;
	s21 =	simm.s32 $0x5800  }
0x1d6: {  	[tilespmem:s21], [sflag:$0x1] =	stream.indirect_vreg.gather [hbm4b:s24+s19], $0x80, v4, vm0, $0xb8;
	[tilespmem:$0x10800] =	vst v63  }
0x1d7: {  	_ = 	snop  }
0x1d8: {  	[tilespmem:s29], [sflag:$0x1] =	stream.indirect_vreg.gather [hbm4b:s25+s19], $0x80, v4, vm0, $0xb8;
	[tilespmem:$0x10800] =	vst v63  }
0x1d9: {  	_ = 	snop  }
0x1da: {  	[tilespmem:s30], [sflag:$0x1] =	stream.indirect_vreg.gather [hbm4b:s20+s19], $0x80, v3, vm0, $0xb8;
	[tilespmem:$0x10800] =	vst v63  }
0x1db: {  	s17 =	simm.s32 $0x7000  }
0x1dc: {  	[tilespmem:s17], [sflag:$0x1] =	stream.indirect_vreg.gather [hbm4b:s23+s19], $0x80, v3, vm0, $0xb8;
	[tilespmem:$0x10800] =	vst v63  }
0x1dd: {  	s18 =	simm.s32 $0x7800  }
0x1de: {  	[tilespmem:s18], [sflag:$0x1] =	stream.indirect_vreg.gather [hbm4b:s24+s19], $0x80, v3, vm0, $0xb8;
	[tilespmem:$0x10800] =	vst v63  }
0x1df: {  	_ = 	snop  }
0x1e0: {  	[tilespmem:s16], [sflag:$0x1] =	stream.indirect_vreg.gather [hbm4b:s25+s19], $0x80, v3, vm0, $0xb8;
	[tilespmem:$0x10800] =	vst v63  }
0x1e1: {  	_ =	swait.ge [sflag:s2], $0x8000  }
0x1e2: {  	s29 =	sld [smem:$0x7F0];
	_ =	sdelay $0x2  }
0x1e3: {  	[sflag:s2] =	ssyncset.done $0x0;
	s5 =	rddreg [dreg:$0x8];
	p3 =	seq.s32 s29, $0x1  }
0x1e4: {  	[sflag:s2] =	ssyncadd.s32 $0xFFFF8000;
	s3 =	simm.s32 @p3 $0x0;
	s4 =	simm.s32 @p3 $0x8800  }
0x1e5: {  	[hbm4b:s5+s3] =	stream.linear.scatter @p3 [tilespmem:s4], [sflag:$0x3], $0x8000, $0x38;
	[tilespmem:$0x10800] =	vst v63  }
0x1e6: {  	s3 =	simm.s32 @p3 $0x3  }
0x1e7: {  	_ =	swait.ge @p3 [sflag:s3], $0x8000  }
0x1e8: {  	[sflag:s3] =	ssyncset.done @p3 $0x0  }
0x1e9: {  	[sflag:s3] =	ssyncadd.s32 @p3 $0xFFFF8000  }
0x1ea: {  	v3 =	vld [tilespmem:$0x280];
	_ =	sdelay $0x4  }
0x1eb: {  	v42 =	vshll.u32 v3, $0x3  }
0x1ec: {  	v3 =	vand.u32 $0x7, v3;
	v4 =	vand.u32 $0xFFFFFFC0, v42  }
0x1ed: {  	v3 =	vor.u32 v3, v4  }
0x1ee: {  	v4 =	vperm.xlane v3, v0;
	_ =	sdelay $0x1  }
0x1ef: {  	v4 =	vadd.s32 v1, v4;
	_ =	sdelay $0x3  }
0x1f0: {  	s22 =	simm.s32 $0x8800  }
0x1f1: {  	[tilespmem:s22], [sflag:$0x2] =	stream.indirect_vreg.gather [hbm4b:s20+s19], $0x80, v4, vm0, $0xb8;
	[tilespmem:$0x10800] =	vst v63  }
0x1f2: {  	s26 =	simm.s32 $0x9000;
	v3 =	vperm.xlane v3, v2  }
0x1f3: {  	[tilespmem:s26], [sflag:$0x2] =	stream.indirect_vreg.gather [hbm4b:s23+s19], $0x80, v4, vm0, $0xb8;
	[tilespmem:$0x10800] =	vst v63  }
0x1f4: {  	s4 =	simm.s32 $0x9800;
	v3 =	vadd.s32 v1, v3  }
0x1f5: {  	[tilespmem:s4], [sflag:$0x2] =	stream.indirect_vreg.gather [hbm4b:s24+s19], $0x80, v4, vm0, $0xb8;
	[tilespmem:$0x10800] =	vst v63  }
0x1f6: {  	_ = 	snop  }
0x1f7: {  	[tilespmem:s1], [sflag:$0x2] =	stream.indirect_vreg.gather [hbm4b:s25+s19], $0x80, v4, vm0, $0xb8;
	[tilespmem:$0x10800] =	vst v63  }
0x1f8: {  	s5 =	simm.s32 $0xA800  }
0x1f9: {  	[tilespmem:s5], [sflag:$0x2] =	stream.indirect_vreg.gather [hbm4b:s20+s19], $0x80, v3, vm0, $0xb8;
	[tilespmem:$0x10800] =	vst v63  }
0x1fa: {  	_ = 	snop  }
0x1fb: {  	[tilespmem:s0], [sflag:$0x2] =	stream.indirect_vreg.gather [hbm4b:s23+s19], $0x80, v3, vm0, $0xb8;
	[tilespmem:$0x10800] =	vst v63  }
0x1fc: {  	_ = 	snop  }
0x1fd: {  	[tilespmem:s6], [sflag:$0x2] =	stream.indirect_vreg.gather [hbm4b:s24+s19], $0x80, v3, vm0, $0xb8;
	[tilespmem:$0x10800] =	vst v63  }
0x1fe: {  	s13 =	simm.s32 $0xC000  }
0x1ff: {  	[tilespmem:s13], [sflag:$0x2] =	stream.indirect_vreg.gather [hbm4b:s25+s19], $0x80, v3, vm0, $0xb8;
	[tilespmem:$0x10800] =	vst v63  }
0x200: {  	v3 =	vld [tilespmem:$0x290];
	_ =	sdelay $0x4  }
0x201: {  	v43 =	vshll.u32 v3, $0x3  }
0x202: {  	v3 =	vand.u32 $0x7, v3;
	v4 =	vand.u32 $0xFFFFFFC0, v43  }
0x203: {  	v3 =	vor.u32 v3, v4  }
0x204: {  	v4 =	vperm.xlane v3, v0;
	_ =	sdelay $0x1  }
0x205: {  	v4 =	vadd.s32 v1, v4;
	_ =	sdelay $0x3  }
0x206: {  	s14 =	simm.s32 $0xC800  }
0x207: {  	[tilespmem:s14], [sflag:$0x2] =	stream.indirect_vreg.gather [hbm4b:s20+s19], $0x80, v4, vm0, $0xb8;
	[tilespmem:$0x10800] =	vst v63  }
0x208: {  	s15 =	simm.s32 $0xD000;
	v3 =	vperm.xlane v3, v2  }
0x209: {  	[tilespmem:s15], [sflag:$0x2] =	stream.indirect_vreg.gather [hbm4b:s23+s19], $0x80, v4, vm0, $0xb8;
	[tilespmem:$0x10800] =	vst v63  }
0x20a: {  	v3 =	vadd.s32 v1, v3  }
0x20b: {  	[tilespmem:s7], [sflag:$0x2] =	stream.indirect_vreg.gather [hbm4b:s24+s19], $0x80, v4, vm0, $0xb8;
	[tilespmem:$0x10800] =	vst v63  }
0x20c: {  	_ = 	snop  }
0x20d: {  	[tilespmem:s8], [sflag:$0x2] =	stream.indirect_vreg.gather [hbm4b:s25+s19], $0x80, v4, vm0, $0xb8;
	[tilespmem:$0x10800] =	vst v63  }
0x20e: {  	_ = 	snop  }
0x20f: {  	[tilespmem:s9], [sflag:$0x2] =	stream.indirect_vreg.gather [hbm4b:s20+s19], $0x80, v3, vm0, $0xb8;
	[tilespmem:$0x10800] =	vst v63  }
0x210: {  	_ = 	snop  }
0x211: {  	[tilespmem:s10], [sflag:$0x2] =	stream.indirect_vreg.gather [hbm4b:s23+s19], $0x80, v3, vm0, $0xb8;
	[tilespmem:$0x10800] =	vst v63  }
0x212: {  	_ = 	snop  }
0x213: {  	[tilespmem:s11], [sflag:$0x2] =	stream.indirect_vreg.gather [hbm4b:s24+s19], $0x80, v3, vm0, $0xb8;
	[tilespmem:$0x10800] =	vst v63  }
0x214: {  	s12 =	simm.s32 $0x10000  }
0x215: {  	[tilespmem:s12], [sflag:$0x2] =	stream.indirect_vreg.gather [hbm4b:s25+s19], $0x80, v3, vm0, $0xb8;
	[tilespmem:$0x10800] =	vst v63  }
0x216: {  	_ =	swait.ge [sflag:s28], $0x8000  }
0x217: {  	s15 =	sld [smem:$0x7F1];
	_ =	sdelay $0x2  }
0x218: {  	[sflag:s28] =	ssyncset.done $0x0;
	s5 =	rddreg [dreg:$0x9];
	p3 =	seq.s32 s15, $0x1  }
0x219: {  	[sflag:s28] =	ssyncadd.s32 $0xFFFF8000;
	s3 =	simm.s32 @p3 $0x0;
	s4 =	simm.s32 @p3 $0x800  }
0x21a: {  	[hbm4b:s5+s3] =	stream.linear.scatter @p3 [tilespmem:s4], [sflag:$0x3], $0x8000, $0x38;
	[tilespmem:$0x10800] =	vst v63  }
0x21b: {  	s3 =	simm.s32 @p3 $0x3  }
0x21c: {  	_ =	swait.ge @p3 [sflag:s3], $0x8000  }
0x21d: {  	[sflag:s3] =	ssyncset.done @p3 $0x0  }
0x21e: {  	[sflag:s3] =	ssyncadd.s32 @p3 $0xFFFF8000  }
0x21f: {  	v3 =	vld [tilespmem:$0x300];
	_ =	sdelay $0x4  }
0x220: {  	v44 =	vshll.u32 v3, $0x3  }
0x221: {  	v3 =	vand.u32 $0x7, v3;
	v4 =	vand.u32 $0xFFFFFFC0, v44  }
0x222: {  	v3 =	vor.u32 v3, v4  }
0x223: {  	v4 =	vperm.xlane v3, v0;
	_ =	sdelay $0x1  }
0x224: {  	v4 =	vadd.s32 v1, v4;
	_ =	sdelay $0x3  }
0x225: {  	s4 =	simm.s32 $0x800  }
0x226: {  	[tilespmem:s4], [sflag:$0x1] =	stream.indirect_vreg.gather [hbm4b:s20+s19], $0x80, v4, vm0, $0xb8;
	[tilespmem:$0x10800] =	vst v63  }
0x227: {  	s31 =	simm.s32 $0x1000;
	v3 =	vperm.xlane v3, v2  }
0x228: {  	[tilespmem:s31], [sflag:$0x1] =	stream.indirect_vreg.gather [hbm4b:s23+s19], $0x80, v4, vm0, $0xb8;
	[tilespmem:$0x10800] =	vst v63  }
0x229: {  	s5 =	simm.s32 $0x1800;
	v3 =	vadd.s32 v1, v3  }
0x22a: {  	[tilespmem:s5], [sflag:$0x1] =	stream.indirect_vreg.gather [hbm4b:s24+s19], $0x80, v4, vm0, $0xb8;
	[tilespmem:$0x10800] =	vst v63  }
0x22b: {  	s15 =	simm.s32 $0x2000  }
0x22c: {  	[tilespmem:s15], [sflag:$0x1] =	stream.indirect_vreg.gather [hbm4b:s25+s19], $0x80, v4, vm0, $0xb8;
	[tilespmem:$0x10800] =	vst v63  }
0x22d: {  	s4 =	simm.s32 $0x2800  }
0x22e: {  	[tilespmem:s4], [sflag:$0x1] =	stream.indirect_vreg.gather [hbm4b:s20+s19], $0x80, v3, vm0, $0xb8;
	[tilespmem:$0x10800] =	vst v63  }
0x22f: {  	s5 =	simm.s32 $0x3000  }
0x230: {  	[tilespmem:s5], [sflag:$0x1] =	stream.indirect_vreg.gather [hbm4b:s23+s19], $0x80, v3, vm0, $0xb8;
	[tilespmem:$0x10800] =	vst v63  }
0x231: {  	s15 =	simm.s32 $0x3800  }
0x232: {  	[tilespmem:s15], [sflag:$0x1] =	stream.indirect_vreg.gather [hbm4b:s24+s19], $0x80, v3, vm0, $0xb8;
	[tilespmem:$0x10800] =	vst v63  }
0x233: {  	s4 =	simm.s32 $0x4000  }
0x234: {  	[tilespmem:s4], [sflag:$0x1] =	stream.indirect_vreg.gather [hbm4b:s25+s19], $0x80, v3, vm0, $0xb8;
	[tilespmem:$0x10800] =	vst v63  }
0x235: {  	v3 =	vld [tilespmem:$0x310];
	_ =	sdelay $0x4  }
0x236: {  	v45 =	vshll.u32 v3, $0x3  }
0x237: {  	v3 =	vand.u32 $0x7, v3;
	v4 =	vand.u32 $0xFFFFFFC0, v45  }
0x238: {  	v3 =	vor.u32 v3, v4  }
0x239: {  	v4 =	vperm.xlane v3, v0;
	_ =	sdelay $0x1  }
0x23a: {  	v4 =	vadd.s32 v1, v4;
	_ =	sdelay $0x3  }
0x23b: {  	s5 =	simm.s32 $0x4800  }
0x23c: {  	[tilespmem:s5], [sflag:$0x1] =	stream.indirect_vreg.gather [hbm4b:s20+s19], $0x80, v4, vm0, $0xb8;
	[tilespmem:$0x10800] =	vst v63  }
0x23d: {  	s15 =	simm.s32 $0x5000;
	v3 =	vperm.xlane v3, v2  }
0x23e: {  	[tilespmem:s15], [sflag:$0x1] =	stream.indirect_vreg.gather [hbm4b:s23+s19], $0x80, v4, vm0, $0xb8;
	[tilespmem:$0x10800] =	vst v63  }
0x23f: {  	s4 =	simm.s32 $0x5800;
	v3 =	vadd.s32 v1, v3  }
0x240: {  	[tilespmem:s4], [sflag:$0x1] =	stream.indirect_vreg.gather [hbm4b:s24+s19], $0x80, v4, vm0, $0xb8;
	[tilespmem:$0x10800] =	vst v63  }
0x241: {  	s21 =	simm.s32 $0x6000  }
0x242: {  	[tilespmem:s21], [sflag:$0x1] =	stream.indirect_vreg.gather [hbm4b:s25+s19], $0x80, v4, vm0, $0xb8;
	[tilespmem:$0x10800] =	vst v63  }
0x243: {  	s30 =	simm.s32 $0x6800  }
0x244: {  	[tilespmem:s30], [sflag:$0x1] =	stream.indirect_vreg.gather [hbm4b:s20+s19], $0x80, v3, vm0, $0xb8;
	[tilespmem:$0x10800] =	vst v63  }
0x245: {  	s5 =	simm.s32 $0x7000  }
0x246: {  	[tilespmem:s5], [sflag:$0x1] =	stream.indirect_vreg.gather [hbm4b:s23+s19], $0x80, v3, vm0, $0xb8;
	[tilespmem:$0x10800] =	vst v63  }
0x247: {  	s21 =	simm.s32 $0x7800  }
0x248: {  	[tilespmem:s21], [sflag:$0x1] =	stream.indirect_vreg.gather [hbm4b:s24+s19], $0x80, v3, vm0, $0xb8;
	[tilespmem:$0x10800] =	vst v63  }
0x249: {  	s17 =	simm.s32 $0x8000  }
0x24a: {  	[tilespmem:s17], [sflag:$0x1] =	stream.indirect_vreg.gather [hbm4b:s25+s19], $0x80, v3, vm0, $0xb8;
	[tilespmem:$0x10800] =	vst v63  }
0x24b: {  	_ =	swait.ge [sflag:s2], $0x8000  }
0x24c: {  	s4 =	sld [smem:$0x7F2];
	_ =	sdelay $0x2  }
0x24d: {  	[sflag:s2] =	ssyncset.done $0x0;
	s5 =	rddreg [dreg:$0xa];
	p3 =	seq.s32 s4, $0x1  }
0x24e: {  	[sflag:s2] =	ssyncadd.s32 $0xFFFF8000;
	s3 =	simm.s32 @p3 $0x0;
	s4 =	simm.s32 @p3 $0x8800  }
0x24f: {  	[hbm4b:s5+s3] =	stream.linear.scatter @p3 [tilespmem:s4], [sflag:$0x3], $0x8000, $0x38;
	[tilespmem:$0x10800] =	vst v63  }
0x250: {  	s3 =	simm.s32 @p3 $0x3  }
0x251: {  	_ =	swait.ge @p3 [sflag:s3], $0x8000  }
0x252: {  	[sflag:s3] =	ssyncset.done @p3 $0x0  }
0x253: {  	[sflag:s3] =	ssyncadd.s32 @p3 $0xFFFF8000  }
0x254: {  	v3 =	vld [tilespmem:$0x380];
	_ =	sdelay $0x4  }
0x255: {  	v46 =	vshll.u32 v3, $0x3  }
0x256: {  	v3 =	vand.u32 $0x7, v3;
	v4 =	vand.u32 $0xFFFFFFC0, v46  }
0x257: {  	v3 =	vor.u32 v3, v4  }
0x258: {  	v4 =	vperm.xlane v3, v0;
	_ =	sdelay $0x1  }
0x259: {  	v4 =	vadd.s32 v1, v4;
	_ =	sdelay $0x3  }
0x25a: {  	s29 =	simm.s32 $0x8800  }
0x25b: {  	[tilespmem:s29], [sflag:$0x2] =	stream.indirect_vreg.gather [hbm4b:s20+s19], $0x80, v4, vm0, $0xb8;
	[tilespmem:$0x10800] =	vst v63  }
0x25c: {  	s16 =	simm.s32 $0x9000;
	v3 =	vperm.xlane v3, v2  }
0x25d: {  	[tilespmem:s16], [sflag:$0x2] =	stream.indirect_vreg.gather [hbm4b:s23+s19], $0x80, v4, vm0, $0xb8;
	[tilespmem:$0x10800] =	vst v63  }
0x25e: {  	s26 =	simm.s32 $0x9800;
	v3 =	vadd.s32 v1, v3  }
0x25f: {  	[tilespmem:s26], [sflag:$0x2] =	stream.indirect_vreg.gather [hbm4b:s24+s19], $0x80, v4, vm0, $0xb8;
	[tilespmem:$0x10800] =	vst v63  }
0x260: {  	s1 =	simm.s32 $0xA000  }
0x261: {  	[tilespmem:s1], [sflag:$0x2] =	stream.indirect_vreg.gather [hbm4b:s25+s19], $0x80, v4, vm0, $0xb8;
	[tilespmem:$0x10800] =	vst v63  }
0x262: {  	s22 =	simm.s32 $0xA800  }
0x263: {  	[tilespmem:s22], [sflag:$0x2] =	stream.indirect_vreg.gather [hbm4b:s20+s19], $0x80, v3, vm0, $0xb8;
	[tilespmem:$0x10800] =	vst v63  }
0x264: {  	s0 =	simm.s32 $0xB000  }
0x265: {  	[tilespmem:s0], [sflag:$0x2] =	stream.indirect_vreg.gather [hbm4b:s23+s19], $0x80, v3, vm0, $0xb8;
	[tilespmem:$0x10800] =	vst v63  }
0x266: {  	s6 =	simm.s32 $0xB800  }
0x267: {  	[tilespmem:s6], [sflag:$0x2] =	stream.indirect_vreg.gather [hbm4b:s24+s19], $0x80, v3, vm0, $0xb8;
	[tilespmem:$0x10800] =	vst v63  }
0x268: {  	s18 =	simm.s32 $0xC000  }
0x269: {  	[tilespmem:s18], [sflag:$0x2] =	stream.indirect_vreg.gather [hbm4b:s25+s19], $0x80, v3, vm0, $0xb8;
	[tilespmem:$0x10800] =	vst v63  }
0x26a: {  	v3 =	vld [tilespmem:$0x390];
	_ =	sdelay $0x4  }
0x26b: {  	v47 =	vshll.u32 v3, $0x3  }
0x26c: {  	v3 =	vand.u32 $0x7, v3;
	v4 =	vand.u32 $0xFFFFFFC0, v47  }
0x26d: {  	v3 =	vor.u32 v3, v4  }
0x26e: {  	v4 =	vperm.xlane v3, v0;
	_ =	sdelay $0x1  }
0x26f: {  	v4 =	vadd.s32 v1, v4;
	_ =	sdelay $0x3  }
0x270: {  	s13 =	simm.s32 $0xC800  }
0x271: {  	[tilespmem:s13], [sflag:$0x2] =	stream.indirect_vreg.gather [hbm4b:s20+s19], $0x80, v4, vm0, $0xb8;
	[tilespmem:$0x10800] =	vst v63  }
0x272: {  	s14 =	simm.s32 $0xD000;
	v3 =	vperm.xlane v3, v2  }
0x273: {  	[tilespmem:s14], [sflag:$0x2] =	stream.indirect_vreg.gather [hbm4b:s23+s19], $0x80, v4, vm0, $0xb8;
	[tilespmem:$0x10800] =	vst v63  }
0x274: {  	s7 =	simm.s32 $0xD800;
	v3 =	vadd.s32 v1, v3  }
0x275: {  	[tilespmem:s7], [sflag:$0x2] =	stream.indirect_vreg.gather [hbm4b:s24+s19], $0x80, v4, vm0, $0xb8;
	[tilespmem:$0x10800] =	vst v63  }
0x276: {  	s8 =	simm.s32 $0xE000  }
0x277: {  	[tilespmem:s8], [sflag:$0x2] =	stream.indirect_vreg.gather [hbm4b:s25+s19], $0x80, v4, vm0, $0xb8;
	[tilespmem:$0x10800] =	vst v63  }
0x278: {  	s9 =	simm.s32 $0xE800  }
0x279: {  	[tilespmem:s9], [sflag:$0x2] =	stream.indirect_vreg.gather [hbm4b:s20+s19], $0x80, v3, vm0, $0xb8;
	[tilespmem:$0x10800] =	vst v63  }
0x27a: {  	s10 =	simm.s32 $0xF000  }
0x27b: {  	[tilespmem:s10], [sflag:$0x2] =	stream.indirect_vreg.gather [hbm4b:s23+s19], $0x80, v3, vm0, $0xb8;
	[tilespmem:$0x10800] =	vst v63  }
0x27c: {  	s11 =	simm.s32 $0xF800  }
0x27d: {  	[tilespmem:s11], [sflag:$0x2] =	stream.indirect_vreg.gather [hbm4b:s24+s19], $0x80, v3, vm0, $0xb8;
	[tilespmem:$0x10800] =	vst v63  }
0x27e: {  	s12 =	simm.s32 $0x10000  }
0x27f: {  	[tilespmem:s12], [sflag:$0x2] =	stream.indirect_vreg.gather [hbm4b:s25+s19], $0x80, v3, vm0, $0xb8;
	[tilespmem:$0x10800] =	vst v63  }
0x280: {  	_ =	swait.ge [sflag:s28], $0x8000  }
0x281: {  	s5 =	sld [smem:$0x7F4];
	_ =	sdelay $0x1  }
0x282: {  	[sflag:s28] =	ssyncset.done $0x0  }
0x283: {  	[sflag:s28] =	ssyncadd.s32 $0xFFFF8000;
	p3 =	seq.s32 s5, $0x1  }
0x284: {  	s5 =	rddreg [dreg:$0xb];
	s3 =	simm.s32 @p3 $0x0;
	s4 =	simm.s32 @p3 $0x800  }
0x285: {  	[hbm4b:s5+s3] =	stream.linear.scatter @p3 [tilespmem:s4], [sflag:$0x3], $0x8000, $0x38;
	[tilespmem:$0x10800] =	vst v63  }
0x286: {  	s3 =	simm.s32 @p3 $0x3  }
0x287: {  	_ =	swait.ge @p3 [sflag:s3], $0x8000  }
0x288: {  	[sflag:s3] =	ssyncset.done @p3 $0x0  }
0x289: {  	[sflag:s3] =	ssyncadd.s32 @p3 $0xFFFF8000  }
0x28a: {  	v3 =	vld [tilespmem:$0x400];
	_ =	sdelay $0x4  }
0x28b: {  	v48 =	vshll.u32 v3, $0x3  }
0x28c: {  	v3 =	vand.u32 $0x7, v3;
	v4 =	vand.u32 $0xFFFFFFC0, v48  }
0x28d: {  	v3 =	vor.u32 v3, v4  }
0x28e: {  	v4 =	vperm.xlane v3, v0;
	_ =	sdelay $0x1  }
0x28f: {  	v4 =	vadd.s32 v1, v4;
	_ =	sdelay $0x3  }
0x290: {  	s14 =	simm.s32 $0x800  }
0x291: {  	[tilespmem:s14], [sflag:$0x1] =	stream.indirect_vreg.gather [hbm4b:s20+s19], $0x80, v4, vm0, $0xb8;
	[tilespmem:$0x10800] =	vst v63  }
0x292: {  	s31 =	simm.s32 $0x1000;
	v3 =	vperm.xlane v3, v2  }
0x293: {  	[tilespmem:s31], [sflag:$0x1] =	stream.indirect_vreg.gather [hbm4b:s23+s19], $0x80, v4, vm0, $0xb8;
	[tilespmem:$0x10800] =	vst v63  }
0x294: {  	v3 =	vadd.s32 v1, v3;
	s31 =	simm.s32 $0x1800  }
0x295: {  	[tilespmem:s31], [sflag:$0x1] =	stream.indirect_vreg.gather [hbm4b:s24+s19], $0x80, v4, vm0, $0xb8;
	[tilespmem:$0x10800] =	vst v63  }
0x296: {  	s4 =	simm.s32 $0x2000  }
0x297: {  	[tilespmem:s4], [sflag:$0x1] =	stream.indirect_vreg.gather [hbm4b:s25+s19], $0x80, v4, vm0, $0xb8;
	[tilespmem:$0x10800] =	vst v63  }
0x298: {  	s5 =	simm.s32 $0x2800  }
0x299: {  	[tilespmem:s5], [sflag:$0x1] =	stream.indirect_vreg.gather [hbm4b:s20+s19], $0x80, v3, vm0, $0xb8;
	[tilespmem:$0x10800] =	vst v63  }
0x29a: {  	s31 =	simm.s32 $0x3000  }
0x29b: {  	[tilespmem:s31], [sflag:$0x1] =	stream.indirect_vreg.gather [hbm4b:s23+s19], $0x80, v3, vm0, $0xb8;
	[tilespmem:$0x10800] =	vst v63  }
0x29c: {  	s4 =	simm.s32 $0x3800  }
0x29d: {  	[tilespmem:s4], [sflag:$0x1] =	stream.indirect_vreg.gather [hbm4b:s24+s19], $0x80, v3, vm0, $0xb8;
	[tilespmem:$0x10800] =	vst v63  }
0x29e: {  	s5 =	simm.s32 $0x4000  }
0x29f: {  	[tilespmem:s5], [sflag:$0x1] =	stream.indirect_vreg.gather [hbm4b:s25+s19], $0x80, v3, vm0, $0xb8;
	[tilespmem:$0x10800] =	vst v63  }
0x2a0: {  	v3 =	vld [tilespmem:$0x410];
	_ =	sdelay $0x4  }
0x2a1: {  	v49 =	vshll.u32 v3, $0x3  }
0x2a2: {  	v3 =	vand.u32 $0x7, v3;
	v4 =	vand.u32 $0xFFFFFFC0, v49  }
0x2a3: {  	v3 =	vor.u32 v3, v4  }
0x2a4: {  	v4 =	vperm.xlane v3, v0;
	_ =	sdelay $0x1  }
0x2a5: {  	v4 =	vadd.s32 v1, v4;
	_ =	sdelay $0x3  }
0x2a6: {  	s31 =	simm.s32 $0x4800  }
0x2a7: {  	[tilespmem:s31], [sflag:$0x1] =	stream.indirect_vreg.gather [hbm4b:s20+s19], $0x80, v4, vm0, $0xb8;
	[tilespmem:$0x10800] =	vst v63  }
0x2a8: {  	s4 =	simm.s32 $0x5000;
	v3 =	vperm.xlane v3, v2  }
0x2a9: {  	[tilespmem:s4], [sflag:$0x1] =	stream.indirect_vreg.gather [hbm4b:s23+s19], $0x80, v4, vm0, $0xb8;
	[tilespmem:$0x10800] =	vst v63  }
0x2aa: {  	s5 =	simm.s32 $0x5800;
	v3 =	vadd.s32 v1, v3  }
0x2ab: {  	[tilespmem:s5], [sflag:$0x1] =	stream.indirect_vreg.gather [hbm4b:s24+s19], $0x80, v4, vm0, $0xb8;
	[tilespmem:$0x10800] =	vst v63  }
0x2ac: {  	s15 =	simm.s32 $0x6000  }
0x2ad: {  	[tilespmem:s15], [sflag:$0x1] =	stream.indirect_vreg.gather [hbm4b:s25+s19], $0x80, v4, vm0, $0xb8;
	[tilespmem:$0x10800] =	vst v63  }
0x2ae: {  	s30 =	simm.s32 $0x6800  }
0x2af: {  	[tilespmem:s30], [sflag:$0x1] =	stream.indirect_vreg.gather [hbm4b:s20+s19], $0x80, v3, vm0, $0xb8;
	[tilespmem:$0x10800] =	vst v63  }
0x2b0: {  	s30 =	simm.s32 $0x7000  }
0x2b1: {  	[tilespmem:s30], [sflag:$0x1] =	stream.indirect_vreg.gather [hbm4b:s23+s19], $0x80, v3, vm0, $0xb8;
	[tilespmem:$0x10800] =	vst v63  }
0x2b2: {  	s31 =	simm.s32 $0x7800  }
0x2b3: {  	[tilespmem:s31], [sflag:$0x1] =	stream.indirect_vreg.gather [hbm4b:s24+s19], $0x80, v3, vm0, $0xb8;
	[tilespmem:$0x10800] =	vst v63  }
0x2b4: {  	s21 =	simm.s32 $0x8000  }
0x2b5: {  	[tilespmem:s21], [sflag:$0x1] =	stream.indirect_vreg.gather [hbm4b:s25+s19], $0x80, v3, vm0, $0xb8;
	[tilespmem:$0x10800] =	vst v63  }
0x2b6: {  	_ =	swait.ge [sflag:s2], $0x8000  }
0x2b7: {  	s4 =	sld [smem:$0x7F6];
	_ =	sdelay $0x2  }
0x2b8: {  	[sflag:s2] =	ssyncset.done $0x0;
	s5 =	rddreg [dreg:$0xc];
	p3 =	seq.s32 s4, $0x1  }
0x2b9: {  	[sflag:s2] =	ssyncadd.s32 $0xFFFF8000;
	s3 =	simm.s32 @p3 $0x0;
	s4 =	simm.s32 @p3 $0x8800  }
0x2ba: {  	[hbm4b:s5+s3] =	stream.linear.scatter @p3 [tilespmem:s4], [sflag:$0x3], $0x8000, $0x38;
	[tilespmem:$0x10800] =	vst v63  }
0x2bb: {  	s3 =	simm.s32 @p3 $0x3  }
0x2bc: {  	_ =	swait.ge @p3 [sflag:s3], $0x8000  }
0x2bd: {  	[sflag:s3] =	ssyncset.done @p3 $0x0  }
0x2be: {  	[sflag:s3] =	ssyncadd.s32 @p3 $0xFFFF8000  }
0x2bf: {  	v3 =	vld [tilespmem:$0x480];
	_ =	sdelay $0x4  }
0x2c0: {  	v50 =	vshll.u32 v3, $0x3  }
0x2c1: {  	v3 =	vand.u32 $0x7, v3;
	v4 =	vand.u32 $0xFFFFFFC0, v50  }
0x2c2: {  	v3 =	vor.u32 v3, v4  }
0x2c3: {  	v4 =	vperm.xlane v3, v0;
	_ =	sdelay $0x1  }
0x2c4: {  	v4 =	vadd.s32 v1, v4;
	_ =	sdelay $0x3  }
0x2c5: {  	s29 =	simm.s32 $0x8800  }
0x2c6: {  	[tilespmem:s29], [sflag:$0x2] =	stream.indirect_vreg.gather [hbm4b:s20+s19], $0x80, v4, vm0, $0xb8;
	[tilespmem:$0x10800] =	vst v63  }
0x2c7: {  	s17 =	simm.s32 $0x9000;
	v3 =	vperm.xlane v3, v2  }
0x2c8: {  	[tilespmem:s17], [sflag:$0x2] =	stream.indirect_vreg.gather [hbm4b:s23+s19], $0x80, v4, vm0, $0xb8;
	[tilespmem:$0x10800] =	vst v63  }
0x2c9: {  	s16 =	simm.s32 $0x9800;
	v3 =	vadd.s32 v1, v3  }
0x2ca: {  	[tilespmem:s16], [sflag:$0x2] =	stream.indirect_vreg.gather [hbm4b:s24+s19], $0x80, v4, vm0, $0xb8;
	[tilespmem:$0x10800] =	vst v63  }
0x2cb: {  	s26 =	simm.s32 $0xA000  }
0x2cc: {  	[tilespmem:s26], [sflag:$0x2] =	stream.indirect_vreg.gather [hbm4b:s25+s19], $0x80, v4, vm0, $0xb8;
	[tilespmem:$0x10800] =	vst v63  }
0x2cd: {  	s22 =	simm.s32 $0xA800  }
0x2ce: {  	[tilespmem:s22], [sflag:$0x2] =	stream.indirect_vreg.gather [hbm4b:s20+s19], $0x80, v3, vm0, $0xb8;
	[tilespmem:$0x10800] =	vst v63  }
0x2cf: {  	s1 =	simm.s32 $0xB000  }
0x2d0: {  	[tilespmem:s1], [sflag:$0x2] =	stream.indirect_vreg.gather [hbm4b:s23+s19], $0x80, v3, vm0, $0xb8;
	[tilespmem:$0x10800] =	vst v63  }
0x2d1: {  	s0 =	simm.s32 $0xB800  }
0x2d2: {  	[tilespmem:s0], [sflag:$0x2] =	stream.indirect_vreg.gather [hbm4b:s24+s19], $0x80, v3, vm0, $0xb8;
	[tilespmem:$0x10800] =	vst v63  }
0x2d3: {  	s18 =	simm.s32 $0xC000  }
0x2d4: {  	[tilespmem:s18], [sflag:$0x2] =	stream.indirect_vreg.gather [hbm4b:s25+s19], $0x80, v3, vm0, $0xb8;
	[tilespmem:$0x10800] =	vst v63  }
0x2d5: {  	v3 =	vld [tilespmem:$0x490];
	_ =	sdelay $0x4  }
0x2d6: {  	v51 =	vshll.u32 v3, $0x3  }
0x2d7: {  	v3 =	vand.u32 $0x7, v3;
	v4 =	vand.u32 $0xFFFFFFC0, v51  }
0x2d8: {  	v3 =	vor.u32 v3, v4  }
0x2d9: {  	v4 =	vperm.xlane v3, v0;
	_ =	sdelay $0x1  }
0x2da: {  	v4 =	vadd.s32 v1, v4;
	_ =	sdelay $0x3  }
0x2db: {  	s6 =	simm.s32 $0xC800  }
0x2dc: {  	[tilespmem:s6], [sflag:$0x2] =	stream.indirect_vreg.gather [hbm4b:s20+s19], $0x80, v4, vm0, $0xb8;
	[tilespmem:$0x10800] =	vst v63  }
0x2dd: {  	s13 =	simm.s32 $0xD000;
	v3 =	vperm.xlane v3, v2  }
0x2de: {  	[tilespmem:s13], [sflag:$0x2] =	stream.indirect_vreg.gather [hbm4b:s23+s19], $0x80, v4, vm0, $0xb8;
	[tilespmem:$0x10800] =	vst v63  }
0x2df: {  	s7 =	simm.s32 $0xD800;
	v3 =	vadd.s32 v1, v3  }
0x2e0: {  	[tilespmem:s7], [sflag:$0x2] =	stream.indirect_vreg.gather [hbm4b:s24+s19], $0x80, v4, vm0, $0xb8;
	[tilespmem:$0x10800] =	vst v63  }
0x2e1: {  	s8 =	simm.s32 $0xE000  }
0x2e2: {  	[tilespmem:s8], [sflag:$0x2] =	stream.indirect_vreg.gather [hbm4b:s25+s19], $0x80, v4, vm0, $0xb8;
	[tilespmem:$0x10800] =	vst v63  }
0x2e3: {  	s9 =	simm.s32 $0xE800  }
0x2e4: {  	[tilespmem:s9], [sflag:$0x2] =	stream.indirect_vreg.gather [hbm4b:s20+s19], $0x80, v3, vm0, $0xb8;
	[tilespmem:$0x10800] =	vst v63  }
0x2e5: {  	s10 =	simm.s32 $0xF000  }
0x2e6: {  	[tilespmem:s10], [sflag:$0x2] =	stream.indirect_vreg.gather [hbm4b:s23+s19], $0x80, v3, vm0, $0xb8;
	[tilespmem:$0x10800] =	vst v63  }
0x2e7: {  	s11 =	simm.s32 $0xF800  }
0x2e8: {  	[tilespmem:s11], [sflag:$0x2] =	stream.indirect_vreg.gather [hbm4b:s24+s19], $0x80, v3, vm0, $0xb8;
	[tilespmem:$0x10800] =	vst v63  }
0x2e9: {  	s12 =	simm.s32 $0x10000  }
0x2ea: {  	[tilespmem:s12], [sflag:$0x2] =	stream.indirect_vreg.gather [hbm4b:s25+s19], $0x80, v3, vm0, $0xb8;
	[tilespmem:$0x10800] =	vst v63  }
0x2eb: {  	_ =	swait.ge [sflag:s28], $0x8000  }
0x2ec: {  	s4 =	simm.s32 @p4 $0x800;
	[sflag:s28] =	ssyncset.done $0x0  }
0x2ed: {  	s3 =	simm.s32 @p4 $0x0;
	s5 =	rddreg [dreg:$0xd];
	[sflag:s28] =	ssyncadd.s32 $0xFFFF8000  }
0x2ee: {  	[hbm4b:s5+s3] =	stream.linear.scatter @p4 [tilespmem:s4], [sflag:$0x3], $0x8000, $0x38;
	[tilespmem:$0x10800] =	vst v63  }
0x2ef: {  	s3 =	simm.s32 @p4 $0x3  }
0x2f0: {  	_ =	swait.ge @p4 [sflag:s3], $0x8000  }
0x2f1: {  	[sflag:s3] =	ssyncset.done @p4 $0x0  }
0x2f2: {  	[sflag:s3] =	ssyncadd.s32 @p4 $0xFFFF8000  }
0x2f3: {  	v3 =	vld [tilespmem:$0x500];
	_ =	sdelay $0x4  }
0x2f4: {  	v52 =	vshll.u32 v3, $0x3  }
0x2f5: {  	v3 =	vand.u32 $0x7, v3;
	v4 =	vand.u32 $0xFFFFFFC0, v52  }
0x2f6: {  	v3 =	vor.u32 v3, v4  }
0x2f7: {  	v4 =	vperm.xlane v3, v0;
	_ =	sdelay $0x1  }
0x2f8: {  	v4 =	vadd.s32 v1, v4;
	_ =	sdelay $0x3  }
0x2f9: {  	s5 =	simm.s32 $0x800  }
0x2fa: {  	[tilespmem:s5], [sflag:$0x1] =	stream.indirect_vreg.gather [hbm4b:s20+s19], $0x80, v4, vm0, $0xb8;
	[tilespmem:$0x10800] =	vst v63  }
0x2fb: {  	s14 =	simm.s32 $0x1000;
	v3 =	vperm.xlane v3, v2  }
0x2fc: {  	[tilespmem:s14], [sflag:$0x1] =	stream.indirect_vreg.gather [hbm4b:s23+s19], $0x80, v4, vm0, $0xb8;
	[tilespmem:$0x10800] =	vst v63  }
0x2fd: {  	s11 =	simm.s32 $0x1800;
	v3 =	vadd.s32 v1, v3  }
0x2fe: {  	[tilespmem:s11], [sflag:$0x1] =	stream.indirect_vreg.gather [hbm4b:s24+s19], $0x80, v4, vm0, $0xb8;
	[tilespmem:$0x10800] =	vst v63  }
0x2ff: {  	s12 =	simm.s32 $0x2000  }
0x300: {  	[tilespmem:s12], [sflag:$0x1] =	stream.indirect_vreg.gather [hbm4b:s25+s19], $0x80, v4, vm0, $0xb8;
	[tilespmem:$0x10800] =	vst v63  }
0x301: {  	s14 =	simm.s32 $0x2800  }
0x302: {  	[tilespmem:s14], [sflag:$0x1] =	stream.indirect_vreg.gather [hbm4b:s20+s19], $0x80, v3, vm0, $0xb8;
	[tilespmem:$0x10800] =	vst v63  }
0x303: {  	s22 =	simm.s32 $0x3000  }
0x304: {  	[tilespmem:s22], [sflag:$0x1] =	stream.indirect_vreg.gather [hbm4b:s23+s19], $0x80, v3, vm0, $0xb8;
	[tilespmem:$0x10800] =	vst v63  }
0x305: {  	s4 =	simm.s32 $0x3800  }
0x306: {  	[tilespmem:s4], [sflag:$0x1] =	stream.indirect_vreg.gather [hbm4b:s24+s19], $0x80, v3, vm0, $0xb8;
	[tilespmem:$0x10800] =	vst v63  }
0x307: {  	s5 =	simm.s32 $0x4000  }
0x308: {  	[tilespmem:s5], [sflag:$0x1] =	stream.indirect_vreg.gather [hbm4b:s25+s19], $0x80, v3, vm0, $0xb8;
	[tilespmem:$0x10800] =	vst v63  }
0x309: {  	v3 =	vld [tilespmem:$0x510];
	_ =	sdelay $0x4  }
0x30a: {  	v53 =	vshll.u32 v3, $0x3  }
0x30b: {  	v3 =	vand.u32 $0x7, v3;
	v4 =	vand.u32 $0xFFFFFFC0, v53  }
0x30c: {  	v3 =	vor.u32 v3, v4  }
0x30d: {  	v4 =	vperm.xlane v3, v0;
	_ =	sdelay $0x1  }
0x30e: {  	v4 =	vadd.s32 v1, v4;
	_ =	sdelay $0x3  }
0x30f: {  	s11 =	simm.s32 $0x4800  }
0x310: {  	[tilespmem:s11], [sflag:$0x1] =	stream.indirect_vreg.gather [hbm4b:s20+s19], $0x80, v4, vm0, $0xb8;
	[tilespmem:$0x10800] =	vst v63  }
0x311: {  	s12 =	simm.s32 $0x5000;
	v3 =	vperm.xlane v3, v2  }
0x312: {  	[tilespmem:s12], [sflag:$0x1] =	stream.indirect_vreg.gather [hbm4b:s23+s19], $0x80, v4, vm0, $0xb8;
	[tilespmem:$0x10800] =	vst v63  }
0x313: {  	s14 =	simm.s32 $0x5800;
	v3 =	vadd.s32 v1, v3  }
0x314: {  	[tilespmem:s14], [sflag:$0x1] =	stream.indirect_vreg.gather [hbm4b:s24+s19], $0x80, v4, vm0, $0xb8;
	[tilespmem:$0x10800] =	vst v63  }
0x315: {  	s15 =	simm.s32 $0x6000  }
0x316: {  	[tilespmem:s15], [sflag:$0x1] =	stream.indirect_vreg.gather [hbm4b:s25+s19], $0x80, v4, vm0, $0xb8;
	[tilespmem:$0x10800] =	vst v63  }
0x317: {  	s15 =	simm.s32 $0x6800  }
0x318: {  	[tilespmem:s15], [sflag:$0x1] =	stream.indirect_vreg.gather [hbm4b:s20+s19], $0x80, v3, vm0, $0xb8;
	[tilespmem:$0x10800] =	vst v63  }
0x319: {  	s22 =	simm.s32 $0x7000  }
0x31a: {  	[tilespmem:s22], [sflag:$0x1] =	stream.indirect_vreg.gather [hbm4b:s23+s19], $0x80, v3, vm0, $0xb8;
	[tilespmem:$0x10800] =	vst v63  }
0x31b: {  	s4 =	simm.s32 $0x7800  }
0x31c: {  	[tilespmem:s4], [sflag:$0x1] =	stream.indirect_vreg.gather [hbm4b:s24+s19], $0x80, v3, vm0, $0xb8;
	[tilespmem:$0x10800] =	vst v63  }
0x31d: {  	s30 =	simm.s32 $0x8000  }
0x31e: {  	[tilespmem:s30], [sflag:$0x1] =	stream.indirect_vreg.gather [hbm4b:s25+s19], $0x80, v3, vm0, $0xb8;
	[tilespmem:$0x10800] =	vst v63  }
0x31f: {  	_ =	swait.ge [sflag:s2], $0x8000  }
0x320: {  	s3 =	simm.s32 @p5 $0x0;
	[sflag:s2] =	ssyncset.done $0x0  }
0x321: {  	s4 =	simm.s32 @p5 $0x8800;
	s5 =	rddreg [dreg:$0xe];
	[sflag:s2] =	ssyncadd.s32 $0xFFFF8000  }
0x322: {  	[hbm4b:s5+s3] =	stream.linear.scatter @p5 [tilespmem:s4], [sflag:$0x3], $0x8000, $0x38;
	[tilespmem:$0x10800] =	vst v63  }
0x323: {  	s3 =	simm.s32 @p5 $0x3  }
0x324: {  	_ =	swait.ge @p5 [sflag:s3], $0x8000  }
0x325: {  	[sflag:s3] =	ssyncset.done @p5 $0x0  }
0x326: {  	[sflag:s3] =	ssyncadd.s32 @p5 $0xFFFF8000  }
0x327: {  	v3 =	vld [tilespmem:$0x580];
	_ =	sdelay $0x4  }
0x328: {  	v54 =	vshll.u32 v3, $0x3  }
0x329: {  	v3 =	vand.u32 $0x7, v3;
	v4 =	vand.u32 $0xFFFFFFC0, v54  }
0x32a: {  	v3 =	vor.u32 v3, v4  }
0x32b: {  	v4 =	vperm.xlane v3, v0;
	_ =	sdelay $0x1  }
0x32c: {  	v4 =	vadd.s32 v1, v4;
	_ =	sdelay $0x3  }
0x32d: {  	s21 =	simm.s32 $0x8800  }
0x32e: {  	[tilespmem:s21], [sflag:$0x2] =	stream.indirect_vreg.gather [hbm4b:s20+s19], $0x80, v4, vm0, $0xb8;
	[tilespmem:$0x10800] =	vst v63  }
0x32f: {  	s31 =	simm.s32 $0x9000;
	v3 =	vperm.xlane v3, v2  }
0x330: {  	[tilespmem:s31], [sflag:$0x2] =	stream.indirect_vreg.gather [hbm4b:s23+s19], $0x80, v4, vm0, $0xb8;
	[tilespmem:$0x10800] =	vst v63  }
0x331: {  	s16 =	simm.s32 $0x9800;
	v3 =	vadd.s32 v1, v3  }
0x332: {  	[tilespmem:s16], [sflag:$0x2] =	stream.indirect_vreg.gather [hbm4b:s24+s19], $0x80, v4, vm0, $0xb8;
	[tilespmem:$0x10800] =	vst v63  }
0x333: {  	s5 =	simm.s32 $0xA000  }
0x334: {  	[tilespmem:s5], [sflag:$0x2] =	stream.indirect_vreg.gather [hbm4b:s25+s19], $0x80, v4, vm0, $0xb8;
	[tilespmem:$0x10800] =	vst v63  }
0x335: {  	s26 =	simm.s32 $0xA800  }
0x336: {  	[tilespmem:s26], [sflag:$0x2] =	stream.indirect_vreg.gather [hbm4b:s20+s19], $0x80, v3, vm0, $0xb8;
	[tilespmem:$0x10800] =	vst v63  }
0x337: {  	s1 =	simm.s32 $0xB000  }
0x338: {  	[tilespmem:s1], [sflag:$0x2] =	stream.indirect_vreg.gather [hbm4b:s23+s19], $0x80, v3, vm0, $0xb8;
	[tilespmem:$0x10800] =	vst v63  }
0x339: {  	s17 =	simm.s32 $0xB800  }
0x33a: {  	[tilespmem:s17], [sflag:$0x2] =	stream.indirect_vreg.gather [hbm4b:s24+s19], $0x80, v3, vm0, $0xb8;
	[tilespmem:$0x10800] =	vst v63  }
0x33b: {  	s29 =	simm.s32 $0xC000  }
0x33c: {  	[tilespmem:s29], [sflag:$0x2] =	stream.indirect_vreg.gather [hbm4b:s25+s19], $0x80, v3, vm0, $0xb8;
	[tilespmem:$0x10800] =	vst v63  }
0x33d: {  	v3 =	vld [tilespmem:$0x590];
	_ =	sdelay $0x4  }
0x33e: {  	v55 =	vshll.u32 v3, $0x3  }
0x33f: {  	v3 =	vand.u32 $0x7, v3;
	v4 =	vand.u32 $0xFFFFFFC0, v55  }
0x340: {  	v3 =	vor.u32 v3, v4  }
0x341: {  	v4 =	vperm.xlane v3, v0;
	_ =	sdelay $0x1  }
0x342: {  	v4 =	vadd.s32 v1, v4;
	_ =	sdelay $0x3  }
0x343: {  	s0 =	simm.s32 $0xC800  }
0x344: {  	[tilespmem:s0], [sflag:$0x2] =	stream.indirect_vreg.gather [hbm4b:s20+s19], $0x80, v4, vm0, $0xb8;
	[tilespmem:$0x10800] =	vst v63  }
0x345: {  	s18 =	simm.s32 $0xD000;
	v3 =	vperm.xlane v3, v2  }
0x346: {  	[tilespmem:s18], [sflag:$0x2] =	stream.indirect_vreg.gather [hbm4b:s23+s19], $0x80, v4, vm0, $0xb8;
	[tilespmem:$0x10800] =	vst v63  }
0x347: {  	s13 =	simm.s32 $0xD800;
	v3 =	vadd.s32 v1, v3  }
0x348: {  	[tilespmem:s13], [sflag:$0x2] =	stream.indirect_vreg.gather [hbm4b:s24+s19], $0x80, v4, vm0, $0xb8;
	[tilespmem:$0x10800] =	vst v63  }
0x349: {  	s6 =	simm.s32 $0xE000  }
0x34a: {  	[tilespmem:s6], [sflag:$0x2] =	stream.indirect_vreg.gather [hbm4b:s25+s19], $0x80, v4, vm0, $0xb8;
	[tilespmem:$0x10800] =	vst v63  }
0x34b: {  	s7 =	simm.s32 $0xE800  }
0x34c: {  	[tilespmem:s7], [sflag:$0x2] =	stream.indirect_vreg.gather [hbm4b:s20+s19], $0x80, v3, vm0, $0xb8;
	[tilespmem:$0x10800] =	vst v63  }
0x34d: {  	s8 =	simm.s32 $0xF000  }
0x34e: {  	[tilespmem:s8], [sflag:$0x2] =	stream.indirect_vreg.gather [hbm4b:s23+s19], $0x80, v3, vm0, $0xb8;
	[tilespmem:$0x10800] =	vst v63  }
0x34f: {  	s9 =	simm.s32 $0xF800  }
0x350: {  	[tilespmem:s9], [sflag:$0x2] =	stream.indirect_vreg.gather [hbm4b:s24+s19], $0x80, v3, vm0, $0xb8;
	[tilespmem:$0x10800] =	vst v63  }
0x351: {  	s10 =	simm.s32 $0x10000  }
0x352: {  	[tilespmem:s10], [sflag:$0x2] =	stream.indirect_vreg.gather [hbm4b:s25+s19], $0x80, v3, vm0, $0xb8;
	[tilespmem:$0x10800] =	vst v63  }
0x353: {  	_ =	swait.ge [sflag:s28], $0x8000  }
0x354: {  	s4 =	simm.s32 @p6 $0x800;
	[sflag:s28] =	ssyncset.done $0x0  }
0x355: {  	s3 =	simm.s32 @p6 $0x0;
	s5 =	rddreg [dreg:$0xf];
	[sflag:s28] =	ssyncadd.s32 $0xFFFF8000  }
0x356: {  	[hbm4b:s5+s3] =	stream.linear.scatter @p6 [tilespmem:s4], [sflag:$0x3], $0x8000, $0x38;
	[tilespmem:$0x10800] =	vst v63  }
0x357: {  	s3 =	simm.s32 @p6 $0x3  }
0x358: {  	_ =	swait.ge @p6 [sflag:s3], $0x8000  }
0x359: {  	[sflag:s3] =	ssyncset.done @p6 $0x0  }
0x35a: {  	[sflag:s3] =	ssyncadd.s32 @p6 $0xFFFF8000  }
0x35b: {  	v3 =	vld [tilespmem:$0x600];
	_ =	sdelay $0x4  }
0x35c: {  	v56 =	vshll.u32 v3, $0x3  }
0x35d: {  	v3 =	vand.u32 $0x7, v3;
	v4 =	vand.u32 $0xFFFFFFC0, v56  }
0x35e: {  	v3 =	vor.u32 v3, v4  }
0x35f: {  	v4 =	vperm.xlane v3, v0;
	_ =	sdelay $0x1  }
0x360: {  	v4 =	vadd.s32 v1, v4;
	_ =	sdelay $0x3  }
0x361: {  	s13 =	simm.s32 $0x800  }
0x362: {  	[tilespmem:s13], [sflag:$0x1] =	stream.indirect_vreg.gather [hbm4b:s20+s19], $0x80, v4, vm0, $0xb8;
	[tilespmem:$0x10800] =	vst v63  }
0x363: {  	s18 =	simm.s32 $0x1000;
	v3 =	vperm.xlane v3, v2  }
0x364: {  	[tilespmem:s18], [sflag:$0x1] =	stream.indirect_vreg.gather [hbm4b:s23+s19], $0x80, v4, vm0, $0xb8;
	[tilespmem:$0x10800] =	vst v63  }
0x365: {  	s4 =	simm.s32 $0x1800;
	v3 =	vadd.s32 v1, v3  }
0x366: {  	[tilespmem:s4], [sflag:$0x1] =	stream.indirect_vreg.gather [hbm4b:s24+s19], $0x80, v4, vm0, $0xb8;
	[tilespmem:$0x10800] =	vst v63  }
0x367: {  	s5 =	simm.s32 $0x2000  }
0x368: {  	[tilespmem:s5], [sflag:$0x1] =	stream.indirect_vreg.gather [hbm4b:s25+s19], $0x80, v4, vm0, $0xb8;
	[tilespmem:$0x10800] =	vst v63  }
0x369: {  	s6 =	simm.s32 $0x2800  }
0x36a: {  	[tilespmem:s6], [sflag:$0x1] =	stream.indirect_vreg.gather [hbm4b:s20+s19], $0x80, v3, vm0, $0xb8;
	[tilespmem:$0x10800] =	vst v63  }
0x36b: {  	s10 =	simm.s32 $0x3000  }
0x36c: {  	[tilespmem:s10], [sflag:$0x1] =	stream.indirect_vreg.gather [hbm4b:s23+s19], $0x80, v3, vm0, $0xb8;
	[tilespmem:$0x10800] =	vst v63  }
0x36d: {  	s13 =	simm.s32 $0x3800  }
0x36e: {  	[tilespmem:s13], [sflag:$0x1] =	stream.indirect_vreg.gather [hbm4b:s24+s19], $0x80, v3, vm0, $0xb8;
	[tilespmem:$0x10800] =	vst v63  }
0x36f: {  	s18 =	simm.s32 $0x4000  }
0x370: {  	[tilespmem:s18], [sflag:$0x1] =	stream.indirect_vreg.gather [hbm4b:s25+s19], $0x80, v3, vm0, $0xb8;
	[tilespmem:$0x10800] =	vst v63  }
0x371: {  	v3 =	vld [tilespmem:$0x610];
	_ =	sdelay $0x4  }
0x372: {  	v57 =	vshll.u32 v3, $0x3  }
0x373: {  	v3 =	vand.u32 $0x7, v3;
	v4 =	vand.u32 $0xFFFFFFC0, v57  }
0x374: {  	v3 =	vor.u32 v3, v4  }
0x375: {  	v4 =	vperm.xlane v3, v0;
	_ =	sdelay $0x1  }
0x376: {  	v4 =	vadd.s32 v1, v4;
	_ =	sdelay $0x3  }
0x377: {  	s4 =	simm.s32 $0x4800  }
0x378: {  	[tilespmem:s4], [sflag:$0x1] =	stream.indirect_vreg.gather [hbm4b:s20+s19], $0x80, v4, vm0, $0xb8;
	[tilespmem:$0x10800] =	vst v63  }
0x379: {  	s5 =	simm.s32 $0x5000;
	v3 =	vperm.xlane v3, v2  }
0x37a: {  	[tilespmem:s5], [sflag:$0x1] =	stream.indirect_vreg.gather [hbm4b:s23+s19], $0x80, v4, vm0, $0xb8;
	[tilespmem:$0x10800] =	vst v63  }
0x37b: {  	s6 =	simm.s32 $0x5800;
	v3 =	vadd.s32 v1, v3  }
0x37c: {  	[tilespmem:s6], [sflag:$0x1] =	stream.indirect_vreg.gather [hbm4b:s24+s19], $0x80, v4, vm0, $0xb8;
	[tilespmem:$0x10800] =	vst v63  }
0x37d: {  	s14 =	simm.s32 $0x6000  }
0x37e: {  	[tilespmem:s14], [sflag:$0x1] =	stream.indirect_vreg.gather [hbm4b:s25+s19], $0x80, v4, vm0, $0xb8;
	[tilespmem:$0x10800] =	vst v63  }
0x37f: {  	s10 =	simm.s32 $0x6800  }
0x380: {  	[tilespmem:s10], [sflag:$0x1] =	stream.indirect_vreg.gather [hbm4b:s20+s19], $0x80, v3, vm0, $0xb8;
	[tilespmem:$0x10800] =	vst v63  }
0x381: {  	s13 =	simm.s32 $0x7000  }
0x382: {  	[tilespmem:s13], [sflag:$0x1] =	stream.indirect_vreg.gather [hbm4b:s23+s19], $0x80, v3, vm0, $0xb8;
	[tilespmem:$0x10800] =	vst v63  }
0x383: {  	s14 =	simm.s32 $0x7800  }
0x384: {  	[tilespmem:s14], [sflag:$0x1] =	stream.indirect_vreg.gather [hbm4b:s24+s19], $0x80, v3, vm0, $0xb8;
	[tilespmem:$0x10800] =	vst v63  }
0x385: {  	s12 =	simm.s32 $0x8000  }
0x386: {  	[tilespmem:s12], [sflag:$0x1] =	stream.indirect_vreg.gather [hbm4b:s25+s19], $0x80, v3, vm0, $0xb8;
	[tilespmem:$0x10800] =	vst v63  }
0x387: {  	_ =	swait.ge [sflag:s2], $0x8000  }
0x388: {  	s3 =	simm.s32 @p2 $0x0;
	[sflag:s2] =	ssyncset.done $0x0  }
0x389: {  	s4 =	simm.s32 @p2 $0x8800;
	s5 =	rddreg [dreg:$0x10];
	[sflag:s2] =	ssyncadd.s32 $0xFFFF8000  }
0x38a: {  	[hbm4b:s5+s3] =	stream.linear.scatter @p2 [tilespmem:s4], [sflag:$0x3], $0x8000, $0x38;
	[tilespmem:$0x10800] =	vst v63  }
0x38b: {  	s3 =	simm.s32 @p2 $0x3  }
0x38c: {  	_ =	swait.ge @p2 [sflag:s3], $0x8000  }
0x38d: {  	[sflag:s3] =	ssyncset.done @p2 $0x0  }
0x38e: {  	[sflag:s3] =	ssyncadd.s32 @p2 $0xFFFF8000  }
0x38f: {  	v3 =	vld [tilespmem:$0x680];
	_ =	sdelay $0x4  }
0x390: {  	v58 =	vshll.u32 v3, $0x3  }
0x391: {  	v3 =	vand.u32 $0x7, v3;
	v4 =	vand.u32 $0xFFFFFFC0, v58  }
0x392: {  	v3 =	vor.u32 v3, v4  }
0x393: {  	v4 =	vperm.xlane v3, v0;
	_ =	sdelay $0x1  }
0x394: {  	v4 =	vadd.s32 v1, v4;
	_ =	sdelay $0x3  }
0x395: {  	s22 =	simm.s32 $0x8800  }
0x396: {  	[tilespmem:s22], [sflag:$0x2] =	stream.indirect_vreg.gather [hbm4b:s20+s19], $0x80, v4, vm0, $0xb8;
	[tilespmem:$0x10800] =	vst v63  }
0x397: {  	s11 =	simm.s32 $0x9000;
	v3 =	vperm.xlane v3, v2  }
0x398: {  	[tilespmem:s11], [sflag:$0x2] =	stream.indirect_vreg.gather [hbm4b:s23+s19], $0x80, v4, vm0, $0xb8;
	[tilespmem:$0x10800] =	vst v63  }
0x399: {  	s15 =	simm.s32 $0x9800;
	v3 =	vadd.s32 v1, v3  }
0x39a: {  	[tilespmem:s15], [sflag:$0x2] =	stream.indirect_vreg.gather [hbm4b:s24+s19], $0x80, v4, vm0, $0xb8;
	[tilespmem:$0x10800] =	vst v63  }
0x39b: {  	s15 =	simm.s32 $0xA000  }
0x39c: {  	[tilespmem:s15], [sflag:$0x2] =	stream.indirect_vreg.gather [hbm4b:s25+s19], $0x80, v4, vm0, $0xb8;
	[tilespmem:$0x10800] =	vst v63  }
0x39d: {  	s22 =	simm.s32 $0xA800  }
0x39e: {  	[tilespmem:s22], [sflag:$0x2] =	stream.indirect_vreg.gather [hbm4b:s20+s19], $0x80, v3, vm0, $0xb8;
	[tilespmem:$0x10800] =	vst v63  }
0x39f: {  	s1 =	simm.s32 $0xB000  }
0x3a0: {  	[tilespmem:s1], [sflag:$0x2] =	stream.indirect_vreg.gather [hbm4b:s23+s19], $0x80, v3, vm0, $0xb8;
	[tilespmem:$0x10800] =	vst v63  }
0x3a1: {  	s30 =	simm.s32 $0xB800  }
0x3a2: {  	[tilespmem:s30], [sflag:$0x2] =	stream.indirect_vreg.gather [hbm4b:s24+s19], $0x80, v3, vm0, $0xb8;
	[tilespmem:$0x10800] =	vst v63  }
0x3a3: {  	s31 =	simm.s32 $0xC000  }
0x3a4: {  	[tilespmem:s31], [sflag:$0x2] =	stream.indirect_vreg.gather [hbm4b:s25+s19], $0x80, v3, vm0, $0xb8;
	[tilespmem:$0x10800] =	vst v63  }
0x3a5: {  	v3 =	vld [tilespmem:$0x690];
	_ =	sdelay $0x4  }
0x3a6: {  	v59 =	vshll.u32 v3, $0x3  }
0x3a7: {  	v3 =	vand.u32 $0x7, v3;
	v4 =	vand.u32 $0xFFFFFFC0, v59  }
0x3a8: {  	v3 =	vor.u32 v3, v4  }
0x3a9: {  	v4 =	vperm.xlane v3, v0;
	_ =	sdelay $0x1  }
0x3aa: {  	v4 =	vadd.s32 v1, v4;
	_ =	sdelay $0x3  }
0x3ab: {  	s17 =	simm.s32 $0xC800  }
0x3ac: {  	[tilespmem:s17], [sflag:$0x2] =	stream.indirect_vreg.gather [hbm4b:s20+s19], $0x80, v4, vm0, $0xb8;
	[tilespmem:$0x10800] =	vst v63  }
0x3ad: {  	s21 =	simm.s32 $0xD000;
	v3 =	vperm.xlane v3, v2  }
0x3ae: {  	[tilespmem:s21], [sflag:$0x2] =	stream.indirect_vreg.gather [hbm4b:s23+s19], $0x80, v4, vm0, $0xb8;
	[tilespmem:$0x10800] =	vst v63  }
0x3af: {  	s0 =	simm.s32 $0xD800;
	v3 =	vadd.s32 v1, v3  }
0x3b0: {  	[tilespmem:s0], [sflag:$0x2] =	stream.indirect_vreg.gather [hbm4b:s24+s19], $0x80, v4, vm0, $0xb8;
	[tilespmem:$0x10800] =	vst v63  }
0x3b1: {  	s16 =	simm.s32 $0xE000  }
0x3b2: {  	[tilespmem:s16], [sflag:$0x2] =	stream.indirect_vreg.gather [hbm4b:s25+s19], $0x80, v4, vm0, $0xb8;
	[tilespmem:$0x10800] =	vst v63  }
0x3b3: {  	s29 =	simm.s32 $0xE800  }
0x3b4: {  	[tilespmem:s29], [sflag:$0x2] =	stream.indirect_vreg.gather [hbm4b:s20+s19], $0x80, v3, vm0, $0xb8;
	[tilespmem:$0x10800] =	vst v63  }
0x3b5: {  	s8 =	simm.s32 $0xF000  }
0x3b6: {  	[tilespmem:s8], [sflag:$0x2] =	stream.indirect_vreg.gather [hbm4b:s23+s19], $0x80, v3, vm0, $0xb8;
	[tilespmem:$0x10800] =	vst v63  }
0x3b7: {  	s9 =	simm.s32 $0xF800  }
0x3b8: {  	[tilespmem:s9], [sflag:$0x2] =	stream.indirect_vreg.gather [hbm4b:s24+s19], $0x80, v3, vm0, $0xb8;
	[tilespmem:$0x10800] =	vst v63  }
0x3b9: {  	s26 =	simm.s32 $0x10000  }
0x3ba: {  	[tilespmem:s26], [sflag:$0x2] =	stream.indirect_vreg.gather [hbm4b:s25+s19], $0x80, v3, vm0, $0xb8;
	[tilespmem:$0x10800] =	vst v63  }
0x3bb: {  	_ =	swait.ge [sflag:s28], $0x8000  }
0x3bc: {  	s4 =	simm.s32 @p1 $0x800;
	[sflag:s28] =	ssyncset.done $0x0  }
0x3bd: {  	s3 =	simm.s32 @p1 $0x0;
	s5 =	rddreg [dreg:$0x11];
	[sflag:s28] =	ssyncadd.s32 $0xFFFF8000  }
0x3be: {  	[hbm4b:s5+s3] =	stream.linear.scatter @p1 [tilespmem:s4], [sflag:$0x3], $0x8000, $0x38;
	[tilespmem:$0x10800] =	vst v63  }
0x3bf: {  	s3 =	simm.s32 @p1 $0x3  }
0x3c0: {  	_ =	swait.ge @p1 [sflag:s3], $0x8000  }
0x3c1: {  	[sflag:s3] =	ssyncset.done @p1 $0x0  }
0x3c2: {  	[sflag:s3] =	ssyncadd.s32 @p1 $0xFFFF8000  }
0x3c3: {  	v3 =	vld [tilespmem:$0x700];
	_ =	sdelay $0x4  }
0x3c4: {  	v60 =	vshll.u32 v3, $0x3  }
0x3c5: {  	v3 =	vand.u32 $0x7, v3;
	v4 =	vand.u32 $0xFFFFFFC0, v60  }
0x3c6: {  	v3 =	vor.u32 v3, v4  }
0x3c7: {  	v4 =	vperm.xlane v3, v0;
	_ =	sdelay $0x1  }
0x3c8: {  	v4 =	vadd.s32 v1, v4;
	_ =	sdelay $0x3  }
0x3c9: {  	s26 =	simm.s32 $0x800  }
0x3ca: {  	[tilespmem:s26], [sflag:$0x1] =	stream.indirect_vreg.gather [hbm4b:s20+s19], $0x80, v4, vm0, $0xb8;
	[tilespmem:$0x10800] =	vst v63  }
0x3cb: {  	s7 =	simm.s32 $0x1000;
	v3 =	vperm.xlane v3, v2  }
0x3cc: {  	[tilespmem:s7], [sflag:$0x1] =	stream.indirect_vreg.gather [hbm4b:s23+s19], $0x80, v4, vm0, $0xb8;
	[tilespmem:$0x10800] =	vst v63  }
0x3cd: {  	s29 =	simm.s32 $0x1800;
	v3 =	vadd.s32 v1, v3  }
0x3ce: {  	[tilespmem:s29], [sflag:$0x1] =	stream.indirect_vreg.gather [hbm4b:s24+s19], $0x80, v4, vm0, $0xb8;
	[tilespmem:$0x10800] =	vst v63  }
0x3cf: {  	s31 =	simm.s32 $0x2000  }
0x3d0: {  	[tilespmem:s31], [sflag:$0x1] =	stream.indirect_vreg.gather [hbm4b:s25+s19], $0x80, v4, vm0, $0xb8;
	[tilespmem:$0x10800] =	vst v63  }
0x3d1: {  	s4 =	simm.s32 $0x2800  }
0x3d2: {  	[tilespmem:s4], [sflag:$0x1] =	stream.indirect_vreg.gather [hbm4b:s20+s19], $0x80, v3, vm0, $0xb8;
	[tilespmem:$0x10800] =	vst v63  }
0x3d3: {  	s5 =	simm.s32 $0x3000  }
0x3d4: {  	[tilespmem:s5], [sflag:$0x1] =	stream.indirect_vreg.gather [hbm4b:s23+s19], $0x80, v3, vm0, $0xb8;
	[tilespmem:$0x10800] =	vst v63  }
0x3d5: {  	s7 =	simm.s32 $0x3800  }
0x3d6: {  	[tilespmem:s7], [sflag:$0x1] =	stream.indirect_vreg.gather [hbm4b:s24+s19], $0x80, v3, vm0, $0xb8;
	[tilespmem:$0x10800] =	vst v63  }
0x3d7: {  	s26 =	simm.s32 $0x4000  }
0x3d8: {  	[tilespmem:s26], [sflag:$0x1] =	stream.indirect_vreg.gather [hbm4b:s25+s19], $0x80, v3, vm0, $0xb8;
	[tilespmem:$0x10800] =	vst v63  }
0x3d9: {  	v3 =	vld [tilespmem:$0x710];
	_ =	sdelay $0x4  }
0x3da: {  	v61 =	vshll.u32 v3, $0x3  }
0x3db: {  	v3 =	vand.u32 $0x7, v3;
	v4 =	vand.u32 $0xFFFFFFC0, v61  }
0x3dc: {  	v3 =	vor.u32 v3, v4  }
0x3dd: {  	v4 =	vperm.xlane v3, v0;
	_ =	sdelay $0x1  }
0x3de: {  	v4 =	vadd.s32 v1, v4;
	_ =	sdelay $0x3  }
0x3df: {  	s29 =	simm.s32 $0x4800  }
0x3e0: {  	[tilespmem:s29], [sflag:$0x1] =	stream.indirect_vreg.gather [hbm4b:s20+s19], $0x80, v4, vm0, $0xb8;
	[tilespmem:$0x10800] =	vst v63  }
0x3e1: {  	s31 =	simm.s32 $0x5000;
	v3 =	vperm.xlane v3, v2  }
0x3e2: {  	[tilespmem:s31], [sflag:$0x1] =	stream.indirect_vreg.gather [hbm4b:s23+s19], $0x80, v4, vm0, $0xb8;
	[tilespmem:$0x10800] =	vst v63  }
0x3e3: {  	s4 =	simm.s32 $0x5800;
	v3 =	vadd.s32 v1, v3  }
0x3e4: {  	[tilespmem:s4], [sflag:$0x1] =	stream.indirect_vreg.gather [hbm4b:s24+s19], $0x80, v4, vm0, $0xb8;
	[tilespmem:$0x10800] =	vst v63  }
0x3e5: {  	s18 =	simm.s32 $0x6000  }
0x3e6: {  	[tilespmem:s18], [sflag:$0x1] =	stream.indirect_vreg.gather [hbm4b:s25+s19], $0x80, v4, vm0, $0xb8;
	[tilespmem:$0x10800] =	vst v63  }
0x3e7: {  	s5 =	simm.s32 $0x6800  }
0x3e8: {  	[tilespmem:s5], [sflag:$0x1] =	stream.indirect_vreg.gather [hbm4b:s20+s19], $0x80, v3, vm0, $0xb8;
	[tilespmem:$0x10800] =	vst v63  }
0x3e9: {  	s7 =	simm.s32 $0x7000  }
0x3ea: {  	[tilespmem:s7], [sflag:$0x1] =	stream.indirect_vreg.gather [hbm4b:s23+s19], $0x80, v3, vm0, $0xb8;
	[tilespmem:$0x10800] =	vst v63  }
0x3eb: {  	s18 =	simm.s32 $0x7800  }
0x3ec: {  	[tilespmem:s18], [sflag:$0x1] =	stream.indirect_vreg.gather [hbm4b:s24+s19], $0x80, v3, vm0, $0xb8;
	[tilespmem:$0x10800] =	vst v63  }
0x3ed: {  	s6 =	simm.s32 $0x8000  }
0x3ee: {  	[tilespmem:s6], [sflag:$0x1] =	stream.indirect_vreg.gather [hbm4b:s25+s19], $0x80, v3, vm0, $0xb8;
	[tilespmem:$0x10800] =	vst v63  }
0x3ef: {  	_ =	swait.ge [sflag:s2], $0x8000  }
0x3f0: {  	s3 =	simm.s32 @p0 $0x0;
	[sflag:s2] =	ssyncset.done $0x0  }
0x3f1: {  	s4 =	simm.s32 @p0 $0x8800;
	s5 =	rddreg [dreg:$0x12];
	[sflag:s2] =	ssyncadd.s32 $0xFFFF8000  }
0x3f2: {  	[hbm4b:s5+s3] =	stream.linear.scatter @p0 [tilespmem:s4], [sflag:$0x3], $0x8000, $0x38;
	[tilespmem:$0x10800] =	vst v63  }
0x3f3: {  	s3 =	simm.s32 @p0 $0x3  }
0x3f4: {  	_ =	swait.ge @p0 [sflag:s3], $0x8000  }
0x3f5: {  	[sflag:s3] =	ssyncset.done @p0 $0x0  }
0x3f6: {  	[sflag:s3] =	ssyncadd.s32 @p0 $0xFFFF8000  }
0x3f7: {  	v3 =	vld [tilespmem:$0x780];
	_ =	sdelay $0x4  }
0x3f8: {  	v62 =	vshll.u32 v3, $0x3  }
0x3f9: {  	v3 =	vand.u32 $0x7, v3;
	v4 =	vand.u32 $0xFFFFFFC0, v62  }
0x3fa: {  	v3 =	vor.u32 v3, v4  }
0x3fb: {  	v4 =	vperm.xlane v3, v0;
	_ =	sdelay $0x1  }
0x3fc: {  	v4 =	vadd.s32 v1, v4;
	_ =	sdelay $0x3  }
0x3fd: {  	s10 =	simm.s32 $0x8800  }
0x3fe: {  	[tilespmem:s10], [sflag:$0x2] =	stream.indirect_vreg.gather [hbm4b:s20+s19], $0x80, v4, vm0, $0xb8;
	[tilespmem:$0x10800] =	vst v63  }
0x3ff: {  	s13 =	simm.s32 $0x9000;
	v3 =	vperm.xlane v3, v2  }
0x400: {  	[tilespmem:s13], [sflag:$0x2] =	stream.indirect_vreg.gather [hbm4b:s23+s19], $0x80, v4, vm0, $0xb8;
	[tilespmem:$0x10800] =	vst v63  }
0x401: {  	s11 =	simm.s32 $0x9800;
	v3 =	vadd.s32 v1, v3  }
0x402: {  	[tilespmem:s11], [sflag:$0x2] =	stream.indirect_vreg.gather [hbm4b:s24+s19], $0x80, v4, vm0, $0xb8;
	[tilespmem:$0x10800] =	vst v63  }
0x403: {  	s26 =	simm.s32 $0xA000  }
0x404: {  	[tilespmem:s26], [sflag:$0x2] =	stream.indirect_vreg.gather [hbm4b:s25+s19], $0x80, v4, vm0, $0xb8;
	[tilespmem:$0x10800] =	vst v63  }
0x405: {  	s29 =	simm.s32 $0xA800  }
0x406: {  	[tilespmem:s29], [sflag:$0x2] =	stream.indirect_vreg.gather [hbm4b:s20+s19], $0x80, v3, vm0, $0xb8;
	[tilespmem:$0x10800] =	vst v63  }
0x407: {  	s12 =	simm.s32 $0xB000  }
0x408: {  	[tilespmem:s12], [sflag:$0x2] =	stream.indirect_vreg.gather [hbm4b:s23+s19], $0x80, v3, vm0, $0xb8;
	[tilespmem:$0x10800] =	vst v63  }
0x409: {  	s22 =	simm.s32 $0xB800  }
0x40a: {  	[tilespmem:s22], [sflag:$0x2] =	stream.indirect_vreg.gather [hbm4b:s24+s19], $0x80, v3, vm0, $0xb8;
	[tilespmem:$0x10800] =	vst v63  }
0x40b: {  	s30 =	simm.s32 $0xC000  }
0x40c: {  	[tilespmem:s30], [sflag:$0x2] =	stream.indirect_vreg.gather [hbm4b:s25+s19], $0x80, v3, vm0, $0xb8;
	[tilespmem:$0x10800] =	vst v63  }
0x40d: {  	v3 =	vld [tilespmem:$0x790];
	_ =	sdelay $0x4  }
0x40e: {  	v63 =	vshll.u32 v3, $0x3  }
0x40f: {  	v3 =	vand.u32 $0x7, v3;
	v4 =	vand.u32 $0xFFFFFFC0, v63  }
0x410: {  	v3 =	vor.u32 v3, v4  }
0x411: {  	v4 =	vperm.xlane v3, v0;
	_ =	sdelay $0x1  }
0x412: {  	v4 =	vadd.s32 v1, v4;
	_ =	sdelay $0x3  }
0x413: {  	s14 =	simm.s32 $0xC800  }
0x414: {  	[tilespmem:s14], [sflag:$0x2] =	stream.indirect_vreg.gather [hbm4b:s20+s19], $0x80, v4, vm0, $0xb8;
	[tilespmem:$0x10800] =	vst v63  }
0x415: {  	s15 =	simm.s32 $0xD000;
	v3 =	vperm.xlane v3, v2  }
0x416: {  	[tilespmem:s15], [sflag:$0x2] =	stream.indirect_vreg.gather [hbm4b:s23+s19], $0x80, v4, vm0, $0xb8;
	[tilespmem:$0x10800] =	vst v63  }
0x417: {  	s1 =	simm.s32 $0xD800;
	v3 =	vadd.s32 v1, v3  }
0x418: {  	[tilespmem:s1], [sflag:$0x2] =	stream.indirect_vreg.gather [hbm4b:s24+s19], $0x80, v4, vm0, $0xb8;
	[tilespmem:$0x10800] =	vst v63  }
0x419: {  	s0 =	simm.s32 $0xE000  }
0x41a: {  	[tilespmem:s0], [sflag:$0x2] =	stream.indirect_vreg.gather [hbm4b:s25+s19], $0x80, v4, vm0, $0xb8;
	[tilespmem:$0x10800] =	vst v63  }
0x41b: {  	s21 =	simm.s32 $0xE800  }
0x41c: {  	[tilespmem:s21], [sflag:$0x2] =	stream.indirect_vreg.gather [hbm4b:s20+s19], $0x80, v3, vm0, $0xb8;
	[tilespmem:$0x10800] =	vst v63  }
0x41d: {  	s17 =	simm.s32 $0xF000  }
0x41e: {  	[tilespmem:s17], [sflag:$0x2] =	stream.indirect_vreg.gather [hbm4b:s23+s19], $0x80, v3, vm0, $0xb8;
	[tilespmem:$0x10800] =	vst v63  }
0x41f: {  	s8 =	simm.s32 $0xF800  }
0x420: {  	[tilespmem:s8], [sflag:$0x2] =	stream.indirect_vreg.gather [hbm4b:s24+s19], $0x80, v3, vm0, $0xb8;
	[tilespmem:$0x10800] =	vst v63  }
0x421: {  	s9 =	simm.s32 $0x10000  }
0x422: {  	[tilespmem:s9], [sflag:$0x2] =	stream.indirect_vreg.gather [hbm4b:s25+s19], $0x80, v3, vm0, $0xb8;
	[tilespmem:$0x10800] =	vst v63  }
0x423: {  	_ =	swait.ge [sflag:s28], $0x8000  }
0x424: {  	s31 =	sld [smem:$0x7FC];
	_ =	sdelay $0x2  }
0x425: {  	p3 =	seq.s32 s31, $0x1  }
.Ltmp2:
0x426: {  	_ = 	snop;
	(pc) =	sbr.rel @p3 .LBB2_6-.Ltmp2, $3  }
0x427: {  	_ =	sdelay $0x1  }
0x428: {  	[sflag:s28] =	ssyncset.done $0x0  }
0x429: {  	s16 =	simm.s32 $0x800;
	s6 =	simm.s32 $0x8800;
	[sflag:s28] =	ssyncadd.s32 $0xFFFF8000  }
0x42a: {  	s0 =	sld [smem:$0x7EA];
	_ =	sdelay $0x2  }
0x42b: {  	p3 =	seq.s32 s0, $0x1  }
0x42c: {  	s5 =	rddreg [dreg:$0x15];
	s3 =	simm.s32 @p3 $0x0;
	s4 =	simm.s32 @p3 $0x800  }
0x42d: {  	[hbm4b:s5+s3] =	stream.linear.scatter @p3 [tilespmem:s4], [sflag:$0x3], $0x8000, $0x38;
	[tilespmem:$0x10800] =	vst v63  }
0x42e: {  	s3 =	simm.s32 @p3 $0x3  }
0x42f: {  	_ =	swait.ge @p3 [sflag:s3], $0x8000  }
0x430: {  	[sflag:s3] =	ssyncset.done @p3 $0x0  }
0x431: {  	[sflag:s3] =	ssyncadd.s32 @p3 $0xFFFF8000  }
0x432: {  	_ =	swait.ge [sflag:s2], $0x8000  }
0x433: {  	s31 =	sld [smem:$0x7EB];
	_ =	sdelay $0x2  }
0x434: {  	p3 =	seq.s32 s31, $0x1  }
.Ltmp3:
0x435: {  	_ = 	snop;
	(pc) =	sbr.rel @!p3 .LBB2_4-.Ltmp3, $4  }
.Ltmp4:
0x436: {  	_ = 	snop;
	(pc) =	sbr.rel @p3 .LBB2_3-.Ltmp4, $4  }
0x437: {  	_ = 	snop  }
0x438: {  	s0 =	simm.s32 $0x800;
	[sflag:s2] =	ssyncset.done $0x0;
	s3 =	rddreg [dreg:$0x16]  }
0x439: {  	s4 =	simm.s32 $0x3;
	s1 =	rddreg [dreg:$0x17];
	[sflag:s2] =	ssyncadd.s32 $0xFFFF8000  }
0x43a: {  	_ = 	snop  }
.LBB2_5:
0x43b: {  	_ =	sfence.sel $0x180000  }
0x43c: {  	[bflag:$0x0] =	sbarrier.arrive $0xFFFF  }
0x43d: {  	_ =	strace $0x90000047  }
0x43e: {  	s0 =	stileid.u32;
	[bflag:$0x2] =	sbarrier.arrive $0xFFFF  }
0x43f: {  	p0 =	sne.s32 s0, $0x0;
	s0 =	rddreg [dreg:$0x3]  }
0x440: {  	s0 =	sadd.s32 @!p0 $0x100000, s0  }
0x441: {  	[sflag:s0] =	ssyncadd.tile.s32 @!p0 $0x1;
	_ =	shalt  }
.Lfunc_end2:
_tile_overlayer_lowered:
.L_overlay_start_2:
0x442: {  	(tag) =	ssettag $0x2  }
0x443: {  	s0 =	rddreg [dreg:$0x0];
	s2 =	stileid.u32  }
0x444: {  	s1 =	rddreg [dreg:$0x1];
	p0 =	sne.s32 s2, $0x0  }
0x445: {  	s3 =	rddreg [dreg:$0x2];
	[bflag:$0x3] =	sbarrier.arrive $0xFFFF;
	s2 =	simm.s32 @!p0 $0x1C03  }
0x446: {  	[timem:s3], [sflag:s2] =	dma.local @!p0 [hbm:s0], s1  }
0x447: {  	s0 =	simm.s32 @!p0 $0x3  }
0x448: {  	_ =	swait.ge @!p0 [sflag:s0], s1  }
0x449: {  	s1 =	ssub.s32 @!p0 $0x0, s1;
	[sflag:s0] =	ssyncset.done @!p0 $0x0  }
0x44a: {  	[sflag:s0] =	ssyncadd.s32 @!p0 s1  }
0x44b: {  	[bflag:$0x3] =	sbarrier.arrive $0xFFFF  }
0x44c: {  	_ =	shalt  }

</sc_bundles>
